<compile_context>
chip_gen: v7x
topology: tpu7x:2x2x1
jax: 0.10.2.dev20260603
libtpu: 0.0.44.dev20260713+nightly
codegen_flags: <defaults>
</compile_context>

<pallas_src>
import functools

import jax
import jax.numpy as jnp
from jax import lax
from jax.experimental import pallas as pl
from jax.experimental.pallas import tpu as pltpu
from jax.experimental.pallas import tpu_sc as plsc

N = 10000
IN_CH = 128
HID = 64
E = 320000

NC, NS = 2, 16
NW = NC * NS
BATCH = 125
EDGE_ROWS = E // BATCH
ROWS_PER_WORKER = EDGE_ROWS // NW
RCHUNK = 2
CHUNKS = ROWS_PER_WORKER // RCHUNK
NPAD = 10240
SLICE = NPAD // NS

_sc_mesh = plsc.VectorSubcoreMesh(core_axis_name="c", subcore_axis_name="s")


@functools.partial(
    pl.kernel,
    out_type=jax.ShapeDtypeStruct((NC, NPAD), jnp.float32),
    mesh=_sc_mesh,
    scratch_types=[
        pltpu.VMEM((ROWS_PER_WORKER, BATCH), jnp.int32),
        pltpu.VMEM((BATCH,), jnp.float32),
        pltpu.VMEM_SHARED((NPAD,), jnp.float32),
        pltpu.SemaphoreType.DMA,
    ],
    compiler_params=pltpu.CompilerParams(use_tc_tiling_on_sc=False),
)
def _deg_kernel(dst_hbm, zeros_hbm, ones_hbm, out_hbm, idx_v, ones_v, deg_sp,
                sem):
    c = lax.axis_index("c")
    s = lax.axis_index("s")
    row0 = (c * NS + s) * ROWS_PER_WORKER
    pltpu.sync_copy(dst_hbm.at[pl.ds(row0, ROWS_PER_WORKER)], idx_v)
    pltpu.sync_copy(zeros_hbm.at[pl.ds(0, SLICE)],
                    deg_sp.at[pl.ds(s * SLICE, SLICE)])
    pltpu.sync_copy(ones_hbm, ones_v)
    plsc.subcore_barrier()

    def fire(k, carry):
        pltpu.async_copy(ones_v, deg_sp.at[idx_v.at[k]], sem, add=True)
        return carry

    lax.fori_loop(0, ROWS_PER_WORKER, fire, 0)

    def drain(k, carry):
        pltpu.make_async_copy(ones_v, deg_sp.at[idx_v.at[k]], sem).wait()
        return carry

    lax.fori_loop(0, ROWS_PER_WORKER, drain, 0)
    plsc.subcore_barrier()
    pltpu.sync_copy(deg_sp.at[pl.ds(s * SLICE, SLICE)],
                    out_hbm.at[c].at[pl.ds(s * SLICE, SLICE)])


@functools.partial(
    pl.kernel,
    out_type=jax.ShapeDtypeStruct((NC, NPAD, HID), jnp.float32),
    mesh=_sc_mesh,
    scratch_types=[
        pltpu.VMEM((ROWS_PER_WORKER, BATCH), jnp.int32),
        pltpu.VMEM((ROWS_PER_WORKER, BATCH), jnp.int32),
        pltpu.VMEM((3, RCHUNK * BATCH, HID), jnp.float32),
        pltpu.VMEM_SHARED((NPAD, HID), jnp.float32),
        pltpu.SemaphoreType.DMA,
        pltpu.SemaphoreType.DMA,
        pltpu.SemaphoreType.DMA,
        pltpu.SemaphoreType.DMA,
        pltpu.SemaphoreType.DMA,
        pltpu.SemaphoreType.DMA,
    ],
    compiler_params=pltpu.CompilerParams(use_tc_tiling_on_sc=False),
)
def _agg_kernel(src_hbm, dst_hbm, hn_hbm, zrows_hbm, out_hbm,
                src_v, dst_v, rows_v, agg_sp, g0, g1, g2, s0, s1, s2):
    c = lax.axis_index("c")
    s = lax.axis_index("s")
    row0 = (c * NS + s) * ROWS_PER_WORKER
    pltpu.sync_copy(src_hbm.at[pl.ds(row0, ROWS_PER_WORKER)], src_v)
    pltpu.sync_copy(dst_hbm.at[pl.ds(row0, ROWS_PER_WORKER)], dst_v)
    pltpu.sync_copy(zrows_hbm, agg_sp.at[pl.ds(s * SLICE, SLICE)])
    plsc.subcore_barrier()
    gsems = (g0, g1, g2)
    ssems = (s0, s1, s2)

    def fire_g(k, b):
        for j in range(RCHUNK):
            pltpu.async_copy(hn_hbm.at[src_v.at[k * RCHUNK + j]],
                             rows_v.at[b].at[pl.ds(j * BATCH, BATCH)], gsems[b])

    def drain_g(b):
        pltpu.make_async_copy(hn_hbm.at[pl.ds(0, RCHUNK * BATCH)],
                              rows_v.at[b], gsems[b]).wait()

    def fire_s(k, b):
        for j in range(RCHUNK):
            pltpu.async_copy(rows_v.at[b].at[pl.ds(j * BATCH, BATCH)],
                             agg_sp.at[dst_v.at[k * RCHUNK + j]],
                             ssems[b], add=True)

    def drain_s(b):
        pltpu.make_async_copy(hn_hbm.at[pl.ds(0, RCHUNK * BATCH)],
                              rows_v.at[b], ssems[b]).wait()

    fire_g(0, 0)
    fire_g(1, 1)
    fire_g(2, 2)
    drain_g(0)
    fire_s(0, 0)

    def step(k, b):
        drain_s((b + 2) % 3)
        fire_g(k + 2, (b + 2) % 3)
        drain_g(b)
        fire_s(k, b)

    def body(p, carry):
        k = 3 * p + 1
        step(k, 1)
        step(k + 1, 2)
        step(k + 2, 0)
        return carry

    lax.fori_loop(0, (CHUNKS - 4) // 3, body, 0)
    step(CHUNKS - 3, (CHUNKS - 3) % 3)
    drain_g((CHUNKS - 2) % 3)
    fire_s(CHUNKS - 2, (CHUNKS - 2) % 3)
    drain_g((CHUNKS - 1) % 3)
    fire_s(CHUNKS - 1, (CHUNKS - 1) % 3)
    drain_s(0)
    drain_s(1)
    drain_s(2)
    plsc.subcore_barrier()
    pltpu.sync_copy(agg_sp.at[pl.ds(s * SLICE, SLICE)],
                    out_hbm.at[c].at[pl.ds(s * SLICE, SLICE)])


def _prep_body(degp_ref, x_ref, w1_ref, hn_ref, dinv_ref):
    deg = degp_ref[:, 0:1] + degp_ref[:, 1:2] + 1.0
    dinv = 1.0 / jnp.sqrt(deg)
    dinv_ref[...] = dinv
    h = jnp.dot(x_ref[...], w1_ref[...], preferred_element_type=jnp.float32)
    hn_ref[...] = h * dinv


def _mid_body(aggp_ref, hn_ref, dinv_ref, b_ref, w2_ref, out_ref):
    agg = aggp_ref[0, :N, :] + aggp_ref[1, :N, :]
    dinv = dinv_ref[...]
    a = jnp.maximum(dinv * (agg + hn_ref[...]) + b_ref[...], 0.0)
    h = jnp.dot(a, w2_ref[...], preferred_element_type=jnp.float32)
    out_ref[...] = h * dinv


def _fin_body(aggp_ref, hn_ref, dinv_ref, b_ref, wfc_ref, bfc_ref, out_ref):
    agg = aggp_ref[0, :N, :] + aggp_ref[1, :N, :]
    a = jnp.maximum(dinv_ref[...] * (agg + hn_ref[...]) + b_ref[...], 0.0)
    s = a[0:625]
    for i in range(1, 16):
        s = s + a[i * 625:(i + 1) * 625]
    t = s[0:125]
    for i in range(1, 5):
        t = t + s[i * 125:(i + 1) * 125]
    g = jnp.sum(t, axis=0, keepdims=True) * (1.0 / N)
    out_ref[...] = (jnp.sum(g * wfc_ref[...], axis=1, keepdims=True)
                    + bfc_ref[...])


_prep = pl.pallas_call(
    _prep_body,
    out_shape=(jax.ShapeDtypeStruct((N, HID), jnp.float32),
               jax.ShapeDtypeStruct((N, 1), jnp.float32)),
)
_mid = pl.pallas_call(
    _mid_body,
    out_shape=jax.ShapeDtypeStruct((N, HID), jnp.float32),
)
_fin = pl.pallas_call(
    _fin_body,
    out_shape=jax.ShapeDtypeStruct((1, 1), jnp.float32),
)


def kernel(x, edge_index, W1, b1, W2, b2, Wfc, bfc):
    ei32 = edge_index.astype(jnp.int32).reshape(2, EDGE_ROWS, BATCH)
    src2 = ei32[0]
    dst2 = ei32[1]

    zeros1 = jnp.zeros((SLICE,), jnp.float32)
    ones1 = jnp.ones((BATCH,), jnp.float32)
    zrows = jnp.zeros((SLICE, HID), jnp.float32)

    degp = _deg_kernel(dst2, zeros1, ones1)
    degp_col = degp.T[:N]

    hn1, dinv = _prep(degp_col, x, W1)
    agg1 = _agg_kernel(src2, dst2, hn1, zrows)
    hn2 = _mid(agg1, hn1, dinv, b1.reshape(1, HID), W2)
    agg2 = _agg_kernel(src2, dst2, hn2, zrows)
    out = _fin(agg2, hn2, dinv, b2.reshape(1, HID), Wfc.reshape(1, HID),
               bfc.reshape(1, 1))
    return out

# --- scband reference (transcript-rebuilt; emitter-appended) ---
"""Pipeline reference for scband-landmark-gnn-52295521796621 (READ-ONLY COPY).

The authoritative reference and input builder live on the scoring server;
editing this copy changes nothing except your own understanding.
"""

import jax, jax.numpy as jnp
import numpy as np

NUM_NODES = 10000
IN_CH = 128
HID = 64
OUT = 1


def setup_inputs(seed: int = 0) -> dict:
    key = jax.random.key(seed)
    ks = jax.random.split(key, 8)
    x = jax.random.normal(ks[0], (NUM_NODES, IN_CH), dtype=jnp.float32)
    edge_index = jax.random.randint(ks[1], (2, 320000), 0, NUM_NODES, dtype=jnp.int64)
    W1 = jax.random.normal(ks[2], (IN_CH, HID), dtype=jnp.float32) * (1.0 / np.sqrt(IN_CH))
    b1 = jnp.zeros((HID,), dtype=jnp.float32)
    W2 = jax.random.normal(ks[3], (HID, HID), dtype=jnp.float32) * (1.0 / np.sqrt(HID))
    b2 = jnp.zeros((HID,), dtype=jnp.float32)
    Wfc = jax.random.normal(ks[4], (HID, OUT), dtype=jnp.float32) * (1.0 / np.sqrt(HID))
    bfc = jnp.zeros((OUT,), dtype=jnp.float32)
    return {"x": x, "edge_index": edge_index, "W1": W1, "b1": b1, "W2": W2, "b2": b2, "Wfc": Wfc, "bfc": bfc}


def _gcn_conv(x, src, dst, W, b, num_nodes):
    # symmetric-normalized GCN with self-loops: D^{-1/2}(A+I)D^{-1/2} X W + b
    loop = jnp.arange(num_nodes, dtype=src.dtype)
    src_sl = jnp.concatenate([src, loop])
    dst_sl = jnp.concatenate([dst, loop])
    deg = jnp.zeros((num_nodes,), dtype=x.dtype).at[dst_sl].add(1.0)
    dinv = jnp.where(deg > 0, 1.0 / jnp.sqrt(deg), 0.0)
    norm = dinv[src_sl] * dinv[dst_sl]
    h = x @ W
    msg = h[src_sl] * norm[:, None]
    out = jnp.zeros((num_nodes, W.shape[1]), dtype=x.dtype).at[dst_sl].add(msg)
    return out + b


def reference(x, edge_index, W1, b1, W2, b2, Wfc, bfc):
    src = edge_index[0]
    dst = edge_index[1]
    h = _gcn_conv(x, src, dst, W1, b1, NUM_NODES)
    h = jax.nn.relu(h)
    h = _gcn_conv(h, src, dst, W2, b2, NUM_NODES)
    h = jax.nn.relu(h)
    # no batch attribute -> global mean over all nodes, keepdim
    g = jnp.mean(h, axis=0, keepdims=True)
    out = g @ Wfc + bfc
    return out

if __name__ == "__main__":
    import jax
    _d = setup_inputs()
    print(jax.jit(kernel)(*tuple(_d.values())))

</pallas_src>

<mosaic_0001>
#map = affine_map<(d0, d1) -> (0, 0)>
#map1 = affine_map<(d0, d1) -> (0, 0, 0)>
module attributes {stable_mosaic.version = 14 : i64} {
  func.func @_agg_kernel(%arg0: i32, %arg1: i32, %arg2: memref<2560x125xi32, #tpu.memory_space<hbm>>, %arg3: memref<2560x125xi32, #tpu.memory_space<hbm>>, %arg4: memref<10000x64xf32, #tpu.memory_space<hbm>>, %arg5: memref<640x64xf32, #tpu.memory_space<hbm>>, %arg6: memref<2x10240x64xf32, #tpu.memory_space<hbm>>, %arg7: memref<80x125xi32, #tpu.memory_space<vmem>>, %arg8: memref<80x125xi32, #tpu.memory_space<vmem>>, %arg9: memref<3x250x64xf32, #tpu.memory_space<vmem>>, %arg10: memref<10240x64xf32, #tpu.memory_space<vmem_shared>>, %arg11: memref<!tpu.dma_semaphore, #tpu.memory_space<semaphore_mem>>, %arg12: memref<!tpu.dma_semaphore, #tpu.memory_space<semaphore_mem>>, %arg13: memref<!tpu.dma_semaphore, #tpu.memory_space<semaphore_mem>>, %arg14: memref<!tpu.dma_semaphore, #tpu.memory_space<semaphore_mem>>, %arg15: memref<!tpu.dma_semaphore, #tpu.memory_space<semaphore_mem>>, %arg16: memref<!tpu.dma_semaphore, #tpu.memory_space<semaphore_mem>>) attributes {dimension_semantics = [#tpu.dimension_semantics<core_parallel>, #tpu.dimension_semantics<subcore_parallel>], iteration_bounds = array<i64: 2, 16>, scalar_prefetch = 0 : i64, scratch_operands = 10 : i64, tpu.core_type = #tpu.core_type<sc_vector_subcore>, window_params = [{transform_indices = #map}, {transform_indices = #map}, {transform_indices = #map}, {transform_indices = #map}, {transform_indices = #map1}]} {
    %mul3A = arith.constant 16 : i32
    %mul3A_0 = arith.muli %arg0, %mul3A : i32
    %add3A = arith.addi %mul3A_0, %arg1 : i32
    %mul3A_1 = arith.constant 80 : i32
    %mul3A_2 = arith.muli %add3A, %mul3A_1 : i32
    "tpu.region"() ({
      %run_scoped3A = tpu.sem_alloc : memref<!tpu.dma_semaphore, #tpu.memory_space<semaphore_mem>>
      %dma_start3A_373 = arith.constant 0 : i32
      %dma_start3A_374 = tpu.memref_slice %arg2[%mul3A_2, %dma_start3A_373] : memref<2560x125xi32, #tpu.memory_space<hbm>> -> memref<80x125xi32, #tpu.memory_space<hbm>>
      %dma_start3A_375 = arith.constant 0 : i32
      %dma_start3A_376 = tpu.memref_slice %arg2[%mul3A_2, %dma_start3A_375] : memref<2560x125xi32, #tpu.memory_space<hbm>> -> memref<80x125xi32, #tpu.memory_space<hbm>>
      tpu.enqueue_dma source(%dma_start3A_376 : memref<80x125xi32, #tpu.memory_space<hbm>>) target(%arg7 : memref<80x125xi32, #tpu.memory_space<vmem>>) target_semaphore(%run_scoped3A : memref<!tpu.dma_semaphore, #tpu.memory_space<semaphore_mem>>)
      %dma_wait3A_377 = arith.constant 0 : i32
      %dma_wait3A_378 = tpu.memref_slice %arg2[%mul3A_2, %dma_wait3A_377] : memref<2560x125xi32, #tpu.memory_space<hbm>> -> memref<80x125xi32, #tpu.memory_space<hbm>>
      %dma_wait3A_379 = arith.constant 0 : i32
      %dma_wait3A_380 = tpu.memref_slice %arg2[%mul3A_2, %dma_wait3A_379] : memref<2560x125xi32, #tpu.memory_space<hbm>> -> memref<80x125xi32, #tpu.memory_space<hbm>>
      tpu.wait_dma2 semaphore(%run_scoped3A : memref<!tpu.dma_semaphore, #tpu.memory_space<semaphore_mem>>) src(%dma_wait3A_380 : memref<80x125xi32, #tpu.memory_space<hbm>>) dst(%arg7 : memref<80x125xi32, #tpu.memory_space<vmem>>)
      tpu.yield
    }) : () -> ()
    "tpu.region"() ({
      %run_scoped3A = tpu.sem_alloc : memref<!tpu.dma_semaphore, #tpu.memory_space<semaphore_mem>>
      %dma_start3A_373 = arith.constant 0 : i32
      %dma_start3A_374 = tpu.memref_slice %arg3[%mul3A_2, %dma_start3A_373] : memref<2560x125xi32, #tpu.memory_space<hbm>> -> memref<80x125xi32, #tpu.memory_space<hbm>>
      %dma_start3A_375 = arith.constant 0 : i32
      %dma_start3A_376 = tpu.memref_slice %arg3[%mul3A_2, %dma_start3A_375] : memref<2560x125xi32, #tpu.memory_space<hbm>> -> memref<80x125xi32, #tpu.memory_space<hbm>>
      tpu.enqueue_dma source(%dma_start3A_376 : memref<80x125xi32, #tpu.memory_space<hbm>>) target(%arg8 : memref<80x125xi32, #tpu.memory_space<vmem>>) target_semaphore(%run_scoped3A : memref<!tpu.dma_semaphore, #tpu.memory_space<semaphore_mem>>)
      %dma_wait3A_377 = arith.constant 0 : i32
      %dma_wait3A_378 = tpu.memref_slice %arg3[%mul3A_2, %dma_wait3A_377] : memref<2560x125xi32, #tpu.memory_space<hbm>> -> memref<80x125xi32, #tpu.memory_space<hbm>>
      %dma_wait3A_379 = arith.constant 0 : i32
      %dma_wait3A_380 = tpu.memref_slice %arg3[%mul3A_2, %dma_wait3A_379] : memref<2560x125xi32, #tpu.memory_space<hbm>> -> memref<80x125xi32, #tpu.memory_space<hbm>>
      tpu.wait_dma2 semaphore(%run_scoped3A : memref<!tpu.dma_semaphore, #tpu.memory_space<semaphore_mem>>) src(%dma_wait3A_380 : memref<80x125xi32, #tpu.memory_space<hbm>>) dst(%arg8 : memref<80x125xi32, #tpu.memory_space<vmem>>)
      tpu.yield
    }) : () -> ()
    %mul3A_3 = arith.constant 640 : i32
    %mul3A_4 = arith.muli %arg1, %mul3A_3 : i32
    "tpu.region"() ({
      %run_scoped3A = tpu.sem_alloc : memref<!tpu.dma_semaphore, #tpu.memory_space<semaphore_mem>>
      %dma_start3A_373 = arith.constant 0 : i32
      %dma_start3A_374 = tpu.memref_slice %arg10[%mul3A_4, %dma_start3A_373] : memref<10240x64xf32, #tpu.memory_space<vmem_shared>> -> memref<640x64xf32, #tpu.memory_space<vmem_shared>>
      tpu.enqueue_dma source(%arg5 : memref<640x64xf32, #tpu.memory_space<hbm>>) target(%dma_start3A_374 : memref<640x64xf32, #tpu.memory_space<vmem_shared>>) target_semaphore(%run_scoped3A : memref<!tpu.dma_semaphore, #tpu.memory_space<semaphore_mem>>)
      %dma_wait3A_375 = arith.constant 0 : i32
      %dma_wait3A_376 = tpu.memref_slice %arg10[%mul3A_4, %dma_wait3A_375] : memref<10240x64xf32, #tpu.memory_space<vmem_shared>> -> memref<640x64xf32, #tpu.memory_space<vmem_shared>>
      tpu.wait_dma2 semaphore(%run_scoped3A : memref<!tpu.dma_semaphore, #tpu.memory_space<semaphore_mem>>) src(%arg5 : memref<640x64xf32, #tpu.memory_space<hbm>>) dst(%dma_wait3A_376 : memref<640x64xf32, #tpu.memory_space<vmem_shared>>)
      tpu.yield
    }) : () -> ()
    %barrier3A = arith.constant 0 : index
    tpu.barrier barrier_id(%barrier3A)
    %dma_start3A = arith.constant 0 : i32
    %dma_start3A_5 = arith.constant 0 : i32
    %dma_start3A_6 = arith.constant 0 : i32
    %dma_start3A_7 = arith.constant 0 : i32
    %dma_start3A_8 = tpu.memref_slice %arg9[%dma_start3A_5, %dma_start3A_6, %dma_start3A_7] : memref<3x250x64xf32, #tpu.memory_space<vmem>> -> memref<1x250x64xf32, #tpu.memory_space<vmem>>
    %dma_start3A_9 = tpu.memref_squeeze %dma_start3A_8 : memref<1x250x64xf32, #tpu.memory_space<vmem>> -> memref<250x64xf32, #tpu.memory_space<vmem>>
    %dma_start3A_10 = arith.constant 0 : i32
    %dma_start3A_11 = arith.constant 0 : i32
    %dma_start3A_12 = tpu.memref_slice %dma_start3A_9[%dma_start3A_10, %dma_start3A_11] : memref<250x64xf32, #tpu.memory_space<vmem>> -> memref<125x64xf32, #tpu.memory_space<vmem>>
    %dma_start3A_13 = arith.constant 0 : i32
    %dma_start3A_14 = tpu.memref_slice %arg7[%dma_start3A, %dma_start3A_13] : memref<80x125xi32, #tpu.memory_space<vmem>> -> memref<1x125xi32, #tpu.memory_space<vmem>>
    %dma_start3A_15 = tpu.memref_squeeze %dma_start3A_14 : memref<1x125xi32, #tpu.memory_space<vmem>> -> memref<125xi32, #tpu.memory_space<vmem>>
    %dma_start3A_16 = arith.constant 0 : i32
    %dma_start3A_17 = arith.constant 0 : i32
    %dma_start3A_18 = tpu.memref_slice %arg4[%dma_start3A_16, %dma_start3A_17] : memref<10000x64xf32, #tpu.memory_space<hbm>> -> memref<10000x64xf32, #tpu.memory_space<hbm>>
    tpu.enqueue_indirect_dma source(%dma_start3A_18 : memref<10000x64xf32, #tpu.memory_space<hbm>>) target(%dma_start3A_12 : memref<125x64xf32, #tpu.memory_space<vmem>>) offsets(%dma_start3A_15 : memref<125xi32, #tpu.memory_space<vmem>>) semaphore(%arg11 : memref<!tpu.dma_semaphore, #tpu.memory_space<semaphore_mem>>)
    %dma_start3A_19 = arith.constant 1 : i32
    %dma_start3A_20 = arith.constant 0 : i32
    %dma_start3A_21 = arith.constant 0 : i32
    %dma_start3A_22 = arith.constant 0 : i32
    %dma_start3A_23 = tpu.memref_slice %arg9[%dma_start3A_20, %dma_start3A_21, %dma_start3A_22] : memref<3x250x64xf32, #tpu.memory_space<vmem>> -> memref<1x250x64xf32, #tpu.memory_space<vmem>>
    %dma_start3A_24 = tpu.memref_squeeze %dma_start3A_23 : memref<1x250x64xf32, #tpu.memory_space<vmem>> -> memref<250x64xf32, #tpu.memory_space<vmem>>
    %dma_start3A_25 = arith.constant 125 : i32
    %dma_start3A_26 = arith.constant 0 : i32
    %dma_start3A_27 = tpu.memref_slice %dma_start3A_24[%dma_start3A_25, %dma_start3A_26] : memref<250x64xf32, #tpu.memory_space<vmem>> -> memref<125x64xf32, #tpu.memory_space<vmem>>
    %dma_start3A_28 = arith.constant 0 : i32
    %dma_start3A_29 = tpu.memref_slice %arg7[%dma_start3A_19, %dma_start3A_28] : memref<80x125xi32, #tpu.memory_space<vmem>> -> memref<1x125xi32, #tpu.memory_space<vmem>>
    %dma_start3A_30 = tpu.memref_squeeze %dma_start3A_29 : memref<1x125xi32, #tpu.memory_space<vmem>> -> memref<125xi32, #tpu.memory_space<vmem>>
    %dma_start3A_31 = arith.constant 0 : i32
    %dma_start3A_32 = arith.constant 0 : i32
    %dma_start3A_33 = tpu.memref_slice %arg4[%dma_start3A_31, %dma_start3A_32] : memref<10000x64xf32, #tpu.memory_space<hbm>> -> memref<10000x64xf32, #tpu.memory_space<hbm>>
    tpu.enqueue_indirect_dma source(%dma_start3A_33 : memref<10000x64xf32, #tpu.memory_space<hbm>>) target(%dma_start3A_27 : memref<125x64xf32, #tpu.memory_space<vmem>>) offsets(%dma_start3A_30 : memref<125xi32, #tpu.memory_space<vmem>>) semaphore(%arg11 : memref<!tpu.dma_semaphore, #tpu.memory_space<semaphore_mem>>)
    %dma_start3A_34 = arith.constant 2 : i32
    %dma_start3A_35 = arith.constant 1 : i32
    %dma_start3A_36 = arith.constant 0 : i32
    %dma_start3A_37 = arith.constant 0 : i32
    %dma_start3A_38 = tpu.memref_slice %arg9[%dma_start3A_35, %dma_start3A_36, %dma_start3A_37] : memref<3x250x64xf32, #tpu.memory_space<vmem>> -> memref<1x250x64xf32, #tpu.memory_space<vmem>>
    %dma_start3A_39 = tpu.memref_squeeze %dma_start3A_38 : memref<1x250x64xf32, #tpu.memory_space<vmem>> -> memref<250x64xf32, #tpu.memory_space<vmem>>
    %dma_start3A_40 = arith.constant 0 : i32
    %dma_start3A_41 = arith.constant 0 : i32
    %dma_start3A_42 = tpu.memref_slice %dma_start3A_39[%dma_start3A_40, %dma_start3A_41] : memref<250x64xf32, #tpu.memory_space<vmem>> -> memref<125x64xf32, #tpu.memory_space<vmem>>
    %dma_start3A_43 = arith.constant 0 : i32
    %dma_start3A_44 = tpu.memref_slice %arg7[%dma_start3A_34, %dma_start3A_43] : memref<80x125xi32, #tpu.memory_space<vmem>> -> memref<1x125xi32, #tpu.memory_space<vmem>>
    %dma_start3A_45 = tpu.memref_squeeze %dma_start3A_44 : memref<1x125xi32, #tpu.memory_space<vmem>> -> memref<125xi32, #tpu.memory_space<vmem>>
    %dma_start3A_46 = arith.constant 0 : i32
    %dma_start3A_47 = arith.constant 0 : i32
    %dma_start3A_48 = tpu.memref_slice %arg4[%dma_start3A_46, %dma_start3A_47] : memref<10000x64xf32, #tpu.memory_space<hbm>> -> memref<10000x64xf32, #tpu.memory_space<hbm>>
    tpu.enqueue_indirect_dma source(%dma_start3A_48 : memref<10000x64xf32, #tpu.memory_space<hbm>>) target(%dma_start3A_42 : memref<125x64xf32, #tpu.memory_space<vmem>>) offsets(%dma_start3A_45 : memref<125xi32, #tpu.memory_space<vmem>>) semaphore(%arg12 : memref<!tpu.dma_semaphore, #tpu.memory_space<semaphore_mem>>)
    %dma_start3A_49 = arith.constant 3 : i32
    %dma_start3A_50 = arith.constant 1 : i32
    %dma_start3A_51 = arith.constant 0 : i32
    %dma_start3A_52 = arith.constant 0 : i32
    %dma_start3A_53 = tpu.memref_slice %arg9[%dma_start3A_50, %dma_start3A_51, %dma_start3A_52] : memref<3x250x64xf32, #tpu.memory_space<vmem>> -> memref<1x250x64xf32, #tpu.memory_space<vmem>>
    %dma_start3A_54 = tpu.memref_squeeze %dma_start3A_53 : memref<1x250x64xf32, #tpu.memory_space<vmem>> -> memref<250x64xf32, #tpu.memory_space<vmem>>
    %dma_start3A_55 = arith.constant 125 : i32
    %dma_start3A_56 = arith.constant 0 : i32
    %dma_start3A_57 = tpu.memref_slice %dma_start3A_54[%dma_start3A_55, %dma_start3A_56] : memref<250x64xf32, #tpu.memory_space<vmem>> -> memref<125x64xf32, #tpu.memory_space<vmem>>
    %dma_start3A_58 = arith.constant 0 : i32
    %dma_start3A_59 = tpu.memref_slice %arg7[%dma_start3A_49, %dma_start3A_58] : memref<80x125xi32, #tpu.memory_space<vmem>> -> memref<1x125xi32, #tpu.memory_space<vmem>>
    %dma_start3A_60 = tpu.memref_squeeze %dma_start3A_59 : memref<1x125xi32, #tpu.memory_space<vmem>> -> memref<125xi32, #tpu.memory_space<vmem>>
    %dma_start3A_61 = arith.constant 0 : i32
    %dma_start3A_62 = arith.constant 0 : i32
    %dma_start3A_63 = tpu.memref_slice %arg4[%dma_start3A_61, %dma_start3A_62] : memref<10000x64xf32, #tpu.memory_space<hbm>> -> memref<10000x64xf32, #tpu.memory_space<hbm>>
    tpu.enqueue_indirect_dma source(%dma_start3A_63 : memref<10000x64xf32, #tpu.memory_space<hbm>>) target(%dma_start3A_57 : memref<125x64xf32, #tpu.memory_space<vmem>>) offsets(%dma_start3A_60 : memref<125xi32, #tpu.memory_space<vmem>>) semaphore(%arg12 : memref<!tpu.dma_semaphore, #tpu.memory_space<semaphore_mem>>)
    %dma_start3A_64 = arith.constant 4 : i32
    %dma_start3A_65 = arith.constant 2 : i32
    %dma_start3A_66 = arith.constant 0 : i32
    %dma_start3A_67 = arith.constant 0 : i32
    %dma_start3A_68 = tpu.memref_slice %arg9[%dma_start3A_65, %dma_start3A_66, %dma_start3A_67] : memref<3x250x64xf32, #tpu.memory_space<vmem>> -> memref<1x250x64xf32, #tpu.memory_space<vmem>>
    %dma_start3A_69 = tpu.memref_squeeze %dma_start3A_68 : memref<1x250x64xf32, #tpu.memory_space<vmem>> -> memref<250x64xf32, #tpu.memory_space<vmem>>
    %dma_start3A_70 = arith.constant 0 : i32
    %dma_start3A_71 = arith.constant 0 : i32
    %dma_start3A_72 = tpu.memref_slice %dma_start3A_69[%dma_start3A_70, %dma_start3A_71] : memref<250x64xf32, #tpu.memory_space<vmem>> -> memref<125x64xf32, #tpu.memory_space<vmem>>
    %dma_start3A_73 = arith.constant 0 : i32
    %dma_start3A_74 = tpu.memref_slice %arg7[%dma_start3A_64, %dma_start3A_73] : memref<80x125xi32, #tpu.memory_space<vmem>> -> memref<1x125xi32, #tpu.memory_space<vmem>>
    %dma_start3A_75 = tpu.memref_squeeze %dma_start3A_74 : memref<1x125xi32, #tpu.memory_space<vmem>> -> memref<125xi32, #tpu.memory_space<vmem>>
    %dma_start3A_76 = arith.constant 0 : i32
    %dma_start3A_77 = arith.constant 0 : i32
    %dma_start3A_78 = tpu.memref_slice %arg4[%dma_start3A_76, %dma_start3A_77] : memref<10000x64xf32, #tpu.memory_space<hbm>> -> memref<10000x64xf32, #tpu.memory_space<hbm>>
    tpu.enqueue_indirect_dma source(%dma_start3A_78 : memref<10000x64xf32, #tpu.memory_space<hbm>>) target(%dma_start3A_72 : memref<125x64xf32, #tpu.memory_space<vmem>>) offsets(%dma_start3A_75 : memref<125xi32, #tpu.memory_space<vmem>>) semaphore(%arg13 : memref<!tpu.dma_semaphore, #tpu.memory_space<semaphore_mem>>)
    %dma_start3A_79 = arith.constant 5 : i32
    %dma_start3A_80 = arith.constant 2 : i32
    %dma_start3A_81 = arith.constant 0 : i32
    %dma_start3A_82 = arith.constant 0 : i32
    %dma_start3A_83 = tpu.memref_slice %arg9[%dma_start3A_80, %dma_start3A_81, %dma_start3A_82] : memref<3x250x64xf32, #tpu.memory_space<vmem>> -> memref<1x250x64xf32, #tpu.memory_space<vmem>>
    %dma_start3A_84 = tpu.memref_squeeze %dma_start3A_83 : memref<1x250x64xf32, #tpu.memory_space<vmem>> -> memref<250x64xf32, #tpu.memory_space<vmem>>
    %dma_start3A_85 = arith.constant 125 : i32
    %dma_start3A_86 = arith.constant 0 : i32
    %dma_start3A_87 = tpu.memref_slice %dma_start3A_84[%dma_start3A_85, %dma_start3A_86] : memref<250x64xf32, #tpu.memory_space<vmem>> -> memref<125x64xf32, #tpu.memory_space<vmem>>
    %dma_start3A_88 = arith.constant 0 : i32
    %dma_start3A_89 = tpu.memref_slice %arg7[%dma_start3A_79, %dma_start3A_88] : memref<80x125xi32, #tpu.memory_space<vmem>> -> memref<1x125xi32, #tpu.memory_space<vmem>>
    %dma_start3A_90 = tpu.memref_squeeze %dma_start3A_89 : memref<1x125xi32, #tpu.memory_space<vmem>> -> memref<125xi32, #tpu.memory_space<vmem>>
    %dma_start3A_91 = arith.constant 0 : i32
    %dma_start3A_92 = arith.constant 0 : i32
    %dma_start3A_93 = tpu.memref_slice %arg4[%dma_start3A_91, %dma_start3A_92] : memref<10000x64xf32, #tpu.memory_space<hbm>> -> memref<10000x64xf32, #tpu.memory_space<hbm>>
    tpu.enqueue_indirect_dma source(%dma_start3A_93 : memref<10000x64xf32, #tpu.memory_space<hbm>>) target(%dma_start3A_87 : memref<125x64xf32, #tpu.memory_space<vmem>>) offsets(%dma_start3A_90 : memref<125xi32, #tpu.memory_space<vmem>>) semaphore(%arg13 : memref<!tpu.dma_semaphore, #tpu.memory_space<semaphore_mem>>)
    %dma_wait3A = arith.constant 0 : i32
    %dma_wait3A_94 = arith.constant 0 : i32
    %dma_wait3A_95 = arith.constant 0 : i32
    %dma_wait3A_96 = tpu.memref_slice %arg9[%dma_wait3A, %dma_wait3A_94, %dma_wait3A_95] : memref<3x250x64xf32, #tpu.memory_space<vmem>> -> memref<1x250x64xf32, #tpu.memory_space<vmem>>
    %dma_wait3A_97 = tpu.memref_squeeze %dma_wait3A_96 : memref<1x250x64xf32, #tpu.memory_space<vmem>> -> memref<250x64xf32, #tpu.memory_space<vmem>>
    %dma_wait3A_98 = arith.constant 0 : i32
    %dma_wait3A_99 = arith.constant 0 : i32
    %dma_wait3A_100 = tpu.memref_slice %arg4[%dma_wait3A_98, %dma_wait3A_99] : memref<10000x64xf32, #tpu.memory_space<hbm>> -> memref<250x64xf32, #tpu.memory_space<hbm>>
    %dma_wait3A_101 = arith.constant 0 : i32
    %dma_wait3A_102 = arith.constant 0 : i32
    %dma_wait3A_103 = tpu.memref_slice %arg9[%dma_wait3A, %dma_wait3A_101, %dma_wait3A_102] : memref<3x250x64xf32, #tpu.memory_space<vmem>> -> memref<1x250x64xf32, #tpu.memory_space<vmem>>
    %dma_wait3A_104 = tpu.memref_squeeze %dma_wait3A_103 : memref<1x250x64xf32, #tpu.memory_space<vmem>> -> memref<250x64xf32, #tpu.memory_space<vmem>>
    %dma_wait3A_105 = arith.constant 0 : i32
    %dma_wait3A_106 = arith.constant 0 : i32
    %dma_wait3A_107 = tpu.memref_slice %arg4[%dma_wait3A_105, %dma_wait3A_106] : memref<10000x64xf32, #tpu.memory_space<hbm>> -> memref<250x64xf32, #tpu.memory_space<hbm>>
    tpu.wait_dma2 semaphore(%arg11 : memref<!tpu.dma_semaphore, #tpu.memory_space<semaphore_mem>>) src(%dma_wait3A_107 : memref<250x64xf32, #tpu.memory_space<hbm>>) dst(%dma_wait3A_104 : memref<250x64xf32, #tpu.memory_space<vmem>>)
    %dma_start3A_108 = arith.constant 0 : i32
    %dma_start3A_109 = arith.constant 0 : i32
    %dma_start3A_110 = arith.constant 0 : i32
    %dma_start3A_111 = arith.constant 0 : i32
    %dma_start3A_112 = tpu.memref_slice %arg9[%dma_start3A_108, %dma_start3A_110, %dma_start3A_111] : memref<3x250x64xf32, #tpu.memory_space<vmem>> -> memref<1x250x64xf32, #tpu.memory_space<vmem>>
    %dma_start3A_113 = tpu.memref_squeeze %dma_start3A_112 : memref<1x250x64xf32, #tpu.memory_space<vmem>> -> memref<250x64xf32, #tpu.memory_space<vmem>>
    %dma_start3A_114 = arith.constant 0 : i32
    %dma_start3A_115 = arith.constant 0 : i32
    %dma_start3A_116 = tpu.memref_slice %dma_start3A_113[%dma_start3A_114, %dma_start3A_115] : memref<250x64xf32, #tpu.memory_space<vmem>> -> memref<125x64xf32, #tpu.memory_space<vmem>>
    %dma_start3A_117 = arith.constant 0 : i32
    %dma_start3A_118 = tpu.memref_slice %arg8[%dma_start3A_109, %dma_start3A_117] : memref<80x125xi32, #tpu.memory_space<vmem>> -> memref<1x125xi32, #tpu.memory_space<vmem>>
    %dma_start3A_119 = tpu.memref_squeeze %dma_start3A_118 : memref<1x125xi32, #tpu.memory_space<vmem>> -> memref<125xi32, #tpu.memory_space<vmem>>
    %dma_start3A_120 = arith.constant 0 : i32
    %dma_start3A_121 = arith.constant 0 : i32
    %dma_start3A_122 = tpu.memref_slice %arg10[%dma_start3A_120, %dma_start3A_121] : memref<10240x64xf32, #tpu.memory_space<vmem_shared>> -> memref<10240x64xf32, #tpu.memory_space<vmem_shared>>
    tpu.enqueue_indirect_dma source(%dma_start3A_116 : memref<125x64xf32, #tpu.memory_space<vmem>>) target(%dma_start3A_122 : memref<10240x64xf32, #tpu.memory_space<vmem_shared>>) offsets(%dma_start3A_119 : memref<125xi32, #tpu.memory_space<vmem>>) semaphore(%arg14 : memref<!tpu.dma_semaphore, #tpu.memory_space<semaphore_mem>>) {add = true}
    %dma_start3A_123 = arith.constant 0 : i32
    %dma_start3A_124 = arith.constant 1 : i32
    %dma_start3A_125 = arith.constant 0 : i32
    %dma_start3A_126 = arith.constant 0 : i32
    %dma_start3A_127 = tpu.memref_slice %arg9[%dma_start3A_123, %dma_start3A_125, %dma_start3A_126] : memref<3x250x64xf32, #tpu.memory_space<vmem>> -> memref<1x250x64xf32, #tpu.memory_space<vmem>>
    %dma_start3A_128 = tpu.memref_squeeze %dma_start3A_127 : memref<1x250x64xf32, #tpu.memory_space<vmem>> -> memref<250x64xf32, #tpu.memory_space<vmem>>
    %dma_start3A_129 = arith.constant 125 : i32
    %dma_start3A_130 = arith.constant 0 : i32
    %dma_start3A_131 = tpu.memref_slice %dma_start3A_128[%dma_start3A_129, %dma_start3A_130] : memref<250x64xf32, #tpu.memory_space<vmem>> -> memref<125x64xf32, #tpu.memory_space<vmem>>
    %dma_start3A_132 = arith.constant 0 : i32
    %dma_start3A_133 = tpu.memref_slice %arg8[%dma_start3A_124, %dma_start3A_132] : memref<80x125xi32, #tpu.memory_space<vmem>> -> memref<1x125xi32, #tpu.memory_space<vmem>>
    %dma_start3A_134 = tpu.memref_squeeze %dma_start3A_133 : memref<1x125xi32, #tpu.memory_space<vmem>> -> memref<125xi32, #tpu.memory_space<vmem>>
    %dma_start3A_135 = arith.constant 0 : i32
    %dma_start3A_136 = arith.constant 0 : i32
    %dma_start3A_137 = tpu.memref_slice %arg10[%dma_start3A_135, %dma_start3A_136] : memref<10240x64xf32, #tpu.memory_space<vmem_shared>> -> memref<10240x64xf32, #tpu.memory_space<vmem_shared>>
    tpu.enqueue_indirect_dma source(%dma_start3A_131 : memref<125x64xf32, #tpu.memory_space<vmem>>) target(%dma_start3A_137 : memref<10240x64xf32, #tpu.memory_space<vmem_shared>>) offsets(%dma_start3A_134 : memref<125xi32, #tpu.memory_space<vmem>>) semaphore(%arg14 : memref<!tpu.dma_semaphore, #tpu.memory_space<semaphore_mem>>) {add = true}
    %scan3A = arith.constant 0 : i32
    %scan3A_138 = arith.constant 0 : i32
    %scan3A_139 = arith.constant 12 : i32
    %scan3A_140 = arith.addi %scan3A_138, %scan3A_139 : i32
    %scan3A_141 = arith.constant 1 : i32
    scf.for %scan3A_373 = %scan3A_138 to %scan3A_140 step %scan3A_141  : i32 {
      %mul3A_374 = arith.constant 3 : i32
      %mul3A_375 = arith.muli %mul3A_374, %scan3A_373 : i32
      %add3A_376 = arith.constant 1 : i32
      %add3A_377 = arith.addi %mul3A_375, %add3A_376 : i32
      %dma_wait3A_378 = arith.constant 0 : i32
      %dma_wait3A_379 = arith.constant 0 : i32
      %dma_wait3A_380 = arith.constant 0 : i32
      %dma_wait3A_381 = tpu.memref_slice %arg9[%dma_wait3A_378, %dma_wait3A_379, %dma_wait3A_380] : memref<3x250x64xf32, #tpu.memory_space<vmem>> -> memref<1x250x64xf32, #tpu.memory_space<vmem>>
      %dma_wait3A_382 = tpu.memref_squeeze %dma_wait3A_381 : memref<1x250x64xf32, #tpu.memory_space<vmem>> -> memref<250x64xf32, #tpu.memory_space<vmem>>
      %dma_wait3A_383 = arith.constant 0 : i32
      %dma_wait3A_384 = arith.constant 0 : i32
      %dma_wait3A_385 = tpu.memref_slice %arg4[%dma_wait3A_383, %dma_wait3A_384] : memref<10000x64xf32, #tpu.memory_space<hbm>> -> memref<250x64xf32, #tpu.memory_space<hbm>>
      %dma_wait3A_386 = arith.constant 0 : i32
      %dma_wait3A_387 = arith.constant 0 : i32
      %dma_wait3A_388 = tpu.memref_slice %arg9[%dma_wait3A_378, %dma_wait3A_386, %dma_wait3A_387] : memref<3x250x64xf32, #tpu.memory_space<vmem>> -> memref<1x250x64xf32, #tpu.memory_space<vmem>>
      %dma_wait3A_389 = tpu.memref_squeeze %dma_wait3A_388 : memref<1x250x64xf32, #tpu.memory_space<vmem>> -> memref<250x64xf32, #tpu.memory_space<vmem>>
      %dma_wait3A_390 = arith.constant 0 : i32
      %dma_wait3A_391 = arith.constant 0 : i32
      %dma_wait3A_392 = tpu.memref_slice %arg4[%dma_wait3A_390, %dma_wait3A_391] : memref<10000x64xf32, #tpu.memory_space<hbm>> -> memref<250x64xf32, #tpu.memory_space<hbm>>
      tpu.wait_dma2 semaphore(%arg14 : memref<!tpu.dma_semaphore, #tpu.memory_space<semaphore_mem>>) src(%dma_wait3A_392 : memref<250x64xf32, #tpu.memory_space<hbm>>) dst(%dma_wait3A_389 : memref<250x64xf32, #tpu.memory_space<vmem>>)
      %add3A_393 = arith.constant 2 : i32
      %add3A_394 = arith.addi %add3A_377, %add3A_393 : i32
      %mul3A_395 = arith.constant 2 : i32
      %mul3A_396 = arith.muli %add3A_394, %mul3A_395 : i32
      %add3A_397 = arith.constant 0 : i32
      %add3A_398 = arith.addi %mul3A_396, %add3A_397 : i32
      %dma_start3A_399 = arith.constant 0 : i32
      %dma_start3A_400 = arith.constant 0 : i32
      %dma_start3A_401 = arith.constant 0 : i32
      %dma_start3A_402 = tpu.memref_slice %arg9[%dma_start3A_399, %dma_start3A_400, %dma_start3A_401] : memref<3x250x64xf32, #tpu.memory_space<vmem>> -> memref<1x250x64xf32, #tpu.memory_space<vmem>>
      %dma_start3A_403 = tpu.memref_squeeze %dma_start3A_402 : memref<1x250x64xf32, #tpu.memory_space<vmem>> -> memref<250x64xf32, #tpu.memory_space<vmem>>
      %dma_start3A_404 = arith.constant 0 : i32
      %dma_start3A_405 = arith.constant 0 : i32
      %dma_start3A_406 = tpu.memref_slice %dma_start3A_403[%dma_start3A_404, %dma_start3A_405] : memref<250x64xf32, #tpu.memory_space<vmem>> -> memref<125x64xf32, #tpu.memory_space<vmem>>
      %dma_start3A_407 = arith.constant 0 : i32
      %dma_start3A_408 = tpu.memref_slice %arg7[%add3A_398, %dma_start3A_407] : memref<80x125xi32, #tpu.memory_space<vmem>> -> memref<1x125xi32, #tpu.memory_space<vmem>>
      %dma_start3A_409 = tpu.memref_squeeze %dma_start3A_408 : memref<1x125xi32, #tpu.memory_space<vmem>> -> memref<125xi32, #tpu.memory_space<vmem>>
      %dma_start3A_410 = arith.constant 0 : i32
      %dma_start3A_411 = arith.constant 0 : i32
      %dma_start3A_412 = tpu.memref_slice %arg4[%dma_start3A_410, %dma_start3A_411] : memref<10000x64xf32, #tpu.memory_space<hbm>> -> memref<10000x64xf32, #tpu.memory_space<hbm>>
      tpu.enqueue_indirect_dma source(%dma_start3A_412 : memref<10000x64xf32, #tpu.memory_space<hbm>>) target(%dma_start3A_406 : memref<125x64xf32, #tpu.memory_space<vmem>>) offsets(%dma_start3A_409 : memref<125xi32, #tpu.memory_space<vmem>>) semaphore(%arg11 : memref<!tpu.dma_semaphore, #tpu.memory_space<semaphore_mem>>)
      %mul3A_413 = arith.constant 2 : i32
      %mul3A_414 = arith.muli %add3A_394, %mul3A_413 : i32
      %add3A_415 = arith.constant 1 : i32
      %add3A_416 = arith.addi %mul3A_414, %add3A_415 : i32
      %dma_start3A_417 = arith.constant 0 : i32
      %dma_start3A_418 = arith.constant 0 : i32
      %dma_start3A_419 = arith.constant 0 : i32
      %dma_start3A_420 = tpu.memref_slice %arg9[%dma_start3A_417, %dma_start3A_418, %dma_start3A_419] : memref<3x250x64xf32, #tpu.memory_space<vmem>> -> memref<1x250x64xf32, #tpu.memory_space<vmem>>
      %dma_start3A_421 = tpu.memref_squeeze %dma_start3A_420 : memref<1x250x64xf32, #tpu.memory_space<vmem>> -> memref<250x64xf32, #tpu.memory_space<vmem>>
      %dma_start3A_422 = arith.constant 125 : i32
      %dma_start3A_423 = arith.constant 0 : i32
      %dma_start3A_424 = tpu.memref_slice %dma_start3A_421[%dma_start3A_422, %dma_start3A_423] : memref<250x64xf32, #tpu.memory_space<vmem>> -> memref<125x64xf32, #tpu.memory_space<vmem>>
      %dma_start3A_425 = arith.constant 0 : i32
      %dma_start3A_426 = tpu.memref_slice %arg7[%add3A_416, %dma_start3A_425] : memref<80x125xi32, #tpu.memory_space<vmem>> -> memref<1x125xi32, #tpu.memory_space<vmem>>
      %dma_start3A_427 = tpu.memref_squeeze %dma_start3A_426 : memref<1x125xi32, #tpu.memory_space<vmem>> -> memref<125xi32, #tpu.memory_space<vmem>>
      %dma_start3A_428 = arith.constant 0 : i32
      %dma_start3A_429 = arith.constant 0 : i32
      %dma_start3A_430 = tpu.memref_slice %arg4[%dma_start3A_428, %dma_start3A_429] : memref<10000x64xf32, #tpu.memory_space<hbm>> -> memref<10000x64xf32, #tpu.memory_space<hbm>>
      tpu.enqueue_indirect_dma source(%dma_start3A_430 : memref<10000x64xf32, #tpu.memory_space<hbm>>) target(%dma_start3A_424 : memref<125x64xf32, #tpu.memory_space<vmem>>) offsets(%dma_start3A_427 : memref<125xi32, #tpu.memory_space<vmem>>) semaphore(%arg11 : memref<!tpu.dma_semaphore, #tpu.memory_space<semaphore_mem>>)
      %dma_wait3A_431 = arith.constant 1 : i32
      %dma_wait3A_432 = arith.constant 0 : i32
      %dma_wait3A_433 = arith.constant 0 : i32
      %dma_wait3A_434 = tpu.memref_slice %arg9[%dma_wait3A_431, %dma_wait3A_432, %dma_wait3A_433] : memref<3x250x64xf32, #tpu.memory_space<vmem>> -> memref<1x250x64xf32, #tpu.memory_space<vmem>>
      %dma_wait3A_435 = tpu.memref_squeeze %dma_wait3A_434 : memref<1x250x64xf32, #tpu.memory_space<vmem>> -> memref<250x64xf32, #tpu.memory_space<vmem>>
      %dma_wait3A_436 = arith.constant 0 : i32
      %dma_wait3A_437 = arith.constant 0 : i32
      %dma_wait3A_438 = tpu.memref_slice %arg4[%dma_wait3A_436, %dma_wait3A_437] : memref<10000x64xf32, #tpu.memory_space<hbm>> -> memref<250x64xf32, #tpu.memory_space<hbm>>
      %dma_wait3A_439 = arith.constant 0 : i32
      %dma_wait3A_440 = arith.constant 0 : i32
      %dma_wait3A_441 = tpu.memref_slice %arg9[%dma_wait3A_431, %dma_wait3A_439, %dma_wait3A_440] : memref<3x250x64xf32, #tpu.memory_space<vmem>> -> memref<1x250x64xf32, #tpu.memory_space<vmem>>
      %dma_wait3A_442 = tpu.memref_squeeze %dma_wait3A_441 : memref<1x250x64xf32, #tpu.memory_space<vmem>> -> memref<250x64xf32, #tpu.memory_space<vmem>>
      %dma_wait3A_443 = arith.constant 0 : i32
      %dma_wait3A_444 = arith.constant 0 : i32
      %dma_wait3A_445 = tpu.memref_slice %arg4[%dma_wait3A_443, %dma_wait3A_444] : memref<10000x64xf32, #tpu.memory_space<hbm>> -> memref<250x64xf32, #tpu.memory_space<hbm>>
      tpu.wait_dma2 semaphore(%arg12 : memref<!tpu.dma_semaphore, #tpu.memory_space<semaphore_mem>>) src(%dma_wait3A_445 : memref<250x64xf32, #tpu.memory_space<hbm>>) dst(%dma_wait3A_442 : memref<250x64xf32, #tpu.memory_space<vmem>>)
      %mul3A_446 = arith.constant 2 : i32
      %mul3A_447 = arith.muli %add3A_377, %mul3A_446 : i32
      %add3A_448 = arith.constant 0 : i32
      %add3A_449 = arith.addi %mul3A_447, %add3A_448 : i32
      %dma_start3A_450 = arith.constant 1 : i32
      %dma_start3A_451 = arith.constant 0 : i32
      %dma_start3A_452 = arith.constant 0 : i32
      %dma_start3A_453 = tpu.memref_slice %arg9[%dma_start3A_450, %dma_start3A_451, %dma_start3A_452] : memref<3x250x64xf32, #tpu.memory_space<vmem>> -> memref<1x250x64xf32, #tpu.memory_space<vmem>>
      %dma_start3A_454 = tpu.memref_squeeze %dma_start3A_453 : memref<1x250x64xf32, #tpu.memory_space<vmem>> -> memref<250x64xf32, #tpu.memory_space<vmem>>
      %dma_start3A_455 = arith.constant 0 : i32
      %dma_start3A_456 = arith.constant 0 : i32
      %dma_start3A_457 = tpu.memref_slice %dma_start3A_454[%dma_start3A_455, %dma_start3A_456] : memref<250x64xf32, #tpu.memory_space<vmem>> -> memref<125x64xf32, #tpu.memory_space<vmem>>
      %dma_start3A_458 = arith.constant 0 : i32
      %dma_start3A_459 = tpu.memref_slice %arg8[%add3A_449, %dma_start3A_458] : memref<80x125xi32, #tpu.memory_space<vmem>> -> memref<1x125xi32, #tpu.memory_space<vmem>>
      %dma_start3A_460 = tpu.memref_squeeze %dma_start3A_459 : memref<1x125xi32, #tpu.memory_space<vmem>> -> memref<125xi32, #tpu.memory_space<vmem>>
      %dma_start3A_461 = arith.constant 0 : i32
      %dma_start3A_462 = arith.constant 0 : i32
      %dma_start3A_463 = tpu.memref_slice %arg10[%dma_start3A_461, %dma_start3A_462] : memref<10240x64xf32, #tpu.memory_space<vmem_shared>> -> memref<10240x64xf32, #tpu.memory_space<vmem_shared>>
      tpu.enqueue_indirect_dma source(%dma_start3A_457 : memref<125x64xf32, #tpu.memory_space<vmem>>) target(%dma_start3A_463 : memref<10240x64xf32, #tpu.memory_space<vmem_shared>>) offsets(%dma_start3A_460 : memref<125xi32, #tpu.memory_space<vmem>>) semaphore(%arg15 : memref<!tpu.dma_semaphore, #tpu.memory_space<semaphore_mem>>) {add = true}
      %mul3A_464 = arith.constant 2 : i32
      %mul3A_465 = arith.muli %add3A_377, %mul3A_464 : i32
      %add3A_466 = arith.constant 1 : i32
      %add3A_467 = arith.addi %mul3A_465, %add3A_466 : i32
      %dma_start3A_468 = arith.constant 1 : i32
      %dma_start3A_469 = arith.constant 0 : i32
      %dma_start3A_470 = arith.constant 0 : i32
      %dma_start3A_471 = tpu.memref_slice %arg9[%dma_start3A_468, %dma_start3A_469, %dma_start3A_470] : memref<3x250x64xf32, #tpu.memory_space<vmem>> -> memref<1x250x64xf32, #tpu.memory_space<vmem>>
      %dma_start3A_472 = tpu.memref_squeeze %dma_start3A_471 : memref<1x250x64xf32, #tpu.memory_space<vmem>> -> memref<250x64xf32, #tpu.memory_space<vmem>>
      %dma_start3A_473 = arith.constant 125 : i32
      %dma_start3A_474 = arith.constant 0 : i32
      %dma_start3A_475 = tpu.memref_slice %dma_start3A_472[%dma_start3A_473, %dma_start3A_474] : memref<250x64xf32, #tpu.memory_space<vmem>> -> memref<125x64xf32, #tpu.memory_space<vmem>>
      %dma_start3A_476 = arith.constant 0 : i32
      %dma_start3A_477 = tpu.memref_slice %arg8[%add3A_467, %dma_start3A_476] : memref<80x125xi32, #tpu.memory_space<vmem>> -> memref<1x125xi32, #tpu.memory_space<vmem>>
      %dma_start3A_478 = tpu.memref_squeeze %dma_start3A_477 : memref<1x125xi32, #tpu.memory_space<vmem>> -> memref<125xi32, #tpu.memory_space<vmem>>
      %dma_start3A_479 = arith.constant 0 : i32
      %dma_start3A_480 = arith.constant 0 : i32
      %dma_start3A_481 = tpu.memref_slice %arg10[%dma_start3A_479, %dma_start3A_480] : memref<10240x64xf32, #tpu.memory_space<vmem_shared>> -> memref<10240x64xf32, #tpu.memory_space<vmem_shared>>
      tpu.enqueue_indirect_dma source(%dma_start3A_475 : memref<125x64xf32, #tpu.memory_space<vmem>>) target(%dma_start3A_481 : memref<10240x64xf32, #tpu.memory_space<vmem_shared>>) offsets(%dma_start3A_478 : memref<125xi32, #tpu.memory_space<vmem>>) semaphore(%arg15 : memref<!tpu.dma_semaphore, #tpu.memory_space<semaphore_mem>>) {add = true}
      %add3A_482 = arith.constant 1 : i32
      %add3A_483 = arith.addi %add3A_377, %add3A_482 : i32
      %dma_wait3A_484 = arith.constant 1 : i32
      %dma_wait3A_485 = arith.constant 0 : i32
      %dma_wait3A_486 = arith.constant 0 : i32
      %dma_wait3A_487 = tpu.memref_slice %arg9[%dma_wait3A_484, %dma_wait3A_485, %dma_wait3A_486] : memref<3x250x64xf32, #tpu.memory_space<vmem>> -> memref<1x250x64xf32, #tpu.memory_space<vmem>>
      %dma_wait3A_488 = tpu.memref_squeeze %dma_wait3A_487 : memref<1x250x64xf32, #tpu.memory_space<vmem>> -> memref<250x64xf32, #tpu.memory_space<vmem>>
      %dma_wait3A_489 = arith.constant 0 : i32
      %dma_wait3A_490 = arith.constant 0 : i32
      %dma_wait3A_491 = tpu.memref_slice %arg4[%dma_wait3A_489, %dma_wait3A_490] : memref<10000x64xf32, #tpu.memory_space<hbm>> -> memref<250x64xf32, #tpu.memory_space<hbm>>
      %dma_wait3A_492 = arith.constant 0 : i32
      %dma_wait3A_493 = arith.constant 0 : i32
      %dma_wait3A_494 = tpu.memref_slice %arg9[%dma_wait3A_484, %dma_wait3A_492, %dma_wait3A_493] : memref<3x250x64xf32, #tpu.memory_space<vmem>> -> memref<1x250x64xf32, #tpu.memory_space<vmem>>
      %dma_wait3A_495 = tpu.memref_squeeze %dma_wait3A_494 : memref<1x250x64xf32, #tpu.memory_space<vmem>> -> memref<250x64xf32, #tpu.memory_space<vmem>>
      %dma_wait3A_496 = arith.constant 0 : i32
      %dma_wait3A_497 = arith.constant 0 : i32
      %dma_wait3A_498 = tpu.memref_slice %arg4[%dma_wait3A_496, %dma_wait3A_497] : memref<10000x64xf32, #tpu.memory_space<hbm>> -> memref<250x64xf32, #tpu.memory_space<hbm>>
      tpu.wait_dma2 semaphore(%arg15 : memref<!tpu.dma_semaphore, #tpu.memory_space<semaphore_mem>>) src(%dma_wait3A_498 : memref<250x64xf32, #tpu.memory_space<hbm>>) dst(%dma_wait3A_495 : memref<250x64xf32, #tpu.memory_space<vmem>>)
      %add3A_499 = arith.constant 2 : i32
      %add3A_500 = arith.addi %add3A_483, %add3A_499 : i32
      %mul3A_501 = arith.constant 2 : i32
      %mul3A_502 = arith.muli %add3A_500, %mul3A_501 : i32
      %add3A_503 = arith.constant 0 : i32
      %add3A_504 = arith.addi %mul3A_502, %add3A_503 : i32
      %dma_start3A_505 = arith.constant 1 : i32
      %dma_start3A_506 = arith.constant 0 : i32
      %dma_start3A_507 = arith.constant 0 : i32
      %dma_start3A_508 = tpu.memref_slice %arg9[%dma_start3A_505, %dma_start3A_506, %dma_start3A_507] : memref<3x250x64xf32, #tpu.memory_space<vmem>> -> memref<1x250x64xf32, #tpu.memory_space<vmem>>
      %dma_start3A_509 = tpu.memref_squeeze %dma_start3A_508 : memref<1x250x64xf32, #tpu.memory_space<vmem>> -> memref<250x64xf32, #tpu.memory_space<vmem>>
      %dma_start3A_510 = arith.constant 0 : i32
      %dma_start3A_511 = arith.constant 0 : i32
      %dma_start3A_512 = tpu.memref_slice %dma_start3A_509[%dma_start3A_510, %dma_start3A_511] : memref<250x64xf32, #tpu.memory_space<vmem>> -> memref<125x64xf32, #tpu.memory_space<vmem>>
      %dma_start3A_513 = arith.constant 0 : i32
      %dma_start3A_514 = tpu.memref_slice %arg7[%add3A_504, %dma_start3A_513] : memref<80x125xi32, #tpu.memory_space<vmem>> -> memref<1x125xi32, #tpu.memory_space<vmem>>
      %dma_start3A_515 = tpu.memref_squeeze %dma_start3A_514 : memref<1x125xi32, #tpu.memory_space<vmem>> -> memref<125xi32, #tpu.memory_space<vmem>>
      %dma_start3A_516 = arith.constant 0 : i32
      %dma_start3A_517 = arith.constant 0 : i32
      %dma_start3A_518 = tpu.memref_slice %arg4[%dma_start3A_516, %dma_start3A_517] : memref<10000x64xf32, #tpu.memory_space<hbm>> -> memref<10000x64xf32, #tpu.memory_space<hbm>>
      tpu.enqueue_indirect_dma source(%dma_start3A_518 : memref<10000x64xf32, #tpu.memory_space<hbm>>) target(%dma_start3A_512 : memref<125x64xf32, #tpu.memory_space<vmem>>) offsets(%dma_start3A_515 : memref<125xi32, #tpu.memory_space<vmem>>) semaphore(%arg12 : memref<!tpu.dma_semaphore, #tpu.memory_space<semaphore_mem>>)
      %mul3A_519 = arith.constant 2 : i32
      %mul3A_520 = arith.muli %add3A_500, %mul3A_519 : i32
      %add3A_521 = arith.constant 1 : i32
      %add3A_522 = arith.addi %mul3A_520, %add3A_521 : i32
      %dma_start3A_523 = arith.constant 1 : i32
      %dma_start3A_524 = arith.constant 0 : i32
      %dma_start3A_525 = arith.constant 0 : i32
      %dma_start3A_526 = tpu.memref_slice %arg9[%dma_start3A_523, %dma_start3A_524, %dma_start3A_525] : memref<3x250x64xf32, #tpu.memory_space<vmem>> -> memref<1x250x64xf32, #tpu.memory_space<vmem>>
      %dma_start3A_527 = tpu.memref_squeeze %dma_start3A_526 : memref<1x250x64xf32, #tpu.memory_space<vmem>> -> memref<250x64xf32, #tpu.memory_space<vmem>>
      %dma_start3A_528 = arith.constant 125 : i32
      %dma_start3A_529 = arith.constant 0 : i32
      %dma_start3A_530 = tpu.memref_slice %dma_start3A_527[%dma_start3A_528, %dma_start3A_529] : memref<250x64xf32, #tpu.memory_space<vmem>> -> memref<125x64xf32, #tpu.memory_space<vmem>>
      %dma_start3A_531 = arith.constant 0 : i32
      %dma_start3A_532 = tpu.memref_slice %arg7[%add3A_522, %dma_start3A_531] : memref<80x125xi32, #tpu.memory_space<vmem>> -> memref<1x125xi32, #tpu.memory_space<vmem>>
      %dma_start3A_533 = tpu.memref_squeeze %dma_start3A_532 : memref<1x125xi32, #tpu.memory_space<vmem>> -> memref<125xi32, #tpu.memory_space<vmem>>
      %dma_start3A_534 = arith.constant 0 : i32
      %dma_start3A_535 = arith.constant 0 : i32
      %dma_start3A_536 = tpu.memref_slice %arg4[%dma_start3A_534, %dma_start3A_535] : memref<10000x64xf32, #tpu.memory_space<hbm>> -> memref<10000x64xf32, #tpu.memory_space<hbm>>
      tpu.enqueue_indirect_dma source(%dma_start3A_536 : memref<10000x64xf32, #tpu.memory_space<hbm>>) target(%dma_start3A_530 : memref<125x64xf32, #tpu.memory_space<vmem>>) offsets(%dma_start3A_533 : memref<125xi32, #tpu.memory_space<vmem>>) semaphore(%arg12 : memref<!tpu.dma_semaphore, #tpu.memory_space<semaphore_mem>>)
      %dma_wait3A_537 = arith.constant 2 : i32
      %dma_wait3A_538 = arith.constant 0 : i32
      %dma_wait3A_539 = arith.constant 0 : i32
      %dma_wait3A_540 = tpu.memref_slice %arg9[%dma_wait3A_537, %dma_wait3A_538, %dma_wait3A_539] : memref<3x250x64xf32, #tpu.memory_space<vmem>> -> memref<1x250x64xf32, #tpu.memory_space<vmem>>
      %dma_wait3A_541 = tpu.memref_squeeze %dma_wait3A_540 : memref<1x250x64xf32, #tpu.memory_space<vmem>> -> memref<250x64xf32, #tpu.memory_space<vmem>>
      %dma_wait3A_542 = arith.constant 0 : i32
      %dma_wait3A_543 = arith.constant 0 : i32
      %dma_wait3A_544 = tpu.memref_slice %arg4[%dma_wait3A_542, %dma_wait3A_543] : memref<10000x64xf32, #tpu.memory_space<hbm>> -> memref<250x64xf32, #tpu.memory_space<hbm>>
      %dma_wait3A_545 = arith.constant 0 : i32
      %dma_wait3A_546 = arith.constant 0 : i32
      %dma_wait3A_547 = tpu.memref_slice %arg9[%dma_wait3A_537, %dma_wait3A_545, %dma_wait3A_546] : memref<3x250x64xf32, #tpu.memory_space<vmem>> -> memref<1x250x64xf32, #tpu.memory_space<vmem>>
      %dma_wait3A_548 = tpu.memref_squeeze %dma_wait3A_547 : memref<1x250x64xf32, #tpu.memory_space<vmem>> -> memref<250x64xf32, #tpu.memory_space<vmem>>
      %dma_wait3A_549 = arith.constant 0 : i32
      %dma_wait3A_550 = arith.constant 0 : i32
      %dma_wait3A_551 = tpu.memref_slice %arg4[%dma_wait3A_549, %dma_wait3A_550] : memref<10000x64xf32, #tpu.memory_space<hbm>> -> memref<250x64xf32, #tpu.memory_space<hbm>>
      tpu.wait_dma2 semaphore(%arg13 : memref<!tpu.dma_semaphore, #tpu.memory_space<semaphore_mem>>) src(%dma_wait3A_551 : memref<250x64xf32, #tpu.memory_space<hbm>>) dst(%dma_wait3A_548 : memref<250x64xf32, #tpu.memory_space<vmem>>)
      %mul3A_552 = arith.constant 2 : i32
      %mul3A_553 = arith.muli %add3A_483, %mul3A_552 : i32
      %add3A_554 = arith.constant 0 : i32
      %add3A_555 = arith.addi %mul3A_553, %add3A_554 : i32
      %dma_start3A_556 = arith.constant 2 : i32
      %dma_start3A_557 = arith.constant 0 : i32
      %dma_start3A_558 = arith.constant 0 : i32
      %dma_start3A_559 = tpu.memref_slice %arg9[%dma_start3A_556, %dma_start3A_557, %dma_start3A_558] : memref<3x250x64xf32, #tpu.memory_space<vmem>> -> memref<1x250x64xf32, #tpu.memory_space<vmem>>
      %dma_start3A_560 = tpu.memref_squeeze %dma_start3A_559 : memref<1x250x64xf32, #tpu.memory_space<vmem>> -> memref<250x64xf32, #tpu.memory_space<vmem>>
      %dma_start3A_561 = arith.constant 0 : i32
      %dma_start3A_562 = arith.constant 0 : i32
      %dma_start3A_563 = tpu.memref_slice %dma_start3A_560[%dma_start3A_561, %dma_start3A_562] : memref<250x64xf32, #tpu.memory_space<vmem>> -> memref<125x64xf32, #tpu.memory_space<vmem>>
      %dma_start3A_564 = arith.constant 0 : i32
      %dma_start3A_565 = tpu.memref_slice %arg8[%add3A_555, %dma_start3A_564] : memref<80x125xi32, #tpu.memory_space<vmem>> -> memref<1x125xi32, #tpu.memory_space<vmem>>
      %dma_start3A_566 = tpu.memref_squeeze %dma_start3A_565 : memref<1x125xi32, #tpu.memory_space<vmem>> -> memref<125xi32, #tpu.memory_space<vmem>>
      %dma_start3A_567 = arith.constant 0 : i32
      %dma_start3A_568 = arith.constant 0 : i32
      %dma_start3A_569 = tpu.memref_slice %arg10[%dma_start3A_567, %dma_start3A_568] : memref<10240x64xf32, #tpu.memory_space<vmem_shared>> -> memref<10240x64xf32, #tpu.memory_space<vmem_shared>>
      tpu.enqueue_indirect_dma source(%dma_start3A_563 : memref<125x64xf32, #tpu.memory_space<vmem>>) target(%dma_start3A_569 : memref<10240x64xf32, #tpu.memory_space<vmem_shared>>) offsets(%dma_start3A_566 : memref<125xi32, #tpu.memory_space<vmem>>) semaphore(%arg16 : memref<!tpu.dma_semaphore, #tpu.memory_space<semaphore_mem>>) {add = true}
      %mul3A_570 = arith.constant 2 : i32
      %mul3A_571 = arith.muli %add3A_483, %mul3A_570 : i32
      %add3A_572 = arith.constant 1 : i32
      %add3A_573 = arith.addi %mul3A_571, %add3A_572 : i32
      %dma_start3A_574 = arith.constant 2 : i32
      %dma_start3A_575 = arith.constant 0 : i32
      %dma_start3A_576 = arith.constant 0 : i32
      %dma_start3A_577 = tpu.memref_slice %arg9[%dma_start3A_574, %dma_start3A_575, %dma_start3A_576] : memref<3x250x64xf32, #tpu.memory_space<vmem>> -> memref<1x250x64xf32, #tpu.memory_space<vmem>>
      %dma_start3A_578 = tpu.memref_squeeze %dma_start3A_577 : memref<1x250x64xf32, #tpu.memory_space<vmem>> -> memref<250x64xf32, #tpu.memory_space<vmem>>
      %dma_start3A_579 = arith.constant 125 : i32
      %dma_start3A_580 = arith.constant 0 : i32
      %dma_start3A_581 = tpu.memref_slice %dma_start3A_578[%dma_start3A_579, %dma_start3A_580] : memref<250x64xf32, #tpu.memory_space<vmem>> -> memref<125x64xf32, #tpu.memory_space<vmem>>
      %dma_start3A_582 = arith.constant 0 : i32
      %dma_start3A_583 = tpu.memref_slice %arg8[%add3A_573, %dma_start3A_582] : memref<80x125xi32, #tpu.memory_space<vmem>> -> memref<1x125xi32, #tpu.memory_space<vmem>>
      %dma_start3A_584 = tpu.memref_squeeze %dma_start3A_583 : memref<1x125xi32, #tpu.memory_space<vmem>> -> memref<125xi32, #tpu.memory_space<vmem>>
      %dma_start3A_585 = arith.constant 0 : i32
      %dma_start3A_586 = arith.constant 0 : i32
      %dma_start3A_587 = tpu.memref_slice %arg10[%dma_start3A_585, %dma_start3A_586] : memref<10240x64xf32, #tpu.memory_space<vmem_shared>> -> memref<10240x64xf32, #tpu.memory_space<vmem_shared>>
      tpu.enqueue_indirect_dma source(%dma_start3A_581 : memref<125x64xf32, #tpu.memory_space<vmem>>) target(%dma_start3A_587 : memref<10240x64xf32, #tpu.memory_space<vmem_shared>>) offsets(%dma_start3A_584 : memref<125xi32, #tpu.memory_space<vmem>>) semaphore(%arg16 : memref<!tpu.dma_semaphore, #tpu.memory_space<semaphore_mem>>) {add = true}
      %add3A_588 = arith.constant 2 : i32
      %add3A_589 = arith.addi %add3A_377, %add3A_588 : i32
      %dma_wait3A_590 = arith.constant 2 : i32
      %dma_wait3A_591 = arith.constant 0 : i32
      %dma_wait3A_592 = arith.constant 0 : i32
      %dma_wait3A_593 = tpu.memref_slice %arg9[%dma_wait3A_590, %dma_wait3A_591, %dma_wait3A_592] : memref<3x250x64xf32, #tpu.memory_space<vmem>> -> memref<1x250x64xf32, #tpu.memory_space<vmem>>
      %dma_wait3A_594 = tpu.memref_squeeze %dma_wait3A_593 : memref<1x250x64xf32, #tpu.memory_space<vmem>> -> memref<250x64xf32, #tpu.memory_space<vmem>>
      %dma_wait3A_595 = arith.constant 0 : i32
      %dma_wait3A_596 = arith.constant 0 : i32
      %dma_wait3A_597 = tpu.memref_slice %arg4[%dma_wait3A_595, %dma_wait3A_596] : memref<10000x64xf32, #tpu.memory_space<hbm>> -> memref<250x64xf32, #tpu.memory_space<hbm>>
      %dma_wait3A_598 = arith.constant 0 : i32
      %dma_wait3A_599 = arith.constant 0 : i32
      %dma_wait3A_600 = tpu.memref_slice %arg9[%dma_wait3A_590, %dma_wait3A_598, %dma_wait3A_599] : memref<3x250x64xf32, #tpu.memory_space<vmem>> -> memref<1x250x64xf32, #tpu.memory_space<vmem>>
      %dma_wait3A_601 = tpu.memref_squeeze %dma_wait3A_600 : memref<1x250x64xf32, #tpu.memory_space<vmem>> -> memref<250x64xf32, #tpu.memory_space<vmem>>
      %dma_wait3A_602 = arith.constant 0 : i32
      %dma_wait3A_603 = arith.constant 0 : i32
      %dma_wait3A_604 = tpu.memref_slice %arg4[%dma_wait3A_602, %dma_wait3A_603] : memref<10000x64xf32, #tpu.memory_space<hbm>> -> memref<250x64xf32, #tpu.memory_space<hbm>>
      tpu.wait_dma2 semaphore(%arg16 : memref<!tpu.dma_semaphore, #tpu.memory_space<semaphore_mem>>) src(%dma_wait3A_604 : memref<250x64xf32, #tpu.memory_space<hbm>>) dst(%dma_wait3A_601 : memref<250x64xf32, #tpu.memory_space<vmem>>)
      %add3A_605 = arith.constant 2 : i32
      %add3A_606 = arith.addi %add3A_589, %add3A_605 : i32
      %mul3A_607 = arith.constant 2 : i32
      %mul3A_608 = arith.muli %add3A_606, %mul3A_607 : i32
      %add3A_609 = arith.constant 0 : i32
      %add3A_610 = arith.addi %mul3A_608, %add3A_609 : i32
      %dma_start3A_611 = arith.constant 2 : i32
      %dma_start3A_612 = arith.constant 0 : i32
      %dma_start3A_613 = arith.constant 0 : i32
      %dma_start3A_614 = tpu.memref_slice %arg9[%dma_start3A_611, %dma_start3A_612, %dma_start3A_613] : memref<3x250x64xf32, #tpu.memory_space<vmem>> -> memref<1x250x64xf32, #tpu.memory_space<vmem>>
      %dma_start3A_615 = tpu.memref_squeeze %dma_start3A_614 : memref<1x250x64xf32, #tpu.memory_space<vmem>> -> memref<250x64xf32, #tpu.memory_space<vmem>>
      %dma_start3A_616 = arith.constant 0 : i32
      %dma_start3A_617 = arith.constant 0 : i32
      %dma_start3A_618 = tpu.memref_slice %dma_start3A_615[%dma_start3A_616, %dma_start3A_617] : memref<250x64xf32, #tpu.memory_space<vmem>> -> memref<125x64xf32, #tpu.memory_space<vmem>>
      %dma_start3A_619 = arith.constant 0 : i32
      %dma_start3A_620 = tpu.memref_slice %arg7[%add3A_610, %dma_start3A_619] : memref<80x125xi32, #tpu.memory_space<vmem>> -> memref<1x125xi32, #tpu.memory_space<vmem>>
      %dma_start3A_621 = tpu.memref_squeeze %dma_start3A_620 : memref<1x125xi32, #tpu.memory_space<vmem>> -> memref<125xi32, #tpu.memory_space<vmem>>
      %dma_start3A_622 = arith.constant 0 : i32
      %dma_start3A_623 = arith.constant 0 : i32
      %dma_start3A_624 = tpu.memref_slice %arg4[%dma_start3A_622, %dma_start3A_623] : memref<10000x64xf32, #tpu.memory_space<hbm>> -> memref<10000x64xf32, #tpu.memory_space<hbm>>
      tpu.enqueue_indirect_dma source(%dma_start3A_624 : memref<10000x64xf32, #tpu.memory_space<hbm>>) target(%dma_start3A_618 : memref<125x64xf32, #tpu.memory_space<vmem>>) offsets(%dma_start3A_621 : memref<125xi32, #tpu.memory_space<vmem>>) semaphore(%arg13 : memref<!tpu.dma_semaphore, #tpu.memory_space<semaphore_mem>>)
      %mul3A_625 = arith.constant 2 : i32
      %mul3A_626 = arith.muli %add3A_606, %mul3A_625 : i32
      %add3A_627 = arith.constant 1 : i32
      %add3A_628 = arith.addi %mul3A_626, %add3A_627 : i32
      %dma_start3A_629 = arith.constant 2 : i32
      %dma_start3A_630 = arith.constant 0 : i32
      %dma_start3A_631 = arith.constant 0 : i32
      %dma_start3A_632 = tpu.memref_slice %arg9[%dma_start3A_629, %dma_start3A_630, %dma_start3A_631] : memref<3x250x64xf32, #tpu.memory_space<vmem>> -> memref<1x250x64xf32, #tpu.memory_space<vmem>>
      %dma_start3A_633 = tpu.memref_squeeze %dma_start3A_632 : memref<1x250x64xf32, #tpu.memory_space<vmem>> -> memref<250x64xf32, #tpu.memory_space<vmem>>
      %dma_start3A_634 = arith.constant 125 : i32
      %dma_start3A_635 = arith.constant 0 : i32
      %dma_start3A_636 = tpu.memref_slice %dma_start3A_633[%dma_start3A_634, %dma_start3A_635] : memref<250x64xf32, #tpu.memory_space<vmem>> -> memref<125x64xf32, #tpu.memory_space<vmem>>
      %dma_start3A_637 = arith.constant 0 : i32
      %dma_start3A_638 = tpu.memref_slice %arg7[%add3A_628, %dma_start3A_637] : memref<80x125xi32, #tpu.memory_space<vmem>> -> memref<1x125xi32, #tpu.memory_space<vmem>>
      %dma_start3A_639 = tpu.memref_squeeze %dma_start3A_638 : memref<1x125xi32, #tpu.memory_space<vmem>> -> memref<125xi32, #tpu.memory_space<vmem>>
      %dma_start3A_640 = arith.constant 0 : i32
      %dma_start3A_641 = arith.constant 0 : i32
      %dma_start3A_642 = tpu.memref_slice %arg4[%dma_start3A_640, %dma_start3A_641] : memref<10000x64xf32, #tpu.memory_space<hbm>> -> memref<10000x64xf32, #tpu.memory_space<hbm>>
      tpu.enqueue_indirect_dma source(%dma_start3A_642 : memref<10000x64xf32, #tpu.memory_space<hbm>>) target(%dma_start3A_636 : memref<125x64xf32, #tpu.memory_space<vmem>>) offsets(%dma_start3A_639 : memref<125xi32, #tpu.memory_space<vmem>>) semaphore(%arg13 : memref<!tpu.dma_semaphore, #tpu.memory_space<semaphore_mem>>)
      %dma_wait3A_643 = arith.constant 0 : i32
      %dma_wait3A_644 = arith.constant 0 : i32
      %dma_wait3A_645 = arith.constant 0 : i32
      %dma_wait3A_646 = tpu.memref_slice %arg9[%dma_wait3A_643, %dma_wait3A_644, %dma_wait3A_645] : memref<3x250x64xf32, #tpu.memory_space<vmem>> -> memref<1x250x64xf32, #tpu.memory_space<vmem>>
      %dma_wait3A_647 = tpu.memref_squeeze %dma_wait3A_646 : memref<1x250x64xf32, #tpu.memory_space<vmem>> -> memref<250x64xf32, #tpu.memory_space<vmem>>
      %dma_wait3A_648 = arith.constant 0 : i32
      %dma_wait3A_649 = arith.constant 0 : i32
      %dma_wait3A_650 = tpu.memref_slice %arg4[%dma_wait3A_648, %dma_wait3A_649] : memref<10000x64xf32, #tpu.memory_space<hbm>> -> memref<250x64xf32, #tpu.memory_space<hbm>>
      %dma_wait3A_651 = arith.constant 0 : i32
      %dma_wait3A_652 = arith.constant 0 : i32
      %dma_wait3A_653 = tpu.memref_slice %arg9[%dma_wait3A_643, %dma_wait3A_651, %dma_wait3A_652] : memref<3x250x64xf32, #tpu.memory_space<vmem>> -> memref<1x250x64xf32, #tpu.memory_space<vmem>>
      %dma_wait3A_654 = tpu.memref_squeeze %dma_wait3A_653 : memref<1x250x64xf32, #tpu.memory_space<vmem>> -> memref<250x64xf32, #tpu.memory_space<vmem>>
      %dma_wait3A_655 = arith.constant 0 : i32
      %dma_wait3A_656 = arith.constant 0 : i32
      %dma_wait3A_657 = tpu.memref_slice %arg4[%dma_wait3A_655, %dma_wait3A_656] : memref<10000x64xf32, #tpu.memory_space<hbm>> -> memref<250x64xf32, #tpu.memory_space<hbm>>
      tpu.wait_dma2 semaphore(%arg11 : memref<!tpu.dma_semaphore, #tpu.memory_space<semaphore_mem>>) src(%dma_wait3A_657 : memref<250x64xf32, #tpu.memory_space<hbm>>) dst(%dma_wait3A_654 : memref<250x64xf32, #tpu.memory_space<vmem>>)
      %mul3A_658 = arith.constant 2 : i32
      %mul3A_659 = arith.muli %add3A_589, %mul3A_658 : i32
      %add3A_660 = arith.constant 0 : i32
      %add3A_661 = arith.addi %mul3A_659, %add3A_660 : i32
      %dma_start3A_662 = arith.constant 0 : i32
      %dma_start3A_663 = arith.constant 0 : i32
      %dma_start3A_664 = arith.constant 0 : i32
      %dma_start3A_665 = tpu.memref_slice %arg9[%dma_start3A_662, %dma_start3A_663, %dma_start3A_664] : memref<3x250x64xf32, #tpu.memory_space<vmem>> -> memref<1x250x64xf32, #tpu.memory_space<vmem>>
      %dma_start3A_666 = tpu.memref_squeeze %dma_start3A_665 : memref<1x250x64xf32, #tpu.memory_space<vmem>> -> memref<250x64xf32, #tpu.memory_space<vmem>>
      %dma_start3A_667 = arith.constant 0 : i32
      %dma_start3A_668 = arith.constant 0 : i32
      %dma_start3A_669 = tpu.memref_slice %dma_start3A_666[%dma_start3A_667, %dma_start3A_668] : memref<250x64xf32, #tpu.memory_space<vmem>> -> memref<125x64xf32, #tpu.memory_space<vmem>>
      %dma_start3A_670 = arith.constant 0 : i32
      %dma_start3A_671 = tpu.memref_slice %arg8[%add3A_661, %dma_start3A_670] : memref<80x125xi32, #tpu.memory_space<vmem>> -> memref<1x125xi32, #tpu.memory_space<vmem>>
      %dma_start3A_672 = tpu.memref_squeeze %dma_start3A_671 : memref<1x125xi32, #tpu.memory_space<vmem>> -> memref<125xi32, #tpu.memory_space<vmem>>
      %dma_start3A_673 = arith.constant 0 : i32
      %dma_start3A_674 = arith.constant 0 : i32
      %dma_start3A_675 = tpu.memref_slice %arg10[%dma_start3A_673, %dma_start3A_674] : memref<10240x64xf32, #tpu.memory_space<vmem_shared>> -> memref<10240x64xf32, #tpu.memory_space<vmem_shared>>
      tpu.enqueue_indirect_dma source(%dma_start3A_669 : memref<125x64xf32, #tpu.memory_space<vmem>>) target(%dma_start3A_675 : memref<10240x64xf32, #tpu.memory_space<vmem_shared>>) offsets(%dma_start3A_672 : memref<125xi32, #tpu.memory_space<vmem>>) semaphore(%arg14 : memref<!tpu.dma_semaphore, #tpu.memory_space<semaphore_mem>>) {add = true}
      %mul3A_676 = arith.constant 2 : i32
      %mul3A_677 = arith.muli %add3A_589, %mul3A_676 : i32
      %add3A_678 = arith.constant 1 : i32
      %add3A_679 = arith.addi %mul3A_677, %add3A_678 : i32
      %dma_start3A_680 = arith.constant 0 : i32
      %dma_start3A_681 = arith.constant 0 : i32
      %dma_start3A_682 = arith.constant 0 : i32
      %dma_start3A_683 = tpu.memref_slice %arg9[%dma_start3A_680, %dma_start3A_681, %dma_start3A_682] : memref<3x250x64xf32, #tpu.memory_space<vmem>> -> memref<1x250x64xf32, #tpu.memory_space<vmem>>
      %dma_start3A_684 = tpu.memref_squeeze %dma_start3A_683 : memref<1x250x64xf32, #tpu.memory_space<vmem>> -> memref<250x64xf32, #tpu.memory_space<vmem>>
      %dma_start3A_685 = arith.constant 125 : i32
      %dma_start3A_686 = arith.constant 0 : i32
      %dma_start3A_687 = tpu.memref_slice %dma_start3A_684[%dma_start3A_685, %dma_start3A_686] : memref<250x64xf32, #tpu.memory_space<vmem>> -> memref<125x64xf32, #tpu.memory_space<vmem>>
      %dma_start3A_688 = arith.constant 0 : i32
      %dma_start3A_689 = tpu.memref_slice %arg8[%add3A_679, %dma_start3A_688] : memref<80x125xi32, #tpu.memory_space<vmem>> -> memref<1x125xi32, #tpu.memory_space<vmem>>
      %dma_start3A_690 = tpu.memref_squeeze %dma_start3A_689 : memref<1x125xi32, #tpu.memory_space<vmem>> -> memref<125xi32, #tpu.memory_space<vmem>>
      %dma_start3A_691 = arith.constant 0 : i32
      %dma_start3A_692 = arith.constant 0 : i32
      %dma_start3A_693 = tpu.memref_slice %arg10[%dma_start3A_691, %dma_start3A_692] : memref<10240x64xf32, #tpu.memory_space<vmem_shared>> -> memref<10240x64xf32, #tpu.memory_space<vmem_shared>>
      tpu.enqueue_indirect_dma source(%dma_start3A_687 : memref<125x64xf32, #tpu.memory_space<vmem>>) target(%dma_start3A_693 : memref<10240x64xf32, #tpu.memory_space<vmem_shared>>) offsets(%dma_start3A_690 : memref<125xi32, #tpu.memory_space<vmem>>) semaphore(%arg14 : memref<!tpu.dma_semaphore, #tpu.memory_space<semaphore_mem>>) {add = true}
    }
    %scan3A_142 = arith.constant 12 : i32
    %dma_wait3A_143 = arith.constant 0 : i32
    %dma_wait3A_144 = arith.constant 0 : i32
    %dma_wait3A_145 = arith.constant 0 : i32
    %dma_wait3A_146 = tpu.memref_slice %arg9[%dma_wait3A_143, %dma_wait3A_144, %dma_wait3A_145] : memref<3x250x64xf32, #tpu.memory_space<vmem>> -> memref<1x250x64xf32, #tpu.memory_space<vmem>>
    %dma_wait3A_147 = tpu.memref_squeeze %dma_wait3A_146 : memref<1x250x64xf32, #tpu.memory_space<vmem>> -> memref<250x64xf32, #tpu.memory_space<vmem>>
    %dma_wait3A_148 = arith.constant 0 : i32
    %dma_wait3A_149 = arith.constant 0 : i32
    %dma_wait3A_150 = tpu.memref_slice %arg4[%dma_wait3A_148, %dma_wait3A_149] : memref<10000x64xf32, #tpu.memory_space<hbm>> -> memref<250x64xf32, #tpu.memory_space<hbm>>
    %dma_wait3A_151 = arith.constant 0 : i32
    %dma_wait3A_152 = arith.constant 0 : i32
    %dma_wait3A_153 = tpu.memref_slice %arg9[%dma_wait3A_143, %dma_wait3A_151, %dma_wait3A_152] : memref<3x250x64xf32, #tpu.memory_space<vmem>> -> memref<1x250x64xf32, #tpu.memory_space<vmem>>
    %dma_wait3A_154 = tpu.memref_squeeze %dma_wait3A_153 : memref<1x250x64xf32, #tpu.memory_space<vmem>> -> memref<250x64xf32, #tpu.memory_space<vmem>>
    %dma_wait3A_155 = arith.constant 0 : i32
    %dma_wait3A_156 = arith.constant 0 : i32
    %dma_wait3A_157 = tpu.memref_slice %arg4[%dma_wait3A_155, %dma_wait3A_156] : memref<10000x64xf32, #tpu.memory_space<hbm>> -> memref<250x64xf32, #tpu.memory_space<hbm>>
    tpu.wait_dma2 semaphore(%arg14 : memref<!tpu.dma_semaphore, #tpu.memory_space<semaphore_mem>>) src(%dma_wait3A_157 : memref<250x64xf32, #tpu.memory_space<hbm>>) dst(%dma_wait3A_154 : memref<250x64xf32, #tpu.memory_space<vmem>>)
    %dma_start3A_158 = arith.constant 78 : i32
    %dma_start3A_159 = arith.constant 0 : i32
    %dma_start3A_160 = arith.constant 0 : i32
    %dma_start3A_161 = arith.constant 0 : i32
    %dma_start3A_162 = tpu.memref_slice %arg9[%dma_start3A_159, %dma_start3A_160, %dma_start3A_161] : memref<3x250x64xf32, #tpu.memory_space<vmem>> -> memref<1x250x64xf32, #tpu.memory_space<vmem>>
    %dma_start3A_163 = tpu.memref_squeeze %dma_start3A_162 : memref<1x250x64xf32, #tpu.memory_space<vmem>> -> memref<250x64xf32, #tpu.memory_space<vmem>>
    %dma_start3A_164 = arith.constant 0 : i32
    %dma_start3A_165 = arith.constant 0 : i32
    %dma_start3A_166 = tpu.memref_slice %dma_start3A_163[%dma_start3A_164, %dma_start3A_165] : memref<250x64xf32, #tpu.memory_space<vmem>> -> memref<125x64xf32, #tpu.memory_space<vmem>>
    %dma_start3A_167 = arith.constant 0 : i32
    %dma_start3A_168 = tpu.memref_slice %arg7[%dma_start3A_158, %dma_start3A_167] : memref<80x125xi32, #tpu.memory_space<vmem>> -> memref<1x125xi32, #tpu.memory_space<vmem>>
    %dma_start3A_169 = tpu.memref_squeeze %dma_start3A_168 : memref<1x125xi32, #tpu.memory_space<vmem>> -> memref<125xi32, #tpu.memory_space<vmem>>
    %dma_start3A_170 = arith.constant 0 : i32
    %dma_start3A_171 = arith.constant 0 : i32
    %dma_start3A_172 = tpu.memref_slice %arg4[%dma_start3A_170, %dma_start3A_171] : memref<10000x64xf32, #tpu.memory_space<hbm>> -> memref<10000x64xf32, #tpu.memory_space<hbm>>
    tpu.enqueue_indirect_dma source(%dma_start3A_172 : memref<10000x64xf32, #tpu.memory_space<hbm>>) target(%dma_start3A_166 : memref<125x64xf32, #tpu.memory_space<vmem>>) offsets(%dma_start3A_169 : memref<125xi32, #tpu.memory_space<vmem>>) semaphore(%arg11 : memref<!tpu.dma_semaphore, #tpu.memory_space<semaphore_mem>>)
    %dma_start3A_173 = arith.constant 79 : i32
    %dma_start3A_174 = arith.constant 0 : i32
    %dma_start3A_175 = arith.constant 0 : i32
    %dma_start3A_176 = arith.constant 0 : i32
    %dma_start3A_177 = tpu.memref_slice %arg9[%dma_start3A_174, %dma_start3A_175, %dma_start3A_176] : memref<3x250x64xf32, #tpu.memory_space<vmem>> -> memref<1x250x64xf32, #tpu.memory_space<vmem>>
    %dma_start3A_178 = tpu.memref_squeeze %dma_start3A_177 : memref<1x250x64xf32, #tpu.memory_space<vmem>> -> memref<250x64xf32, #tpu.memory_space<vmem>>
    %dma_start3A_179 = arith.constant 125 : i32
    %dma_start3A_180 = arith.constant 0 : i32
    %dma_start3A_181 = tpu.memref_slice %dma_start3A_178[%dma_start3A_179, %dma_start3A_180] : memref<250x64xf32, #tpu.memory_space<vmem>> -> memref<125x64xf32, #tpu.memory_space<vmem>>
    %dma_start3A_182 = arith.constant 0 : i32
    %dma_start3A_183 = tpu.memref_slice %arg7[%dma_start3A_173, %dma_start3A_182] : memref<80x125xi32, #tpu.memory_space<vmem>> -> memref<1x125xi32, #tpu.memory_space<vmem>>
    %dma_start3A_184 = tpu.memref_squeeze %dma_start3A_183 : memref<1x125xi32, #tpu.memory_space<vmem>> -> memref<125xi32, #tpu.memory_space<vmem>>
    %dma_start3A_185 = arith.constant 0 : i32
    %dma_start3A_186 = arith.constant 0 : i32
    %dma_start3A_187 = tpu.memref_slice %arg4[%dma_start3A_185, %dma_start3A_186] : memref<10000x64xf32, #tpu.memory_space<hbm>> -> memref<10000x64xf32, #tpu.memory_space<hbm>>
    tpu.enqueue_indirect_dma source(%dma_start3A_187 : memref<10000x64xf32, #tpu.memory_space<hbm>>) target(%dma_start3A_181 : memref<125x64xf32, #tpu.memory_space<vmem>>) offsets(%dma_start3A_184 : memref<125xi32, #tpu.memory_space<vmem>>) semaphore(%arg11 : memref<!tpu.dma_semaphore, #tpu.memory_space<semaphore_mem>>)
    %dma_wait3A_188 = arith.constant 1 : i32
    %dma_wait3A_189 = arith.constant 0 : i32
    %dma_wait3A_190 = arith.constant 0 : i32
    %dma_wait3A_191 = tpu.memref_slice %arg9[%dma_wait3A_188, %dma_wait3A_189, %dma_wait3A_190] : memref<3x250x64xf32, #tpu.memory_space<vmem>> -> memref<1x250x64xf32, #tpu.memory_space<vmem>>
    %dma_wait3A_192 = tpu.memref_squeeze %dma_wait3A_191 : memref<1x250x64xf32, #tpu.memory_space<vmem>> -> memref<250x64xf32, #tpu.memory_space<vmem>>
    %dma_wait3A_193 = arith.constant 0 : i32
    %dma_wait3A_194 = arith.constant 0 : i32
    %dma_wait3A_195 = tpu.memref_slice %arg4[%dma_wait3A_193, %dma_wait3A_194] : memref<10000x64xf32, #tpu.memory_space<hbm>> -> memref<250x64xf32, #tpu.memory_space<hbm>>
    %dma_wait3A_196 = arith.constant 0 : i32
    %dma_wait3A_197 = arith.constant 0 : i32
    %dma_wait3A_198 = tpu.memref_slice %arg9[%dma_wait3A_188, %dma_wait3A_196, %dma_wait3A_197] : memref<3x250x64xf32, #tpu.memory_space<vmem>> -> memref<1x250x64xf32, #tpu.memory_space<vmem>>
    %dma_wait3A_199 = tpu.memref_squeeze %dma_wait3A_198 : memref<1x250x64xf32, #tpu.memory_space<vmem>> -> memref<250x64xf32, #tpu.memory_space<vmem>>
    %dma_wait3A_200 = arith.constant 0 : i32
    %dma_wait3A_201 = arith.constant 0 : i32
    %dma_wait3A_202 = tpu.memref_slice %arg4[%dma_wait3A_200, %dma_wait3A_201] : memref<10000x64xf32, #tpu.memory_space<hbm>> -> memref<250x64xf32, #tpu.memory_space<hbm>>
    tpu.wait_dma2 semaphore(%arg12 : memref<!tpu.dma_semaphore, #tpu.memory_space<semaphore_mem>>) src(%dma_wait3A_202 : memref<250x64xf32, #tpu.memory_space<hbm>>) dst(%dma_wait3A_199 : memref<250x64xf32, #tpu.memory_space<vmem>>)
    %dma_start3A_203 = arith.constant 1 : i32
    %dma_start3A_204 = arith.constant 74 : i32
    %dma_start3A_205 = arith.constant 0 : i32
    %dma_start3A_206 = arith.constant 0 : i32
    %dma_start3A_207 = tpu.memref_slice %arg9[%dma_start3A_203, %dma_start3A_205, %dma_start3A_206] : memref<3x250x64xf32, #tpu.memory_space<vmem>> -> memref<1x250x64xf32, #tpu.memory_space<vmem>>
    %dma_start3A_208 = tpu.memref_squeeze %dma_start3A_207 : memref<1x250x64xf32, #tpu.memory_space<vmem>> -> memref<250x64xf32, #tpu.memory_space<vmem>>
    %dma_start3A_209 = arith.constant 0 : i32
    %dma_start3A_210 = arith.constant 0 : i32
    %dma_start3A_211 = tpu.memref_slice %dma_start3A_208[%dma_start3A_209, %dma_start3A_210] : memref<250x64xf32, #tpu.memory_space<vmem>> -> memref<125x64xf32, #tpu.memory_space<vmem>>
    %dma_start3A_212 = arith.constant 0 : i32
    %dma_start3A_213 = tpu.memref_slice %arg8[%dma_start3A_204, %dma_start3A_212] : memref<80x125xi32, #tpu.memory_space<vmem>> -> memref<1x125xi32, #tpu.memory_space<vmem>>
    %dma_start3A_214 = tpu.memref_squeeze %dma_start3A_213 : memref<1x125xi32, #tpu.memory_space<vmem>> -> memref<125xi32, #tpu.memory_space<vmem>>
    %dma_start3A_215 = arith.constant 0 : i32
    %dma_start3A_216 = arith.constant 0 : i32
    %dma_start3A_217 = tpu.memref_slice %arg10[%dma_start3A_215, %dma_start3A_216] : memref<10240x64xf32, #tpu.memory_space<vmem_shared>> -> memref<10240x64xf32, #tpu.memory_space<vmem_shared>>
    tpu.enqueue_indirect_dma source(%dma_start3A_211 : memref<125x64xf32, #tpu.memory_space<vmem>>) target(%dma_start3A_217 : memref<10240x64xf32, #tpu.memory_space<vmem_shared>>) offsets(%dma_start3A_214 : memref<125xi32, #tpu.memory_space<vmem>>) semaphore(%arg15 : memref<!tpu.dma_semaphore, #tpu.memory_space<semaphore_mem>>) {add = true}
    %dma_start3A_218 = arith.constant 1 : i32
    %dma_start3A_219 = arith.constant 75 : i32
    %dma_start3A_220 = arith.constant 0 : i32
    %dma_start3A_221 = arith.constant 0 : i32
    %dma_start3A_222 = tpu.memref_slice %arg9[%dma_start3A_218, %dma_start3A_220, %dma_start3A_221] : memref<3x250x64xf32, #tpu.memory_space<vmem>> -> memref<1x250x64xf32, #tpu.memory_space<vmem>>
    %dma_start3A_223 = tpu.memref_squeeze %dma_start3A_222 : memref<1x250x64xf32, #tpu.memory_space<vmem>> -> memref<250x64xf32, #tpu.memory_space<vmem>>
    %dma_start3A_224 = arith.constant 125 : i32
    %dma_start3A_225 = arith.constant 0 : i32
    %dma_start3A_226 = tpu.memref_slice %dma_start3A_223[%dma_start3A_224, %dma_start3A_225] : memref<250x64xf32, #tpu.memory_space<vmem>> -> memref<125x64xf32, #tpu.memory_space<vmem>>
    %dma_start3A_227 = arith.constant 0 : i32
    %dma_start3A_228 = tpu.memref_slice %arg8[%dma_start3A_219, %dma_start3A_227] : memref<80x125xi32, #tpu.memory_space<vmem>> -> memref<1x125xi32, #tpu.memory_space<vmem>>
    %dma_start3A_229 = tpu.memref_squeeze %dma_start3A_228 : memref<1x125xi32, #tpu.memory_space<vmem>> -> memref<125xi32, #tpu.memory_space<vmem>>
    %dma_start3A_230 = arith.constant 0 : i32
    %dma_start3A_231 = arith.constant 0 : i32
    %dma_start3A_232 = tpu.memref_slice %arg10[%dma_start3A_230, %dma_start3A_231] : memref<10240x64xf32, #tpu.memory_space<vmem_shared>> -> memref<10240x64xf32, #tpu.memory_space<vmem_shared>>
    tpu.enqueue_indirect_dma source(%dma_start3A_226 : memref<125x64xf32, #tpu.memory_space<vmem>>) target(%dma_start3A_232 : memref<10240x64xf32, #tpu.memory_space<vmem_shared>>) offsets(%dma_start3A_229 : memref<125xi32, #tpu.memory_space<vmem>>) semaphore(%arg15 : memref<!tpu.dma_semaphore, #tpu.memory_space<semaphore_mem>>) {add = true}
    %dma_wait3A_233 = arith.constant 2 : i32
    %dma_wait3A_234 = arith.constant 0 : i32
    %dma_wait3A_235 = arith.constant 0 : i32
    %dma_wait3A_236 = tpu.memref_slice %arg9[%dma_wait3A_233, %dma_wait3A_234, %dma_wait3A_235] : memref<3x250x64xf32, #tpu.memory_space<vmem>> -> memref<1x250x64xf32, #tpu.memory_space<vmem>>
    %dma_wait3A_237 = tpu.memref_squeeze %dma_wait3A_236 : memref<1x250x64xf32, #tpu.memory_space<vmem>> -> memref<250x64xf32, #tpu.memory_space<vmem>>
    %dma_wait3A_238 = arith.constant 0 : i32
    %dma_wait3A_239 = arith.constant 0 : i32
    %dma_wait3A_240 = tpu.memref_slice %arg4[%dma_wait3A_238, %dma_wait3A_239] : memref<10000x64xf32, #tpu.memory_space<hbm>> -> memref<250x64xf32, #tpu.memory_space<hbm>>
    %dma_wait3A_241 = arith.constant 0 : i32
    %dma_wait3A_242 = arith.constant 0 : i32
    %dma_wait3A_243 = tpu.memref_slice %arg9[%dma_wait3A_233, %dma_wait3A_241, %dma_wait3A_242] : memref<3x250x64xf32, #tpu.memory_space<vmem>> -> memref<1x250x64xf32, #tpu.memory_space<vmem>>
    %dma_wait3A_244 = tpu.memref_squeeze %dma_wait3A_243 : memref<1x250x64xf32, #tpu.memory_space<vmem>> -> memref<250x64xf32, #tpu.memory_space<vmem>>
    %dma_wait3A_245 = arith.constant 0 : i32
    %dma_wait3A_246 = arith.constant 0 : i32
    %dma_wait3A_247 = tpu.memref_slice %arg4[%dma_wait3A_245, %dma_wait3A_246] : memref<10000x64xf32, #tpu.memory_space<hbm>> -> memref<250x64xf32, #tpu.memory_space<hbm>>
    tpu.wait_dma2 semaphore(%arg13 : memref<!tpu.dma_semaphore, #tpu.memory_space<semaphore_mem>>) src(%dma_wait3A_247 : memref<250x64xf32, #tpu.memory_space<hbm>>) dst(%dma_wait3A_244 : memref<250x64xf32, #tpu.memory_space<vmem>>)
    %dma_start3A_248 = arith.constant 2 : i32
    %dma_start3A_249 = arith.constant 76 : i32
    %dma_start3A_250 = arith.constant 0 : i32
    %dma_start3A_251 = arith.constant 0 : i32
    %dma_start3A_252 = tpu.memref_slice %arg9[%dma_start3A_248, %dma_start3A_250, %dma_start3A_251] : memref<3x250x64xf32, #tpu.memory_space<vmem>> -> memref<1x250x64xf32, #tpu.memory_space<vmem>>
    %dma_start3A_253 = tpu.memref_squeeze %dma_start3A_252 : memref<1x250x64xf32, #tpu.memory_space<vmem>> -> memref<250x64xf32, #tpu.memory_space<vmem>>
    %dma_start3A_254 = arith.constant 0 : i32
    %dma_start3A_255 = arith.constant 0 : i32
    %dma_start3A_256 = tpu.memref_slice %dma_start3A_253[%dma_start3A_254, %dma_start3A_255] : memref<250x64xf32, #tpu.memory_space<vmem>> -> memref<125x64xf32, #tpu.memory_space<vmem>>
    %dma_start3A_257 = arith.constant 0 : i32
    %dma_start3A_258 = tpu.memref_slice %arg8[%dma_start3A_249, %dma_start3A_257] : memref<80x125xi32, #tpu.memory_space<vmem>> -> memref<1x125xi32, #tpu.memory_space<vmem>>
    %dma_start3A_259 = tpu.memref_squeeze %dma_start3A_258 : memref<1x125xi32, #tpu.memory_space<vmem>> -> memref<125xi32, #tpu.memory_space<vmem>>
    %dma_start3A_260 = arith.constant 0 : i32
    %dma_start3A_261 = arith.constant 0 : i32
    %dma_start3A_262 = tpu.memref_slice %arg10[%dma_start3A_260, %dma_start3A_261] : memref<10240x64xf32, #tpu.memory_space<vmem_shared>> -> memref<10240x64xf32, #tpu.memory_space<vmem_shared>>
    tpu.enqueue_indirect_dma source(%dma_start3A_256 : memref<125x64xf32, #tpu.memory_space<vmem>>) target(%dma_start3A_262 : memref<10240x64xf32, #tpu.memory_space<vmem_shared>>) offsets(%dma_start3A_259 : memref<125xi32, #tpu.memory_space<vmem>>) semaphore(%arg16 : memref<!tpu.dma_semaphore, #tpu.memory_space<semaphore_mem>>) {add = true}
    %dma_start3A_263 = arith.constant 2 : i32
    %dma_start3A_264 = arith.constant 77 : i32
    %dma_start3A_265 = arith.constant 0 : i32
    %dma_start3A_266 = arith.constant 0 : i32
    %dma_start3A_267 = tpu.memref_slice %arg9[%dma_start3A_263, %dma_start3A_265, %dma_start3A_266] : memref<3x250x64xf32, #tpu.memory_space<vmem>> -> memref<1x250x64xf32, #tpu.memory_space<vmem>>
    %dma_start3A_268 = tpu.memref_squeeze %dma_start3A_267 : memref<1x250x64xf32, #tpu.memory_space<vmem>> -> memref<250x64xf32, #tpu.memory_space<vmem>>
    %dma_start3A_269 = arith.constant 125 : i32
    %dma_start3A_270 = arith.constant 0 : i32
    %dma_start3A_271 = tpu.memref_slice %dma_start3A_268[%dma_start3A_269, %dma_start3A_270] : memref<250x64xf32, #tpu.memory_space<vmem>> -> memref<125x64xf32, #tpu.memory_space<vmem>>
    %dma_start3A_272 = arith.constant 0 : i32
    %dma_start3A_273 = tpu.memref_slice %arg8[%dma_start3A_264, %dma_start3A_272] : memref<80x125xi32, #tpu.memory_space<vmem>> -> memref<1x125xi32, #tpu.memory_space<vmem>>
    %dma_start3A_274 = tpu.memref_squeeze %dma_start3A_273 : memref<1x125xi32, #tpu.memory_space<vmem>> -> memref<125xi32, #tpu.memory_space<vmem>>
    %dma_start3A_275 = arith.constant 0 : i32
    %dma_start3A_276 = arith.constant 0 : i32
    %dma_start3A_277 = tpu.memref_slice %arg10[%dma_start3A_275, %dma_start3A_276] : memref<10240x64xf32, #tpu.memory_space<vmem_shared>> -> memref<10240x64xf32, #tpu.memory_space<vmem_shared>>
    tpu.enqueue_indirect_dma source(%dma_start3A_271 : memref<125x64xf32, #tpu.memory_space<vmem>>) target(%dma_start3A_277 : memref<10240x64xf32, #tpu.memory_space<vmem_shared>>) offsets(%dma_start3A_274 : memref<125xi32, #tpu.memory_space<vmem>>) semaphore(%arg16 : memref<!tpu.dma_semaphore, #tpu.memory_space<semaphore_mem>>) {add = true}
    %dma_wait3A_278 = arith.constant 0 : i32
    %dma_wait3A_279 = arith.constant 0 : i32
    %dma_wait3A_280 = arith.constant 0 : i32
    %dma_wait3A_281 = tpu.memref_slice %arg9[%dma_wait3A_278, %dma_wait3A_279, %dma_wait3A_280] : memref<3x250x64xf32, #tpu.memory_space<vmem>> -> memref<1x250x64xf32, #tpu.memory_space<vmem>>
    %dma_wait3A_282 = tpu.memref_squeeze %dma_wait3A_281 : memref<1x250x64xf32, #tpu.memory_space<vmem>> -> memref<250x64xf32, #tpu.memory_space<vmem>>
    %dma_wait3A_283 = arith.constant 0 : i32
    %dma_wait3A_284 = arith.constant 0 : i32
    %dma_wait3A_285 = tpu.memref_slice %arg4[%dma_wait3A_283, %dma_wait3A_284] : memref<10000x64xf32, #tpu.memory_space<hbm>> -> memref<250x64xf32, #tpu.memory_space<hbm>>
    %dma_wait3A_286 = arith.constant 0 : i32
    %dma_wait3A_287 = arith.constant 0 : i32
    %dma_wait3A_288 = tpu.memref_slice %arg9[%dma_wait3A_278, %dma_wait3A_286, %dma_wait3A_287] : memref<3x250x64xf32, #tpu.memory_space<vmem>> -> memref<1x250x64xf32, #tpu.memory_space<vmem>>
    %dma_wait3A_289 = tpu.memref_squeeze %dma_wait3A_288 : memref<1x250x64xf32, #tpu.memory_space<vmem>> -> memref<250x64xf32, #tpu.memory_space<vmem>>
    %dma_wait3A_290 = arith.constant 0 : i32
    %dma_wait3A_291 = arith.constant 0 : i32
    %dma_wait3A_292 = tpu.memref_slice %arg4[%dma_wait3A_290, %dma_wait3A_291] : memref<10000x64xf32, #tpu.memory_space<hbm>> -> memref<250x64xf32, #tpu.memory_space<hbm>>
    tpu.wait_dma2 semaphore(%arg11 : memref<!tpu.dma_semaphore, #tpu.memory_space<semaphore_mem>>) src(%dma_wait3A_292 : memref<250x64xf32, #tpu.memory_space<hbm>>) dst(%dma_wait3A_289 : memref<250x64xf32, #tpu.memory_space<vmem>>)
    %dma_start3A_293 = arith.constant 0 : i32
    %dma_start3A_294 = arith.constant 78 : i32
    %dma_start3A_295 = arith.constant 0 : i32
    %dma_start3A_296 = arith.constant 0 : i32
    %dma_start3A_297 = tpu.memref_slice %arg9[%dma_start3A_293, %dma_start3A_295, %dma_start3A_296] : memref<3x250x64xf32, #tpu.memory_space<vmem>> -> memref<1x250x64xf32, #tpu.memory_space<vmem>>
    %dma_start3A_298 = tpu.memref_squeeze %dma_start3A_297 : memref<1x250x64xf32, #tpu.memory_space<vmem>> -> memref<250x64xf32, #tpu.memory_space<vmem>>
    %dma_start3A_299 = arith.constant 0 : i32
    %dma_start3A_300 = arith.constant 0 : i32
    %dma_start3A_301 = tpu.memref_slice %dma_start3A_298[%dma_start3A_299, %dma_start3A_300] : memref<250x64xf32, #tpu.memory_space<vmem>> -> memref<125x64xf32, #tpu.memory_space<vmem>>
    %dma_start3A_302 = arith.constant 0 : i32
    %dma_start3A_303 = tpu.memref_slice %arg8[%dma_start3A_294, %dma_start3A_302] : memref<80x125xi32, #tpu.memory_space<vmem>> -> memref<1x125xi32, #tpu.memory_space<vmem>>
    %dma_start3A_304 = tpu.memref_squeeze %dma_start3A_303 : memref<1x125xi32, #tpu.memory_space<vmem>> -> memref<125xi32, #tpu.memory_space<vmem>>
    %dma_start3A_305 = arith.constant 0 : i32
    %dma_start3A_306 = arith.constant 0 : i32
    %dma_start3A_307 = tpu.memref_slice %arg10[%dma_start3A_305, %dma_start3A_306] : memref<10240x64xf32, #tpu.memory_space<vmem_shared>> -> memref<10240x64xf32, #tpu.memory_space<vmem_shared>>
    tpu.enqueue_indirect_dma source(%dma_start3A_301 : memref<125x64xf32, #tpu.memory_space<vmem>>) target(%dma_start3A_307 : memref<10240x64xf32, #tpu.memory_space<vmem_shared>>) offsets(%dma_start3A_304 : memref<125xi32, #tpu.memory_space<vmem>>) semaphore(%arg14 : memref<!tpu.dma_semaphore, #tpu.memory_space<semaphore_mem>>) {add = true}
    %dma_start3A_308 = arith.constant 0 : i32
    %dma_start3A_309 = arith.constant 79 : i32
    %dma_start3A_310 = arith.constant 0 : i32
    %dma_start3A_311 = arith.constant 0 : i32
    %dma_start3A_312 = tpu.memref_slice %arg9[%dma_start3A_308, %dma_start3A_310, %dma_start3A_311] : memref<3x250x64xf32, #tpu.memory_space<vmem>> -> memref<1x250x64xf32, #tpu.memory_space<vmem>>
    %dma_start3A_313 = tpu.memref_squeeze %dma_start3A_312 : memref<1x250x64xf32, #tpu.memory_space<vmem>> -> memref<250x64xf32, #tpu.memory_space<vmem>>
    %dma_start3A_314 = arith.constant 125 : i32
    %dma_start3A_315 = arith.constant 0 : i32
    %dma_start3A_316 = tpu.memref_slice %dma_start3A_313[%dma_start3A_314, %dma_start3A_315] : memref<250x64xf32, #tpu.memory_space<vmem>> -> memref<125x64xf32, #tpu.memory_space<vmem>>
    %dma_start3A_317 = arith.constant 0 : i32
    %dma_start3A_318 = tpu.memref_slice %arg8[%dma_start3A_309, %dma_start3A_317] : memref<80x125xi32, #tpu.memory_space<vmem>> -> memref<1x125xi32, #tpu.memory_space<vmem>>
    %dma_start3A_319 = tpu.memref_squeeze %dma_start3A_318 : memref<1x125xi32, #tpu.memory_space<vmem>> -> memref<125xi32, #tpu.memory_space<vmem>>
    %dma_start3A_320 = arith.constant 0 : i32
    %dma_start3A_321 = arith.constant 0 : i32
    %dma_start3A_322 = tpu.memref_slice %arg10[%dma_start3A_320, %dma_start3A_321] : memref<10240x64xf32, #tpu.memory_space<vmem_shared>> -> memref<10240x64xf32, #tpu.memory_space<vmem_shared>>
    tpu.enqueue_indirect_dma source(%dma_start3A_316 : memref<125x64xf32, #tpu.memory_space<vmem>>) target(%dma_start3A_322 : memref<10240x64xf32, #tpu.memory_space<vmem_shared>>) offsets(%dma_start3A_319 : memref<125xi32, #tpu.memory_space<vmem>>) semaphore(%arg14 : memref<!tpu.dma_semaphore, #tpu.memory_space<semaphore_mem>>) {add = true}
    %dma_wait3A_323 = arith.constant 0 : i32
    %dma_wait3A_324 = arith.constant 0 : i32
    %dma_wait3A_325 = arith.constant 0 : i32
    %dma_wait3A_326 = tpu.memref_slice %arg9[%dma_wait3A_323, %dma_wait3A_324, %dma_wait3A_325] : memref<3x250x64xf32, #tpu.memory_space<vmem>> -> memref<1x250x64xf32, #tpu.memory_space<vmem>>
    %dma_wait3A_327 = tpu.memref_squeeze %dma_wait3A_326 : memref<1x250x64xf32, #tpu.memory_space<vmem>> -> memref<250x64xf32, #tpu.memory_space<vmem>>
    %dma_wait3A_328 = arith.constant 0 : i32
    %dma_wait3A_329 = arith.constant 0 : i32
    %dma_wait3A_330 = tpu.memref_slice %arg4[%dma_wait3A_328, %dma_wait3A_329] : memref<10000x64xf32, #tpu.memory_space<hbm>> -> memref<250x64xf32, #tpu.memory_space<hbm>>
    %dma_wait3A_331 = arith.constant 0 : i32
    %dma_wait3A_332 = arith.constant 0 : i32
    %dma_wait3A_333 = tpu.memref_slice %arg9[%dma_wait3A_323, %dma_wait3A_331, %dma_wait3A_332] : memref<3x250x64xf32, #tpu.memory_space<vmem>> -> memref<1x250x64xf32, #tpu.memory_space<vmem>>
    %dma_wait3A_334 = tpu.memref_squeeze %dma_wait3A_333 : memref<1x250x64xf32, #tpu.memory_space<vmem>> -> memref<250x64xf32, #tpu.memory_space<vmem>>
    %dma_wait3A_335 = arith.constant 0 : i32
    %dma_wait3A_336 = arith.constant 0 : i32
    %dma_wait3A_337 = tpu.memref_slice %arg4[%dma_wait3A_335, %dma_wait3A_336] : memref<10000x64xf32, #tpu.memory_space<hbm>> -> memref<250x64xf32, #tpu.memory_space<hbm>>
    tpu.wait_dma2 semaphore(%arg14 : memref<!tpu.dma_semaphore, #tpu.memory_space<semaphore_mem>>) src(%dma_wait3A_337 : memref<250x64xf32, #tpu.memory_space<hbm>>) dst(%dma_wait3A_334 : memref<250x64xf32, #tpu.memory_space<vmem>>)
    %dma_wait3A_338 = arith.constant 1 : i32
    %dma_wait3A_339 = arith.constant 0 : i32
    %dma_wait3A_340 = arith.constant 0 : i32
    %dma_wait3A_341 = tpu.memref_slice %arg9[%dma_wait3A_338, %dma_wait3A_339, %dma_wait3A_340] : memref<3x250x64xf32, #tpu.memory_space<vmem>> -> memref<1x250x64xf32, #tpu.memory_space<vmem>>
    %dma_wait3A_342 = tpu.memref_squeeze %dma_wait3A_341 : memref<1x250x64xf32, #tpu.memory_space<vmem>> -> memref<250x64xf32, #tpu.memory_space<vmem>>
    %dma_wait3A_343 = arith.constant 0 : i32
    %dma_wait3A_344 = arith.constant 0 : i32
    %dma_wait3A_345 = tpu.memref_slice %arg4[%dma_wait3A_343, %dma_wait3A_344] : memref<10000x64xf32, #tpu.memory_space<hbm>> -> memref<250x64xf32, #tpu.memory_space<hbm>>
    %dma_wait3A_346 = arith.constant 0 : i32
    %dma_wait3A_347 = arith.constant 0 : i32
    %dma_wait3A_348 = tpu.memref_slice %arg9[%dma_wait3A_338, %dma_wait3A_346, %dma_wait3A_347] : memref<3x250x64xf32, #tpu.memory_space<vmem>> -> memref<1x250x64xf32, #tpu.memory_space<vmem>>
    %dma_wait3A_349 = tpu.memref_squeeze %dma_wait3A_348 : memref<1x250x64xf32, #tpu.memory_space<vmem>> -> memref<250x64xf32, #tpu.memory_space<vmem>>
    %dma_wait3A_350 = arith.constant 0 : i32
    %dma_wait3A_351 = arith.constant 0 : i32
    %dma_wait3A_352 = tpu.memref_slice %arg4[%dma_wait3A_350, %dma_wait3A_351] : memref<10000x64xf32, #tpu.memory_space<hbm>> -> memref<250x64xf32, #tpu.memory_space<hbm>>
    tpu.wait_dma2 semaphore(%arg15 : memref<!tpu.dma_semaphore, #tpu.memory_space<semaphore_mem>>) src(%dma_wait3A_352 : memref<250x64xf32, #tpu.memory_space<hbm>>) dst(%dma_wait3A_349 : memref<250x64xf32, #tpu.memory_space<vmem>>)
    %dma_wait3A_353 = arith.constant 2 : i32
    %dma_wait3A_354 = arith.constant 0 : i32
    %dma_wait3A_355 = arith.constant 0 : i32
    %dma_wait3A_356 = tpu.memref_slice %arg9[%dma_wait3A_353, %dma_wait3A_354, %dma_wait3A_355] : memref<3x250x64xf32, #tpu.memory_space<vmem>> -> memref<1x250x64xf32, #tpu.memory_space<vmem>>
    %dma_wait3A_357 = tpu.memref_squeeze %dma_wait3A_356 : memref<1x250x64xf32, #tpu.memory_space<vmem>> -> memref<250x64xf32, #tpu.memory_space<vmem>>
    %dma_wait3A_358 = arith.constant 0 : i32
    %dma_wait3A_359 = arith.constant 0 : i32
    %dma_wait3A_360 = tpu.memref_slice %arg4[%dma_wait3A_358, %dma_wait3A_359] : memref<10000x64xf32, #tpu.memory_space<hbm>> -> memref<250x64xf32, #tpu.memory_space<hbm>>
    %dma_wait3A_361 = arith.constant 0 : i32
    %dma_wait3A_362 = arith.constant 0 : i32
    %dma_wait3A_363 = tpu.memref_slice %arg9[%dma_wait3A_353, %dma_wait3A_361, %dma_wait3A_362] : memref<3x250x64xf32, #tpu.memory_space<vmem>> -> memref<1x250x64xf32, #tpu.memory_space<vmem>>
    %dma_wait3A_364 = tpu.memref_squeeze %dma_wait3A_363 : memref<1x250x64xf32, #tpu.memory_space<vmem>> -> memref<250x64xf32, #tpu.memory_space<vmem>>
    %dma_wait3A_365 = arith.constant 0 : i32
    %dma_wait3A_366 = arith.constant 0 : i32
    %dma_wait3A_367 = tpu.memref_slice %arg4[%dma_wait3A_365, %dma_wait3A_366] : memref<10000x64xf32, #tpu.memory_space<hbm>> -> memref<250x64xf32, #tpu.memory_space<hbm>>
    tpu.wait_dma2 semaphore(%arg16 : memref<!tpu.dma_semaphore, #tpu.memory_space<semaphore_mem>>) src(%dma_wait3A_367 : memref<250x64xf32, #tpu.memory_space<hbm>>) dst(%dma_wait3A_364 : memref<250x64xf32, #tpu.memory_space<vmem>>)
    %barrier3A_368 = arith.constant 0 : index
    tpu.barrier barrier_id(%barrier3A_368)
    %mul3A_369 = arith.constant 640 : i32
    %mul3A_370 = arith.muli %arg1, %mul3A_369 : i32
    %mul3A_371 = arith.constant 640 : i32
    %mul3A_372 = arith.muli %arg1, %mul3A_371 : i32
    "tpu.region"() ({
      %run_scoped3A = tpu.sem_alloc : memref<!tpu.dma_semaphore, #tpu.memory_space<semaphore_mem>>
      %dma_start3A_373 = arith.constant 0 : i32
      %dma_start3A_374 = arith.constant 0 : i32
      %dma_start3A_375 = tpu.memref_slice %arg6[%arg0, %dma_start3A_373, %dma_start3A_374] : memref<2x10240x64xf32, #tpu.memory_space<hbm>> -> memref<1x10240x64xf32, #tpu.memory_space<hbm>>
      %dma_start3A_376 = tpu.memref_squeeze %dma_start3A_375 : memref<1x10240x64xf32, #tpu.memory_space<hbm>> -> memref<10240x64xf32, #tpu.memory_space<hbm>>
      %dma_start3A_377 = arith.constant 0 : i32
      %dma_start3A_378 = tpu.memref_slice %dma_start3A_376[%mul3A_372, %dma_start3A_377] : memref<10240x64xf32, #tpu.memory_space<hbm>> -> memref<640x64xf32, #tpu.memory_space<hbm>>
      %dma_start3A_379 = arith.constant 0 : i32
      %dma_start3A_380 = tpu.memref_slice %arg10[%mul3A_370, %dma_start3A_379] : memref<10240x64xf32, #tpu.memory_space<vmem_shared>> -> memref<640x64xf32, #tpu.memory_space<vmem_shared>>
      tpu.enqueue_dma source(%dma_start3A_380 : memref<640x64xf32, #tpu.memory_space<vmem_shared>>) target(%dma_start3A_378 : memref<640x64xf32, #tpu.memory_space<hbm>>) target_semaphore(%run_scoped3A : memref<!tpu.dma_semaphore, #tpu.memory_space<semaphore_mem>>)
      %dma_wait3A_381 = arith.constant 0 : i32
      %dma_wait3A_382 = arith.constant 0 : i32
      %dma_wait3A_383 = tpu.memref_slice %arg6[%arg0, %dma_wait3A_381, %dma_wait3A_382] : memref<2x10240x64xf32, #tpu.memory_space<hbm>> -> memref<1x10240x64xf32, #tpu.memory_space<hbm>>
      %dma_wait3A_384 = tpu.memref_squeeze %dma_wait3A_383 : memref<1x10240x64xf32, #tpu.memory_space<hbm>> -> memref<10240x64xf32, #tpu.memory_space<hbm>>
      %dma_wait3A_385 = arith.constant 0 : i32
      %dma_wait3A_386 = tpu.memref_slice %dma_wait3A_384[%mul3A_372, %dma_wait3A_385] : memref<10240x64xf32, #tpu.memory_space<hbm>> -> memref<640x64xf32, #tpu.memory_space<hbm>>
      %dma_wait3A_387 = arith.constant 0 : i32
      %dma_wait3A_388 = tpu.memref_slice %arg10[%mul3A_370, %dma_wait3A_387] : memref<10240x64xf32, #tpu.memory_space<vmem_shared>> -> memref<640x64xf32, #tpu.memory_space<vmem_shared>>
      tpu.wait_dma2 semaphore(%run_scoped3A : memref<!tpu.dma_semaphore, #tpu.memory_space<semaphore_mem>>) src(%dma_wait3A_388 : memref<640x64xf32, #tpu.memory_space<vmem_shared>>) dst(%dma_wait3A_386 : memref<640x64xf32, #tpu.memory_space<hbm>>)
      tpu.yield
    }) : () -> ()
    return
  }
}

#map = affine_map<(d0, d1) -> (0, 0)>
#map1 = affine_map<(d0, d1) -> (0)>
module attributes {stable_mosaic.version = 14 : i64} {
  func.func @_deg_kernel(%arg0: i32, %arg1: i32, %arg2: memref<2560x125xi32, #tpu.memory_space<hbm>>, %arg3: memref<640xf32, #tpu.memory_space<hbm>>, %arg4: memref<125xf32, #tpu.memory_space<hbm>>, %arg5: memref<2x10240xf32, #tpu.memory_space<hbm>>, %arg6: memref<80x125xi32, #tpu.memory_space<vmem>>, %arg7: memref<125xf32, #tpu.memory_space<vmem>>, %arg8: memref<10240xf32, #tpu.memory_space<vmem_shared>>, %arg9: memref<!tpu.dma_semaphore, #tpu.memory_space<semaphore_mem>>) attributes {dimension_semantics = [#tpu.dimension_semantics<core_parallel>, #tpu.dimension_semantics<subcore_parallel>], iteration_bounds = array<i64: 2, 16>, scalar_prefetch = 0 : i64, scratch_operands = 4 : i64, tpu.core_type = #tpu.core_type<sc_vector_subcore>, window_params = [{transform_indices = #map}, {transform_indices = #map1}, {transform_indices = #map1}, {transform_indices = #map}]} {
    %mul3A = arith.constant 16 : i32
    %mul3A_0 = arith.muli %arg0, %mul3A : i32
    %add3A = arith.addi %mul3A_0, %arg1 : i32
    %mul3A_1 = arith.constant 80 : i32
    %mul3A_2 = arith.muli %add3A, %mul3A_1 : i32
    "tpu.region"() ({
      %run_scoped3A = tpu.sem_alloc : memref<!tpu.dma_semaphore, #tpu.memory_space<semaphore_mem>>
      %dma_start3A = arith.constant 0 : i32
      %dma_start3A_21 = tpu.memref_slice %arg2[%mul3A_2, %dma_start3A] : memref<2560x125xi32, #tpu.memory_space<hbm>> -> memref<80x125xi32, #tpu.memory_space<hbm>>
      %dma_start3A_22 = arith.constant 0 : i32
      %dma_start3A_23 = tpu.memref_slice %arg2[%mul3A_2, %dma_start3A_22] : memref<2560x125xi32, #tpu.memory_space<hbm>> -> memref<80x125xi32, #tpu.memory_space<hbm>>
      tpu.enqueue_dma source(%dma_start3A_23 : memref<80x125xi32, #tpu.memory_space<hbm>>) target(%arg6 : memref<80x125xi32, #tpu.memory_space<vmem>>) target_semaphore(%run_scoped3A : memref<!tpu.dma_semaphore, #tpu.memory_space<semaphore_mem>>)
      %dma_wait3A = arith.constant 0 : i32
      %dma_wait3A_24 = tpu.memref_slice %arg2[%mul3A_2, %dma_wait3A] : memref<2560x125xi32, #tpu.memory_space<hbm>> -> memref<80x125xi32, #tpu.memory_space<hbm>>
      %dma_wait3A_25 = arith.constant 0 : i32
      %dma_wait3A_26 = tpu.memref_slice %arg2[%mul3A_2, %dma_wait3A_25] : memref<2560x125xi32, #tpu.memory_space<hbm>> -> memref<80x125xi32, #tpu.memory_space<hbm>>
      tpu.wait_dma2 semaphore(%run_scoped3A : memref<!tpu.dma_semaphore, #tpu.memory_space<semaphore_mem>>) src(%dma_wait3A_26 : memref<80x125xi32, #tpu.memory_space<hbm>>) dst(%arg6 : memref<80x125xi32, #tpu.memory_space<vmem>>)
      tpu.yield
    }) : () -> ()
    %mul3A_3 = arith.constant 640 : i32
    %mul3A_4 = arith.muli %arg1, %mul3A_3 : i32
    "tpu.region"() ({
      %run_scoped3A = tpu.sem_alloc : memref<!tpu.dma_semaphore, #tpu.memory_space<semaphore_mem>>
      %dma_start3A = tpu.memref_slice %arg8[%mul3A_4] : memref<10240xf32, #tpu.memory_space<vmem_shared>> -> memref<640xf32, #tpu.memory_space<vmem_shared>>
      %dma_start3A_21 = arith.constant 0 : i32
      %dma_start3A_22 = tpu.memref_slice %arg3[%dma_start3A_21] : memref<640xf32, #tpu.memory_space<hbm>> -> memref<640xf32, #tpu.memory_space<hbm>>
      tpu.enqueue_dma source(%dma_start3A_22 : memref<640xf32, #tpu.memory_space<hbm>>) target(%dma_start3A : memref<640xf32, #tpu.memory_space<vmem_shared>>) target_semaphore(%run_scoped3A : memref<!tpu.dma_semaphore, #tpu.memory_space<semaphore_mem>>)
      %dma_wait3A = tpu.memref_slice %arg8[%mul3A_4] : memref<10240xf32, #tpu.memory_space<vmem_shared>> -> memref<640xf32, #tpu.memory_space<vmem_shared>>
      %dma_wait3A_23 = arith.constant 0 : i32
      %dma_wait3A_24 = tpu.memref_slice %arg3[%dma_wait3A_23] : memref<640xf32, #tpu.memory_space<hbm>> -> memref<640xf32, #tpu.memory_space<hbm>>
      tpu.wait_dma2 semaphore(%run_scoped3A : memref<!tpu.dma_semaphore, #tpu.memory_space<semaphore_mem>>) src(%dma_wait3A_24 : memref<640xf32, #tpu.memory_space<hbm>>) dst(%dma_wait3A : memref<640xf32, #tpu.memory_space<vmem_shared>>)
      tpu.yield
    }) : () -> ()
    "tpu.region"() ({
      %run_scoped3A = tpu.sem_alloc : memref<!tpu.dma_semaphore, #tpu.memory_space<semaphore_mem>>
      tpu.enqueue_dma source(%arg4 : memref<125xf32, #tpu.memory_space<hbm>>) target(%arg7 : memref<125xf32, #tpu.memory_space<vmem>>) target_semaphore(%run_scoped3A : memref<!tpu.dma_semaphore, #tpu.memory_space<semaphore_mem>>)
      tpu.wait_dma2 semaphore(%run_scoped3A : memref<!tpu.dma_semaphore, #tpu.memory_space<semaphore_mem>>) src(%arg4 : memref<125xf32, #tpu.memory_space<hbm>>) dst(%arg7 : memref<125xf32, #tpu.memory_space<vmem>>)
      tpu.yield
    }) : () -> ()
    %barrier3A = arith.constant 0 : index
    tpu.barrier barrier_id(%barrier3A)
    %scan3A = arith.constant 0 : i32
    %scan3A_5 = arith.constant 0 : i32
    %scan3A_6 = arith.constant 80 : i32
    %scan3A_7 = arith.addi %scan3A_5, %scan3A_6 : i32
    %scan3A_8 = arith.constant 1 : i32
    scf.for %scan3A_21 = %scan3A_5 to %scan3A_7 step %scan3A_8  : i32 {
      %dma_start3A = arith.constant 0 : i32
      %dma_start3A_22 = tpu.memref_slice %arg6[%scan3A_21, %dma_start3A] : memref<80x125xi32, #tpu.memory_space<vmem>> -> memref<1x125xi32, #tpu.memory_space<vmem>>
      %dma_start3A_23 = tpu.memref_squeeze %dma_start3A_22 : memref<1x125xi32, #tpu.memory_space<vmem>> -> memref<125xi32, #tpu.memory_space<vmem>>
      %dma_start3A_24 = arith.constant 0 : i32
      %dma_start3A_25 = tpu.memref_slice %arg8[%dma_start3A_24] : memref<10240xf32, #tpu.memory_space<vmem_shared>> -> memref<10240xf32, #tpu.memory_space<vmem_shared>>
      tpu.enqueue_indirect_dma source(%arg7 : memref<125xf32, #tpu.memory_space<vmem>>) target(%dma_start3A_25 : memref<10240xf32, #tpu.memory_space<vmem_shared>>) offsets(%dma_start3A_23 : memref<125xi32, #tpu.memory_space<vmem>>) semaphore(%arg9 : memref<!tpu.dma_semaphore, #tpu.memory_space<semaphore_mem>>) {add = true}
    }
    %scan3A_9 = arith.constant 80 : i32
    %scan3A_10 = arith.constant 0 : i32
    %scan3A_11 = arith.constant 0 : i32
    %scan3A_12 = arith.constant 80 : i32
    %scan3A_13 = arith.addi %scan3A_11, %scan3A_12 : i32
    %scan3A_14 = arith.constant 1 : i32
    scf.for %scan3A_21 = %scan3A_11 to %scan3A_13 step %scan3A_14  : i32 {
      %dma_wait3A = arith.constant 0 : i32
      %dma_wait3A_22 = tpu.memref_slice %arg6[%scan3A_21, %dma_wait3A] : memref<80x125xi32, #tpu.memory_space<vmem>> -> memref<1x125xi32, #tpu.memory_space<vmem>>
      %dma_wait3A_23 = tpu.memref_squeeze %dma_wait3A_22 : memref<1x125xi32, #tpu.memory_space<vmem>> -> memref<125xi32, #tpu.memory_space<vmem>>
      %dma_wait3A_24 = arith.constant 0 : i32
      %dma_wait3A_25 = tpu.memref_slice %arg8[%dma_wait3A_24] : memref<10240xf32, #tpu.memory_space<vmem_shared>> -> memref<10240xf32, #tpu.memory_space<vmem_shared>>
      tpu.wait_indirect_dma semaphore(%arg9 : memref<!tpu.dma_semaphore, #tpu.memory_space<semaphore_mem>>) src(%arg7 : memref<125xf32, #tpu.memory_space<vmem>>) dst(%dma_wait3A_25 : memref<10240xf32, #tpu.memory_space<vmem_shared>>)
    }
    %scan3A_15 = arith.constant 80 : i32
    %barrier3A_16 = arith.constant 0 : index
    tpu.barrier barrier_id(%barrier3A_16)
    %mul3A_17 = arith.constant 640 : i32
    %mul3A_18 = arith.muli %arg1, %mul3A_17 : i32
    %mul3A_19 = arith.constant 640 : i32
    %mul3A_20 = arith.muli %arg1, %mul3A_19 : i32
    "tpu.region"() ({
      %run_scoped3A = tpu.sem_alloc : memref<!tpu.dma_semaphore, #tpu.memory_space<semaphore_mem>>
      %dma_start3A = arith.constant 0 : i32
      %dma_start3A_21 = tpu.memref_slice %arg5[%arg0, %dma_start3A] : memref<2x10240xf32, #tpu.memory_space<hbm>> -> memref<1x10240xf32, #tpu.memory_space<hbm>>
      %dma_start3A_22 = tpu.memref_squeeze %dma_start3A_21 : memref<1x10240xf32, #tpu.memory_space<hbm>> -> memref<10240xf32, #tpu.memory_space<hbm>>
      %dma_start3A_23 = tpu.memref_slice %dma_start3A_22[%mul3A_20] : memref<10240xf32, #tpu.memory_space<hbm>> -> memref<640xf32, #tpu.memory_space<hbm>>
      %dma_start3A_24 = tpu.memref_slice %arg8[%mul3A_18] : memref<10240xf32, #tpu.memory_space<vmem_shared>> -> memref<640xf32, #tpu.memory_space<vmem_shared>>
      tpu.enqueue_dma source(%dma_start3A_24 : memref<640xf32, #tpu.memory_space<vmem_shared>>) target(%dma_start3A_23 : memref<640xf32, #tpu.memory_space<hbm>>) target_semaphore(%run_scoped3A : memref<!tpu.dma_semaphore, #tpu.memory_space<semaphore_mem>>)
      %dma_wait3A = arith.constant 0 : i32
      %dma_wait3A_25 = tpu.memref_slice %arg5[%arg0, %dma_wait3A] : memref<2x10240xf32, #tpu.memory_space<hbm>> -> memref<1x10240xf32, #tpu.memory_space<hbm>>
      %dma_wait3A_26 = tpu.memref_squeeze %dma_wait3A_25 : memref<1x10240xf32, #tpu.memory_space<hbm>> -> memref<10240xf32, #tpu.memory_space<hbm>>
      %dma_wait3A_27 = tpu.memref_slice %dma_wait3A_26[%mul3A_20] : memref<10240xf32, #tpu.memory_space<hbm>> -> memref<640xf32, #tpu.memory_space<hbm>>
      %dma_wait3A_28 = tpu.memref_slice %arg8[%mul3A_18] : memref<10240xf32, #tpu.memory_space<vmem_shared>> -> memref<640xf32, #tpu.memory_space<vmem_shared>>
      tpu.wait_dma2 semaphore(%run_scoped3A : memref<!tpu.dma_semaphore, #tpu.memory_space<semaphore_mem>>) src(%dma_wait3A_28 : memref<640xf32, #tpu.memory_space<vmem_shared>>) dst(%dma_wait3A_27 : memref<640xf32, #tpu.memory_space<hbm>>)
      tpu.yield
    }) : () -> ()
    return
  }
}

#map = affine_map<(d0, d1) -> (0, 0)>
#map1 = affine_map<(d0, d1) -> (0, 0, 0)>
module attributes {stable_mosaic.version = 14 : i64} {
  func.func @_agg_kernel(%arg0: i32, %arg1: i32, %arg2: memref<2560x125xi32, #tpu.memory_space<hbm>>, %arg3: memref<2560x125xi32, #tpu.memory_space<hbm>>, %arg4: memref<10000x64xf32, #tpu.memory_space<hbm>>, %arg5: memref<640x64xf32, #tpu.memory_space<hbm>>, %arg6: memref<2x10240x64xf32, #tpu.memory_space<hbm>>, %arg7: memref<80x125xi32, #tpu.memory_space<vmem>>, %arg8: memref<80x125xi32, #tpu.memory_space<vmem>>, %arg9: memref<3x250x64xf32, #tpu.memory_space<vmem>>, %arg10: memref<10240x64xf32, #tpu.memory_space<vmem_shared>>, %arg11: memref<!tpu.dma_semaphore, #tpu.memory_space<semaphore_mem>>, %arg12: memref<!tpu.dma_semaphore, #tpu.memory_space<semaphore_mem>>, %arg13: memref<!tpu.dma_semaphore, #tpu.memory_space<semaphore_mem>>, %arg14: memref<!tpu.dma_semaphore, #tpu.memory_space<semaphore_mem>>, %arg15: memref<!tpu.dma_semaphore, #tpu.memory_space<semaphore_mem>>, %arg16: memref<!tpu.dma_semaphore, #tpu.memory_space<semaphore_mem>>) attributes {dimension_semantics = [#tpu.dimension_semantics<core_parallel>, #tpu.dimension_semantics<subcore_parallel>], iteration_bounds = array<i64: 2, 16>, scalar_prefetch = 0 : i64, scratch_operands = 10 : i64, tpu.core_type = #tpu.core_type<sc_vector_subcore>, window_params = [{transform_indices = #map}, {transform_indices = #map}, {transform_indices = #map}, {transform_indices = #map}, {transform_indices = #map1}]} {
    %mul3A = arith.constant 16 : i32
    %mul3A_0 = arith.muli %arg0, %mul3A : i32
    %add3A = arith.addi %mul3A_0, %arg1 : i32
    %mul3A_1 = arith.constant 80 : i32
    %mul3A_2 = arith.muli %add3A, %mul3A_1 : i32
    "tpu.region"() ({
      %run_scoped3A = tpu.sem_alloc : memref<!tpu.dma_semaphore, #tpu.memory_space<semaphore_mem>>
      %dma_start3A_373 = arith.constant 0 : i32
      %dma_start3A_374 = tpu.memref_slice %arg2[%mul3A_2, %dma_start3A_373] : memref<2560x125xi32, #tpu.memory_space<hbm>> -> memref<80x125xi32, #tpu.memory_space<hbm>>
      %dma_start3A_375 = arith.constant 0 : i32
      %dma_start3A_376 = tpu.memref_slice %arg2[%mul3A_2, %dma_start3A_375] : memref<2560x125xi32, #tpu.memory_space<hbm>> -> memref<80x125xi32, #tpu.memory_space<hbm>>
      tpu.enqueue_dma source(%dma_start3A_376 : memref<80x125xi32, #tpu.memory_space<hbm>>) target(%arg7 : memref<80x125xi32, #tpu.memory_space<vmem>>) target_semaphore(%run_scoped3A : memref<!tpu.dma_semaphore, #tpu.memory_space<semaphore_mem>>)
      %dma_wait3A_377 = arith.constant 0 : i32
      %dma_wait3A_378 = tpu.memref_slice %arg2[%mul3A_2, %dma_wait3A_377] : memref<2560x125xi32, #tpu.memory_space<hbm>> -> memref<80x125xi32, #tpu.memory_space<hbm>>
      %dma_wait3A_379 = arith.constant 0 : i32
      %dma_wait3A_380 = tpu.memref_slice %arg2[%mul3A_2, %dma_wait3A_379] : memref<2560x125xi32, #tpu.memory_space<hbm>> -> memref<80x125xi32, #tpu.memory_space<hbm>>
      tpu.wait_dma2 semaphore(%run_scoped3A : memref<!tpu.dma_semaphore, #tpu.memory_space<semaphore_mem>>) src(%dma_wait3A_380 : memref<80x125xi32, #tpu.memory_space<hbm>>) dst(%arg7 : memref<80x125xi32, #tpu.memory_space<vmem>>)
      tpu.yield
    }) : () -> ()
    "tpu.region"() ({
      %run_scoped3A = tpu.sem_alloc : memref<!tpu.dma_semaphore, #tpu.memory_space<semaphore_mem>>
      %dma_start3A_373 = arith.constant 0 : i32
      %dma_start3A_374 = tpu.memref_slice %arg3[%mul3A_2, %dma_start3A_373] : memref<2560x125xi32, #tpu.memory_space<hbm>> -> memref<80x125xi32, #tpu.memory_space<hbm>>
      %dma_start3A_375 = arith.constant 0 : i32
      %dma_start3A_376 = tpu.memref_slice %arg3[%mul3A_2, %dma_start3A_375] : memref<2560x125xi32, #tpu.memory_space<hbm>> -> memref<80x125xi32, #tpu.memory_space<hbm>>
      tpu.enqueue_dma source(%dma_start3A_376 : memref<80x125xi32, #tpu.memory_space<hbm>>) target(%arg8 : memref<80x125xi32, #tpu.memory_space<vmem>>) target_semaphore(%run_scoped3A : memref<!tpu.dma_semaphore, #tpu.memory_space<semaphore_mem>>)
      %dma_wait3A_377 = arith.constant 0 : i32
      %dma_wait3A_378 = tpu.memref_slice %arg3[%mul3A_2, %dma_wait3A_377] : memref<2560x125xi32, #tpu.memory_space<hbm>> -> memref<80x125xi32, #tpu.memory_space<hbm>>
      %dma_wait3A_379 = arith.constant 0 : i32
      %dma_wait3A_380 = tpu.memref_slice %arg3[%mul3A_2, %dma_wait3A_379] : memref<2560x125xi32, #tpu.memory_space<hbm>> -> memref<80x125xi32, #tpu.memory_space<hbm>>
      tpu.wait_dma2 semaphore(%run_scoped3A : memref<!tpu.dma_semaphore, #tpu.memory_space<semaphore_mem>>) src(%dma_wait3A_380 : memref<80x125xi32, #tpu.memory_space<hbm>>) dst(%arg8 : memref<80x125xi32, #tpu.memory_space<vmem>>)
      tpu.yield
    }) : () -> ()
    %mul3A_3 = arith.constant 640 : i32
    %mul3A_4 = arith.muli %arg1, %mul3A_3 : i32
    "tpu.region"() ({
      %run_scoped3A = tpu.sem_alloc : memref<!tpu.dma_semaphore, #tpu.memory_space<semaphore_mem>>
      %dma_start3A_373 = arith.constant 0 : i32
      %dma_start3A_374 = tpu.memref_slice %arg10[%mul3A_4, %dma_start3A_373] : memref<10240x64xf32, #tpu.memory_space<vmem_shared>> -> memref<640x64xf32, #tpu.memory_space<vmem_shared>>
      tpu.enqueue_dma source(%arg5 : memref<640x64xf32, #tpu.memory_space<hbm>>) target(%dma_start3A_374 : memref<640x64xf32, #tpu.memory_space<vmem_shared>>) target_semaphore(%run_scoped3A : memref<!tpu.dma_semaphore, #tpu.memory_space<semaphore_mem>>)
      %dma_wait3A_375 = arith.constant 0 : i32
      %dma_wait3A_376 = tpu.memref_slice %arg10[%mul3A_4, %dma_wait3A_375] : memref<10240x64xf32, #tpu.memory_space<vmem_shared>> -> memref<640x64xf32, #tpu.memory_space<vmem_shared>>
      tpu.wait_dma2 semaphore(%run_scoped3A : memref<!tpu.dma_semaphore, #tpu.memory_space<semaphore_mem>>) src(%arg5 : memref<640x64xf32, #tpu.memory_space<hbm>>) dst(%dma_wait3A_376 : memref<640x64xf32, #tpu.memory_space<vmem_shared>>)
      tpu.yield
    }) : () -> ()
    %barrier3A = arith.constant 0 : index
    tpu.barrier barrier_id(%barrier3A)
    %dma_start3A = arith.constant 0 : i32
    %dma_start3A_5 = arith.constant 0 : i32
    %dma_start3A_6 = arith.constant 0 : i32
    %dma_start3A_7 = arith.constant 0 : i32
    %dma_start3A_8 = tpu.memref_slice %arg9[%dma_start3A_5, %dma_start3A_6, %dma_start3A_7] : memref<3x250x64xf32, #tpu.memory_space<vmem>> -> memref<1x250x64xf32, #tpu.memory_space<vmem>>
    %dma_start3A_9 = tpu.memref_squeeze %dma_start3A_8 : memref<1x250x64xf32, #tpu.memory_space<vmem>> -> memref<250x64xf32, #tpu.memory_space<vmem>>
    %dma_start3A_10 = arith.constant 0 : i32
    %dma_start3A_11 = arith.constant 0 : i32
    %dma_start3A_12 = tpu.memref_slice %dma_start3A_9[%dma_start3A_10, %dma_start3A_11] : memref<250x64xf32, #tpu.memory_space<vmem>> -> memref<125x64xf32, #tpu.memory_space<vmem>>
    %dma_start3A_13 = arith.constant 0 : i32
    %dma_start3A_14 = tpu.memref_slice %arg7[%dma_start3A, %dma_start3A_13] : memref<80x125xi32, #tpu.memory_space<vmem>> -> memref<1x125xi32, #tpu.memory_space<vmem>>
    %dma_start3A_15 = tpu.memref_squeeze %dma_start3A_14 : memref<1x125xi32, #tpu.memory_space<vmem>> -> memref<125xi32, #tpu.memory_space<vmem>>
    %dma_start3A_16 = arith.constant 0 : i32
    %dma_start3A_17 = arith.constant 0 : i32
    %dma_start3A_18 = tpu.memref_slice %arg4[%dma_start3A_16, %dma_start3A_17] : memref<10000x64xf32, #tpu.memory_space<hbm>> -> memref<10000x64xf32, #tpu.memory_space<hbm>>
    tpu.enqueue_indirect_dma source(%dma_start3A_18 : memref<10000x64xf32, #tpu.memory_space<hbm>>) target(%dma_start3A_12 : memref<125x64xf32, #tpu.memory_space<vmem>>) offsets(%dma_start3A_15 : memref<125xi32, #tpu.memory_space<vmem>>) semaphore(%arg11 : memref<!tpu.dma_semaphore, #tpu.memory_space<semaphore_mem>>)
    %dma_start3A_19 = arith.constant 1 : i32
    %dma_start3A_20 = arith.constant 0 : i32
    %dma_start3A_21 = arith.constant 0 : i32
    %dma_start3A_22 = arith.constant 0 : i32
    %dma_start3A_23 = tpu.memref_slice %arg9[%dma_start3A_20, %dma_start3A_21, %dma_start3A_22] : memref<3x250x64xf32, #tpu.memory_space<vmem>> -> memref<1x250x64xf32, #tpu.memory_space<vmem>>
    %dma_start3A_24 = tpu.memref_squeeze %dma_start3A_23 : memref<1x250x64xf32, #tpu.memory_space<vmem>> -> memref<250x64xf32, #tpu.memory_space<vmem>>
    %dma_start3A_25 = arith.constant 125 : i32
    %dma_start3A_26 = arith.constant 0 : i32
    %dma_start3A_27 = tpu.memref_slice %dma_start3A_24[%dma_start3A_25, %dma_start3A_26] : memref<250x64xf32, #tpu.memory_space<vmem>> -> memref<125x64xf32, #tpu.memory_space<vmem>>
    %dma_start3A_28 = arith.constant 0 : i32
    %dma_start3A_29 = tpu.memref_slice %arg7[%dma_start3A_19, %dma_start3A_28] : memref<80x125xi32, #tpu.memory_space<vmem>> -> memref<1x125xi32, #tpu.memory_space<vmem>>
    %dma_start3A_30 = tpu.memref_squeeze %dma_start3A_29 : memref<1x125xi32, #tpu.memory_space<vmem>> -> memref<125xi32, #tpu.memory_space<vmem>>
    %dma_start3A_31 = arith.constant 0 : i32
    %dma_start3A_32 = arith.constant 0 : i32
    %dma_start3A_33 = tpu.memref_slice %arg4[%dma_start3A_31, %dma_start3A_32] : memref<10000x64xf32, #tpu.memory_space<hbm>> -> memref<10000x64xf32, #tpu.memory_space<hbm>>
    tpu.enqueue_indirect_dma source(%dma_start3A_33 : memref<10000x64xf32, #tpu.memory_space<hbm>>) target(%dma_start3A_27 : memref<125x64xf32, #tpu.memory_space<vmem>>) offsets(%dma_start3A_30 : memref<125xi32, #tpu.memory_space<vmem>>) semaphore(%arg11 : memref<!tpu.dma_semaphore, #tpu.memory_space<semaphore_mem>>)
    %dma_start3A_34 = arith.constant 2 : i32
    %dma_start3A_35 = arith.constant 1 : i32
    %dma_start3A_36 = arith.constant 0 : i32
    %dma_start3A_37 = arith.constant 0 : i32
    %dma_start3A_38 = tpu.memref_slice %arg9[%dma_start3A_35, %dma_start3A_36, %dma_start3A_37] : memref<3x250x64xf32, #tpu.memory_space<vmem>> -> memref<1x250x64xf32, #tpu.memory_space<vmem>>
    %dma_start3A_39 = tpu.memref_squeeze %dma_start3A_38 : memref<1x250x64xf32, #tpu.memory_space<vmem>> -> memref<250x64xf32, #tpu.memory_space<vmem>>
    %dma_start3A_40 = arith.constant 0 : i32
    %dma_start3A_41 = arith.constant 0 : i32
    %dma_start3A_42 = tpu.memref_slice %dma_start3A_39[%dma_start3A_40, %dma_start3A_41] : memref<250x64xf32, #tpu.memory_space<vmem>> -> memref<125x64xf32, #tpu.memory_space<vmem>>
    %dma_start3A_43 = arith.constant 0 : i32
    %dma_start3A_44 = tpu.memref_slice %arg7[%dma_start3A_34, %dma_start3A_43] : memref<80x125xi32, #tpu.memory_space<vmem>> -> memref<1x125xi32, #tpu.memory_space<vmem>>
    %dma_start3A_45 = tpu.memref_squeeze %dma_start3A_44 : memref<1x125xi32, #tpu.memory_space<vmem>> -> memref<125xi32, #tpu.memory_space<vmem>>
    %dma_start3A_46 = arith.constant 0 : i32
    %dma_start3A_47 = arith.constant 0 : i32
    %dma_start3A_48 = tpu.memref_slice %arg4[%dma_start3A_46, %dma_start3A_47] : memref<10000x64xf32, #tpu.memory_space<hbm>> -> memref<10000x64xf32, #tpu.memory_space<hbm>>
    tpu.enqueue_indirect_dma source(%dma_start3A_48 : memref<10000x64xf32, #tpu.memory_space<hbm>>) target(%dma_start3A_42 : memref<125x64xf32, #tpu.memory_space<vmem>>) offsets(%dma_start3A_45 : memref<125xi32, #tpu.memory_space<vmem>>) semaphore(%arg12 : memref<!tpu.dma_semaphore, #tpu.memory_space<semaphore_mem>>)
    %dma_start3A_49 = arith.constant 3 : i32
    %dma_start3A_50 = arith.constant 1 : i32
    %dma_start3A_51 = arith.constant 0 : i32
    %dma_start3A_52 = arith.constant 0 : i32
    %dma_start3A_53 = tpu.memref_slice %arg9[%dma_start3A_50, %dma_start3A_51, %dma_start3A_52] : memref<3x250x64xf32, #tpu.memory_space<vmem>> -> memref<1x250x64xf32, #tpu.memory_space<vmem>>
    %dma_start3A_54 = tpu.memref_squeeze %dma_start3A_53 : memref<1x250x64xf32, #tpu.memory_space<vmem>> -> memref<250x64xf32, #tpu.memory_space<vmem>>
    %dma_start3A_55 = arith.constant 125 : i32
    %dma_start3A_56 = arith.constant 0 : i32
    %dma_start3A_57 = tpu.memref_slice %dma_start3A_54[%dma_start3A_55, %dma_start3A_56] : memref<250x64xf32, #tpu.memory_space<vmem>> -> memref<125x64xf32, #tpu.memory_space<vmem>>
    %dma_start3A_58 = arith.constant 0 : i32
    %dma_start3A_59 = tpu.memref_slice %arg7[%dma_start3A_49, %dma_start3A_58] : memref<80x125xi32, #tpu.memory_space<vmem>> -> memref<1x125xi32, #tpu.memory_space<vmem>>
    %dma_start3A_60 = tpu.memref_squeeze %dma_start3A_59 : memref<1x125xi32, #tpu.memory_space<vmem>> -> memref<125xi32, #tpu.memory_space<vmem>>
    %dma_start3A_61 = arith.constant 0 : i32
    %dma_start3A_62 = arith.constant 0 : i32
    %dma_start3A_63 = tpu.memref_slice %arg4[%dma_start3A_61, %dma_start3A_62] : memref<10000x64xf32, #tpu.memory_space<hbm>> -> memref<10000x64xf32, #tpu.memory_space<hbm>>
    tpu.enqueue_indirect_dma source(%dma_start3A_63 : memref<10000x64xf32, #tpu.memory_space<hbm>>) target(%dma_start3A_57 : memref<125x64xf32, #tpu.memory_space<vmem>>) offsets(%dma_start3A_60 : memref<125xi32, #tpu.memory_space<vmem>>) semaphore(%arg12 : memref<!tpu.dma_semaphore, #tpu.memory_space<semaphore_mem>>)
    %dma_start3A_64 = arith.constant 4 : i32
    %dma_start3A_65 = arith.constant 2 : i32
    %dma_start3A_66 = arith.constant 0 : i32
    %dma_start3A_67 = arith.constant 0 : i32
    %dma_start3A_68 = tpu.memref_slice %arg9[%dma_start3A_65, %dma_start3A_66, %dma_start3A_67] : memref<3x250x64xf32, #tpu.memory_space<vmem>> -> memref<1x250x64xf32, #tpu.memory_space<vmem>>
    %dma_start3A_69 = tpu.memref_squeeze %dma_start3A_68 : memref<1x250x64xf32, #tpu.memory_space<vmem>> -> memref<250x64xf32, #tpu.memory_space<vmem>>
    %dma_start3A_70 = arith.constant 0 : i32
    %dma_start3A_71 = arith.constant 0 : i32
    %dma_start3A_72 = tpu.memref_slice %dma_start3A_69[%dma_start3A_70, %dma_start3A_71] : memref<250x64xf32, #tpu.memory_space<vmem>> -> memref<125x64xf32, #tpu.memory_space<vmem>>
    %dma_start3A_73 = arith.constant 0 : i32
    %dma_start3A_74 = tpu.memref_slice %arg7[%dma_start3A_64, %dma_start3A_73] : memref<80x125xi32, #tpu.memory_space<vmem>> -> memref<1x125xi32, #tpu.memory_space<vmem>>
    %dma_start3A_75 = tpu.memref_squeeze %dma_start3A_74 : memref<1x125xi32, #tpu.memory_space<vmem>> -> memref<125xi32, #tpu.memory_space<vmem>>
    %dma_start3A_76 = arith.constant 0 : i32
    %dma_start3A_77 = arith.constant 0 : i32
    %dma_start3A_78 = tpu.memref_slice %arg4[%dma_start3A_76, %dma_start3A_77] : memref<10000x64xf32, #tpu.memory_space<hbm>> -> memref<10000x64xf32, #tpu.memory_space<hbm>>
    tpu.enqueue_indirect_dma source(%dma_start3A_78 : memref<10000x64xf32, #tpu.memory_space<hbm>>) target(%dma_start3A_72 : memref<125x64xf32, #tpu.memory_space<vmem>>) offsets(%dma_start3A_75 : memref<125xi32, #tpu.memory_space<vmem>>) semaphore(%arg13 : memref<!tpu.dma_semaphore, #tpu.memory_space<semaphore_mem>>)
    %dma_start3A_79 = arith.constant 5 : i32
    %dma_start3A_80 = arith.constant 2 : i32
    %dma_start3A_81 = arith.constant 0 : i32
    %dma_start3A_82 = arith.constant 0 : i32
    %dma_start3A_83 = tpu.memref_slice %arg9[%dma_start3A_80, %dma_start3A_81, %dma_start3A_82] : memref<3x250x64xf32, #tpu.memory_space<vmem>> -> memref<1x250x64xf32, #tpu.memory_space<vmem>>
    %dma_start3A_84 = tpu.memref_squeeze %dma_start3A_83 : memref<1x250x64xf32, #tpu.memory_space<vmem>> -> memref<250x64xf32, #tpu.memory_space<vmem>>
    %dma_start3A_85 = arith.constant 125 : i32
    %dma_start3A_86 = arith.constant 0 : i32
    %dma_start3A_87 = tpu.memref_slice %dma_start3A_84[%dma_start3A_85, %dma_start3A_86] : memref<250x64xf32, #tpu.memory_space<vmem>> -> memref<125x64xf32, #tpu.memory_space<vmem>>
    %dma_start3A_88 = arith.constant 0 : i32
    %dma_start3A_89 = tpu.memref_slice %arg7[%dma_start3A_79, %dma_start3A_88] : memref<80x125xi32, #tpu.memory_space<vmem>> -> memref<1x125xi32, #tpu.memory_space<vmem>>
    %dma_start3A_90 = tpu.memref_squeeze %dma_start3A_89 : memref<1x125xi32, #tpu.memory_space<vmem>> -> memref<125xi32, #tpu.memory_space<vmem>>
    %dma_start3A_91 = arith.constant 0 : i32
    %dma_start3A_92 = arith.constant 0 : i32
    %dma_start3A_93 = tpu.memref_slice %arg4[%dma_start3A_91, %dma_start3A_92] : memref<10000x64xf32, #tpu.memory_space<hbm>> -> memref<10000x64xf32, #tpu.memory_space<hbm>>
    tpu.enqueue_indirect_dma source(%dma_start3A_93 : memref<10000x64xf32, #tpu.memory_space<hbm>>) target(%dma_start3A_87 : memref<125x64xf32, #tpu.memory_space<vmem>>) offsets(%dma_start3A_90 : memref<125xi32, #tpu.memory_space<vmem>>) semaphore(%arg13 : memref<!tpu.dma_semaphore, #tpu.memory_space<semaphore_mem>>)
    %dma_wait3A = arith.constant 0 : i32
    %dma_wait3A_94 = arith.constant 0 : i32
    %dma_wait3A_95 = arith.constant 0 : i32
    %dma_wait3A_96 = tpu.memref_slice %arg9[%dma_wait3A, %dma_wait3A_94, %dma_wait3A_95] : memref<3x250x64xf32, #tpu.memory_space<vmem>> -> memref<1x250x64xf32, #tpu.memory_space<vmem>>
    %dma_wait3A_97 = tpu.memref_squeeze %dma_wait3A_96 : memref<1x250x64xf32, #tpu.memory_space<vmem>> -> memref<250x64xf32, #tpu.memory_space<vmem>>
    %dma_wait3A_98 = arith.constant 0 : i32
    %dma_wait3A_99 = arith.constant 0 : i32
    %dma_wait3A_100 = tpu.memref_slice %arg4[%dma_wait3A_98, %dma_wait3A_99] : memref<10000x64xf32, #tpu.memory_space<hbm>> -> memref<250x64xf32, #tpu.memory_space<hbm>>
    %dma_wait3A_101 = arith.constant 0 : i32
    %dma_wait3A_102 = arith.constant 0 : i32
    %dma_wait3A_103 = tpu.memref_slice %arg9[%dma_wait3A, %dma_wait3A_101, %dma_wait3A_102] : memref<3x250x64xf32, #tpu.memory_space<vmem>> -> memref<1x250x64xf32, #tpu.memory_space<vmem>>
    %dma_wait3A_104 = tpu.memref_squeeze %dma_wait3A_103 : memref<1x250x64xf32, #tpu.memory_space<vmem>> -> memref<250x64xf32, #tpu.memory_space<vmem>>
    %dma_wait3A_105 = arith.constant 0 : i32
    %dma_wait3A_106 = arith.constant 0 : i32
    %dma_wait3A_107 = tpu.memref_slice %arg4[%dma_wait3A_105, %dma_wait3A_106] : memref<10000x64xf32, #tpu.memory_space<hbm>> -> memref<250x64xf32, #tpu.memory_space<hbm>>
    tpu.wait_dma2 semaphore(%arg11 : memref<!tpu.dma_semaphore, #tpu.memory_space<semaphore_mem>>) src(%dma_wait3A_107 : memref<250x64xf32, #tpu.memory_space<hbm>>) dst(%dma_wait3A_104 : memref<250x64xf32, #tpu.memory_space<vmem>>)
    %dma_start3A_108 = arith.constant 0 : i32
    %dma_start3A_109 = arith.constant 0 : i32
    %dma_start3A_110 = arith.constant 0 : i32
    %dma_start3A_111 = arith.constant 0 : i32
    %dma_start3A_112 = tpu.memref_slice %arg9[%dma_start3A_108, %dma_start3A_110, %dma_start3A_111] : memref<3x250x64xf32, #tpu.memory_space<vmem>> -> memref<1x250x64xf32, #tpu.memory_space<vmem>>
    %dma_start3A_113 = tpu.memref_squeeze %dma_start3A_112 : memref<1x250x64xf32, #tpu.memory_space<vmem>> -> memref<250x64xf32, #tpu.memory_space<vmem>>
    %dma_start3A_114 = arith.constant 0 : i32
    %dma_start3A_115 = arith.constant 0 : i32
    %dma_start3A_116 = tpu.memref_slice %dma_start3A_113[%dma_start3A_114, %dma_start3A_115] : memref<250x64xf32, #tpu.memory_space<vmem>> -> memref<125x64xf32, #tpu.memory_space<vmem>>
    %dma_start3A_117 = arith.constant 0 : i32
    %dma_start3A_118 = tpu.memref_slice %arg8[%dma_start3A_109, %dma_start3A_117] : memref<80x125xi32, #tpu.memory_space<vmem>> -> memref<1x125xi32, #tpu.memory_space<vmem>>
    %dma_start3A_119 = tpu.memref_squeeze %dma_start3A_118 : memref<1x125xi32, #tpu.memory_space<vmem>> -> memref<125xi32, #tpu.memory_space<vmem>>
    %dma_start3A_120 = arith.constant 0 : i32
    %dma_start3A_121 = arith.constant 0 : i32
    %dma_start3A_122 = tpu.memref_slice %arg10[%dma_start3A_120, %dma_start3A_121] : memref<10240x64xf32, #tpu.memory_space<vmem_shared>> -> memref<10240x64xf32, #tpu.memory_space<vmem_shared>>
    tpu.enqueue_indirect_dma source(%dma_start3A_116 : memref<125x64xf32, #tpu.memory_space<vmem>>) target(%dma_start3A_122 : memref<10240x64xf32, #tpu.memory_space<vmem_shared>>) offsets(%dma_start3A_119 : memref<125xi32, #tpu.memory_space<vmem>>) semaphore(%arg14 : memref<!tpu.dma_semaphore, #tpu.memory_space<semaphore_mem>>) {add = true}
    %dma_start3A_123 = arith.constant 0 : i32
    %dma_start3A_124 = arith.constant 1 : i32
    %dma_start3A_125 = arith.constant 0 : i32
    %dma_start3A_126 = arith.constant 0 : i32
    %dma_start3A_127 = tpu.memref_slice %arg9[%dma_start3A_123, %dma_start3A_125, %dma_start3A_126] : memref<3x250x64xf32, #tpu.memory_space<vmem>> -> memref<1x250x64xf32, #tpu.memory_space<vmem>>
    %dma_start3A_128 = tpu.memref_squeeze %dma_start3A_127 : memref<1x250x64xf32, #tpu.memory_space<vmem>> -> memref<250x64xf32, #tpu.memory_space<vmem>>
    %dma_start3A_129 = arith.constant 125 : i32
    %dma_start3A_130 = arith.constant 0 : i32
    %dma_start3A_131 = tpu.memref_slice %dma_start3A_128[%dma_start3A_129, %dma_start3A_130] : memref<250x64xf32, #tpu.memory_space<vmem>> -> memref<125x64xf32, #tpu.memory_space<vmem>>
    %dma_start3A_132 = arith.constant 0 : i32
    %dma_start3A_133 = tpu.memref_slice %arg8[%dma_start3A_124, %dma_start3A_132] : memref<80x125xi32, #tpu.memory_space<vmem>> -> memref<1x125xi32, #tpu.memory_space<vmem>>
    %dma_start3A_134 = tpu.memref_squeeze %dma_start3A_133 : memref<1x125xi32, #tpu.memory_space<vmem>> -> memref<125xi32, #tpu.memory_space<vmem>>
    %dma_start3A_135 = arith.constant 0 : i32
    %dma_start3A_136 = arith.constant 0 : i32
    %dma_start3A_137 = tpu.memref_slice %arg10[%dma_start3A_135, %dma_start3A_136] : memref<10240x64xf32, #tpu.memory_space<vmem_shared>> -> memref<10240x64xf32, #tpu.memory_space<vmem_shared>>
    tpu.enqueue_indirect_dma source(%dma_start3A_131 : memref<125x64xf32, #tpu.memory_space<vmem>>) target(%dma_start3A_137 : memref<10240x64xf32, #tpu.memory_space<vmem_shared>>) offsets(%dma_start3A_134 : memref<125xi32, #tpu.memory_space<vmem>>) semaphore(%arg14 : memref<!tpu.dma_semaphore, #tpu.memory_space<semaphore_mem>>) {add = true}
    %scan3A = arith.constant 0 : i32
    %scan3A_138 = arith.constant 0 : i32
    %scan3A_139 = arith.constant 12 : i32
    %scan3A_140 = arith.addi %scan3A_138, %scan3A_139 : i32
    %scan3A_141 = arith.constant 1 : i32
    scf.for %scan3A_373 = %scan3A_138 to %scan3A_140 step %scan3A_141  : i32 {
      %mul3A_374 = arith.constant 3 : i32
      %mul3A_375 = arith.muli %mul3A_374, %scan3A_373 : i32
      %add3A_376 = arith.constant 1 : i32
      %add3A_377 = arith.addi %mul3A_375, %add3A_376 : i32
      %dma_wait3A_378 = arith.constant 0 : i32
      %dma_wait3A_379 = arith.constant 0 : i32
      %dma_wait3A_380 = arith.constant 0 : i32
      %dma_wait3A_381 = tpu.memref_slice %arg9[%dma_wait3A_378, %dma_wait3A_379, %dma_wait3A_380] : memref<3x250x64xf32, #tpu.memory_space<vmem>> -> memref<1x250x64xf32, #tpu.memory_space<vmem>>
      %dma_wait3A_382 = tpu.memref_squeeze %dma_wait3A_381 : memref<1x250x64xf32, #tpu.memory_space<vmem>> -> memref<250x64xf32, #tpu.memory_space<vmem>>
      %dma_wait3A_383 = arith.constant 0 : i32
      %dma_wait3A_384 = arith.constant 0 : i32
      %dma_wait3A_385 = tpu.memref_slice %arg4[%dma_wait3A_383, %dma_wait3A_384] : memref<10000x64xf32, #tpu.memory_space<hbm>> -> memref<250x64xf32, #tpu.memory_space<hbm>>
      %dma_wait3A_386 = arith.constant 0 : i32
      %dma_wait3A_387 = arith.constant 0 : i32
      %dma_wait3A_388 = tpu.memref_slice %arg9[%dma_wait3A_378, %dma_wait3A_386, %dma_wait3A_387] : memref<3x250x64xf32, #tpu.memory_space<vmem>> -> memref<1x250x64xf32, #tpu.memory_space<vmem>>
      %dma_wait3A_389 = tpu.memref_squeeze %dma_wait3A_388 : memref<1x250x64xf32, #tpu.memory_space<vmem>> -> memref<250x64xf32, #tpu.memory_space<vmem>>
      %dma_wait3A_390 = arith.constant 0 : i32
      %dma_wait3A_391 = arith.constant 0 : i32
      %dma_wait3A_392 = tpu.memref_slice %arg4[%dma_wait3A_390, %dma_wait3A_391] : memref<10000x64xf32, #tpu.memory_space<hbm>> -> memref<250x64xf32, #tpu.memory_space<hbm>>
      tpu.wait_dma2 semaphore(%arg14 : memref<!tpu.dma_semaphore, #tpu.memory_space<semaphore_mem>>) src(%dma_wait3A_392 : memref<250x64xf32, #tpu.memory_space<hbm>>) dst(%dma_wait3A_389 : memref<250x64xf32, #tpu.memory_space<vmem>>)
      %add3A_393 = arith.constant 2 : i32
      %add3A_394 = arith.addi %add3A_377, %add3A_393 : i32
      %mul3A_395 = arith.constant 2 : i32
      %mul3A_396 = arith.muli %add3A_394, %mul3A_395 : i32
      %add3A_397 = arith.constant 0 : i32
      %add3A_398 = arith.addi %mul3A_396, %add3A_397 : i32
      %dma_start3A_399 = arith.constant 0 : i32
      %dma_start3A_400 = arith.constant 0 : i32
      %dma_start3A_401 = arith.constant 0 : i32
      %dma_start3A_402 = tpu.memref_slice %arg9[%dma_start3A_399, %dma_start3A_400, %dma_start3A_401] : memref<3x250x64xf32, #tpu.memory_space<vmem>> -> memref<1x250x64xf32, #tpu.memory_space<vmem>>
      %dma_start3A_403 = tpu.memref_squeeze %dma_start3A_402 : memref<1x250x64xf32, #tpu.memory_space<vmem>> -> memref<250x64xf32, #tpu.memory_space<vmem>>
      %dma_start3A_404 = arith.constant 0 : i32
      %dma_start3A_405 = arith.constant 0 : i32
      %dma_start3A_406 = tpu.memref_slice %dma_start3A_403[%dma_start3A_404, %dma_start3A_405] : memref<250x64xf32, #tpu.memory_space<vmem>> -> memref<125x64xf32, #tpu.memory_space<vmem>>
      %dma_start3A_407 = arith.constant 0 : i32
      %dma_start3A_408 = tpu.memref_slice %arg7[%add3A_398, %dma_start3A_407] : memref<80x125xi32, #tpu.memory_space<vmem>> -> memref<1x125xi32, #tpu.memory_space<vmem>>
      %dma_start3A_409 = tpu.memref_squeeze %dma_start3A_408 : memref<1x125xi32, #tpu.memory_space<vmem>> -> memref<125xi32, #tpu.memory_space<vmem>>
      %dma_start3A_410 = arith.constant 0 : i32
      %dma_start3A_411 = arith.constant 0 : i32
      %dma_start3A_412 = tpu.memref_slice %arg4[%dma_start3A_410, %dma_start3A_411] : memref<10000x64xf32, #tpu.memory_space<hbm>> -> memref<10000x64xf32, #tpu.memory_space<hbm>>
      tpu.enqueue_indirect_dma source(%dma_start3A_412 : memref<10000x64xf32, #tpu.memory_space<hbm>>) target(%dma_start3A_406 : memref<125x64xf32, #tpu.memory_space<vmem>>) offsets(%dma_start3A_409 : memref<125xi32, #tpu.memory_space<vmem>>) semaphore(%arg11 : memref<!tpu.dma_semaphore, #tpu.memory_space<semaphore_mem>>)
      %mul3A_413 = arith.constant 2 : i32
      %mul3A_414 = arith.muli %add3A_394, %mul3A_413 : i32
      %add3A_415 = arith.constant 1 : i32
      %add3A_416 = arith.addi %mul3A_414, %add3A_415 : i32
      %dma_start3A_417 = arith.constant 0 : i32
      %dma_start3A_418 = arith.constant 0 : i32
      %dma_start3A_419 = arith.constant 0 : i32
      %dma_start3A_420 = tpu.memref_slice %arg9[%dma_start3A_417, %dma_start3A_418, %dma_start3A_419] : memref<3x250x64xf32, #tpu.memory_space<vmem>> -> memref<1x250x64xf32, #tpu.memory_space<vmem>>
      %dma_start3A_421 = tpu.memref_squeeze %dma_start3A_420 : memref<1x250x64xf32, #tpu.memory_space<vmem>> -> memref<250x64xf32, #tpu.memory_space<vmem>>
      %dma_start3A_422 = arith.constant 125 : i32
      %dma_start3A_423 = arith.constant 0 : i32
      %dma_start3A_424 = tpu.memref_slice %dma_start3A_421[%dma_start3A_422, %dma_start3A_423] : memref<250x64xf32, #tpu.memory_space<vmem>> -> memref<125x64xf32, #tpu.memory_space<vmem>>
      %dma_start3A_425 = arith.constant 0 : i32
      %dma_start3A_426 = tpu.memref_slice %arg7[%add3A_416, %dma_start3A_425] : memref<80x125xi32, #tpu.memory_space<vmem>> -> memref<1x125xi32, #tpu.memory_space<vmem>>
      %dma_start3A_427 = tpu.memref_squeeze %dma_start3A_426 : memref<1x125xi32, #tpu.memory_space<vmem>> -> memref<125xi32, #tpu.memory_space<vmem>>
      %dma_start3A_428 = arith.constant 0 : i32
      %dma_start3A_429 = arith.constant 0 : i32
      %dma_start3A_430 = tpu.memref_slice %arg4[%dma_start3A_428, %dma_start3A_429] : memref<10000x64xf32, #tpu.memory_space<hbm>> -> memref<10000x64xf32, #tpu.memory_space<hbm>>
      tpu.enqueue_indirect_dma source(%dma_start3A_430 : memref<10000x64xf32, #tpu.memory_space<hbm>>) target(%dma_start3A_424 : memref<125x64xf32, #tpu.memory_space<vmem>>) offsets(%dma_start3A_427 : memref<125xi32, #tpu.memory_space<vmem>>) semaphore(%arg11 : memref<!tpu.dma_semaphore, #tpu.memory_space<semaphore_mem>>)
      %dma_wait3A_431 = arith.constant 1 : i32
      %dma_wait3A_432 = arith.constant 0 : i32
      %dma_wait3A_433 = arith.constant 0 : i32
      %dma_wait3A_434 = tpu.memref_slice %arg9[%dma_wait3A_431, %dma_wait3A_432, %dma_wait3A_433] : memref<3x250x64xf32, #tpu.memory_space<vmem>> -> memref<1x250x64xf32, #tpu.memory_space<vmem>>
      %dma_wait3A_435 = tpu.memref_squeeze %dma_wait3A_434 : memref<1x250x64xf32, #tpu.memory_space<vmem>> -> memref<250x64xf32, #tpu.memory_space<vmem>>
      %dma_wait3A_436 = arith.constant 0 : i32
      %dma_wait3A_437 = arith.constant 0 : i32
      %dma_wait3A_438 = tpu.memref_slice %arg4[%dma_wait3A_436, %dma_wait3A_437] : memref<10000x64xf32, #tpu.memory_space<hbm>> -> memref<250x64xf32, #tpu.memory_space<hbm>>
      %dma_wait3A_439 = arith.constant 0 : i32
      %dma_wait3A_440 = arith.constant 0 : i32
      %dma_wait3A_441 = tpu.memref_slice %arg9[%dma_wait3A_431, %dma_wait3A_439, %dma_wait3A_440] : memref<3x250x64xf32, #tpu.memory_space<vmem>> -> memref<1x250x64xf32, #tpu.memory_space<vmem>>
      %dma_wait3A_442 = tpu.memref_squeeze %dma_wait3A_441 : memref<1x250x64xf32, #tpu.memory_space<vmem>> -> memref<250x64xf32, #tpu.memory_space<vmem>>
      %dma_wait3A_443 = arith.constant 0 : i32
      %dma_wait3A_444 = arith.constant 0 : i32
      %dma_wait3A_445 = tpu.memref_slice %arg4[%dma_wait3A_443, %dma_wait3A_444] : memref<10000x64xf32, #tpu.memory_space<hbm>> -> memref<250x64xf32, #tpu.memory_space<hbm>>
      tpu.wait_dma2 semaphore(%arg12 : memref<!tpu.dma_semaphore, #tpu.memory_space<semaphore_mem>>) src(%dma_wait3A_445 : memref<250x64xf32, #tpu.memory_space<hbm>>) dst(%dma_wait3A_442 : memref<250x64xf32, #tpu.memory_space<vmem>>)
      %mul3A_446 = arith.constant 2 : i32
      %mul3A_447 = arith.muli %add3A_377, %mul3A_446 : i32
      %add3A_448 = arith.constant 0 : i32
      %add3A_449 = arith.addi %mul3A_447, %add3A_448 : i32
      %dma_start3A_450 = arith.constant 1 : i32
      %dma_start3A_451 = arith.constant 0 : i32
      %dma_start3A_452 = arith.constant 0 : i32
      %dma_start3A_453 = tpu.memref_slice %arg9[%dma_start3A_450, %dma_start3A_451, %dma_start3A_452] : memref<3x250x64xf32, #tpu.memory_space<vmem>> -> memref<1x250x64xf32, #tpu.memory_space<vmem>>
      %dma_start3A_454 = tpu.memref_squeeze %dma_start3A_453 : memref<1x250x64xf32, #tpu.memory_space<vmem>> -> memref<250x64xf32, #tpu.memory_space<vmem>>
      %dma_start3A_455 = arith.constant 0 : i32
      %dma_start3A_456 = arith.constant 0 : i32
      %dma_start3A_457 = tpu.memref_slice %dma_start3A_454[%dma_start3A_455, %dma_start3A_456] : memref<250x64xf32, #tpu.memory_space<vmem>> -> memref<125x64xf32, #tpu.memory_space<vmem>>
      %dma_start3A_458 = arith.constant 0 : i32
      %dma_start3A_459 = tpu.memref_slice %arg8[%add3A_449, %dma_start3A_458] : memref<80x125xi32, #tpu.memory_space<vmem>> -> memref<1x125xi32, #tpu.memory_space<vmem>>
      %dma_start3A_460 = tpu.memref_squeeze %dma_start3A_459 : memref<1x125xi32, #tpu.memory_space<vmem>> -> memref<125xi32, #tpu.memory_space<vmem>>
      %dma_start3A_461 = arith.constant 0 : i32
      %dma_start3A_462 = arith.constant 0 : i32
      %dma_start3A_463 = tpu.memref_slice %arg10[%dma_start3A_461, %dma_start3A_462] : memref<10240x64xf32, #tpu.memory_space<vmem_shared>> -> memref<10240x64xf32, #tpu.memory_space<vmem_shared>>
      tpu.enqueue_indirect_dma source(%dma_start3A_457 : memref<125x64xf32, #tpu.memory_space<vmem>>) target(%dma_start3A_463 : memref<10240x64xf32, #tpu.memory_space<vmem_shared>>) offsets(%dma_start3A_460 : memref<125xi32, #tpu.memory_space<vmem>>) semaphore(%arg15 : memref<!tpu.dma_semaphore, #tpu.memory_space<semaphore_mem>>) {add = true}
      %mul3A_464 = arith.constant 2 : i32
      %mul3A_465 = arith.muli %add3A_377, %mul3A_464 : i32
      %add3A_466 = arith.constant 1 : i32
      %add3A_467 = arith.addi %mul3A_465, %add3A_466 : i32
      %dma_start3A_468 = arith.constant 1 : i32
      %dma_start3A_469 = arith.constant 0 : i32
      %dma_start3A_470 = arith.constant 0 : i32
      %dma_start3A_471 = tpu.memref_slice %arg9[%dma_start3A_468, %dma_start3A_469, %dma_start3A_470] : memref<3x250x64xf32, #tpu.memory_space<vmem>> -> memref<1x250x64xf32, #tpu.memory_space<vmem>>
      %dma_start3A_472 = tpu.memref_squeeze %dma_start3A_471 : memref<1x250x64xf32, #tpu.memory_space<vmem>> -> memref<250x64xf32, #tpu.memory_space<vmem>>
      %dma_start3A_473 = arith.constant 125 : i32
      %dma_start3A_474 = arith.constant 0 : i32
      %dma_start3A_475 = tpu.memref_slice %dma_start3A_472[%dma_start3A_473, %dma_start3A_474] : memref<250x64xf32, #tpu.memory_space<vmem>> -> memref<125x64xf32, #tpu.memory_space<vmem>>
      %dma_start3A_476 = arith.constant 0 : i32
      %dma_start3A_477 = tpu.memref_slice %arg8[%add3A_467, %dma_start3A_476] : memref<80x125xi32, #tpu.memory_space<vmem>> -> memref<1x125xi32, #tpu.memory_space<vmem>>
      %dma_start3A_478 = tpu.memref_squeeze %dma_start3A_477 : memref<1x125xi32, #tpu.memory_space<vmem>> -> memref<125xi32, #tpu.memory_space<vmem>>
      %dma_start3A_479 = arith.constant 0 : i32
      %dma_start3A_480 = arith.constant 0 : i32
      %dma_start3A_481 = tpu.memref_slice %arg10[%dma_start3A_479, %dma_start3A_480] : memref<10240x64xf32, #tpu.memory_space<vmem_shared>> -> memref<10240x64xf32, #tpu.memory_space<vmem_shared>>
      tpu.enqueue_indirect_dma source(%dma_start3A_475 : memref<125x64xf32, #tpu.memory_space<vmem>>) target(%dma_start3A_481 : memref<10240x64xf32, #tpu.memory_space<vmem_shared>>) offsets(%dma_start3A_478 : memref<125xi32, #tpu.memory_space<vmem>>) semaphore(%arg15 : memref<!tpu.dma_semaphore, #tpu.memory_space<semaphore_mem>>) {add = true}
      %add3A_482 = arith.constant 1 : i32
      %add3A_483 = arith.addi %add3A_377, %add3A_482 : i32
      %dma_wait3A_484 = arith.constant 1 : i32
      %dma_wait3A_485 = arith.constant 0 : i32
      %dma_wait3A_486 = arith.constant 0 : i32
      %dma_wait3A_487 = tpu.memref_slice %arg9[%dma_wait3A_484, %dma_wait3A_485, %dma_wait3A_486] : memref<3x250x64xf32, #tpu.memory_space<vmem>> -> memref<1x250x64xf32, #tpu.memory_space<vmem>>
      %dma_wait3A_488 = tpu.memref_squeeze %dma_wait3A_487 : memref<1x250x64xf32, #tpu.memory_space<vmem>> -> memref<250x64xf32, #tpu.memory_space<vmem>>
      %dma_wait3A_489 = arith.constant 0 : i32
      %dma_wait3A_490 = arith.constant 0 : i32
      %dma_wait3A_491 = tpu.memref_slice %arg4[%dma_wait3A_489, %dma_wait3A_490] : memref<10000x64xf32, #tpu.memory_space<hbm>> -> memref<250x64xf32, #tpu.memory_space<hbm>>
      %dma_wait3A_492 = arith.constant 0 : i32
      %dma_wait3A_493 = arith.constant 0 : i32
      %dma_wait3A_494 = tpu.memref_slice %arg9[%dma_wait3A_484, %dma_wait3A_492, %dma_wait3A_493] : memref<3x250x64xf32, #tpu.memory_space<vmem>> -> memref<1x250x64xf32, #tpu.memory_space<vmem>>
      %dma_wait3A_495 = tpu.memref_squeeze %dma_wait3A_494 : memref<1x250x64xf32, #tpu.memory_space<vmem>> -> memref<250x64xf32, #tpu.memory_space<vmem>>
      %dma_wait3A_496 = arith.constant 0 : i32
      %dma_wait3A_497 = arith.constant 0 : i32
      %dma_wait3A_498 = tpu.memref_slice %arg4[%dma_wait3A_496, %dma_wait3A_497] : memref<10000x64xf32, #tpu.memory_space<hbm>> -> memref<250x64xf32, #tpu.memory_space<hbm>>
      tpu.wait_dma2 semaphore(%arg15 : memref<!tpu.dma_semaphore, #tpu.memory_space<semaphore_mem>>) src(%dma_wait3A_498 : memref<250x64xf32, #tpu.memory_space<hbm>>) dst(%dma_wait3A_495 : memref<250x64xf32, #tpu.memory_space<vmem>>)
      %add3A_499 = arith.constant 2 : i32
      %add3A_500 = arith.addi %add3A_483, %add3A_499 : i32
      %mul3A_501 = arith.constant 2 : i32
      %mul3A_502 = arith.muli %add3A_500, %mul3A_501 : i32
      %add3A_503 = arith.constant 0 : i32
      %add3A_504 = arith.addi %mul3A_502, %add3A_503 : i32
      %dma_start3A_505 = arith.constant 1 : i32
      %dma_start3A_506 = arith.constant 0 : i32
      %dma_start3A_507 = arith.constant 0 : i32
      %dma_start3A_508 = tpu.memref_slice %arg9[%dma_start3A_505, %dma_start3A_506, %dma_start3A_507] : memref<3x250x64xf32, #tpu.memory_space<vmem>> -> memref<1x250x64xf32, #tpu.memory_space<vmem>>
      %dma_start3A_509 = tpu.memref_squeeze %dma_start3A_508 : memref<1x250x64xf32, #tpu.memory_space<vmem>> -> memref<250x64xf32, #tpu.memory_space<vmem>>
      %dma_start3A_510 = arith.constant 0 : i32
      %dma_start3A_511 = arith.constant 0 : i32
      %dma_start3A_512 = tpu.memref_slice %dma_start3A_509[%dma_start3A_510, %dma_start3A_511] : memref<250x64xf32, #tpu.memory_space<vmem>> -> memref<125x64xf32, #tpu.memory_space<vmem>>
      %dma_start3A_513 = arith.constant 0 : i32
      %dma_start3A_514 = tpu.memref_slice %arg7[%add3A_504, %dma_start3A_513] : memref<80x125xi32, #tpu.memory_space<vmem>> -> memref<1x125xi32, #tpu.memory_space<vmem>>
      %dma_start3A_515 = tpu.memref_squeeze %dma_start3A_514 : memref<1x125xi32, #tpu.memory_space<vmem>> -> memref<125xi32, #tpu.memory_space<vmem>>
      %dma_start3A_516 = arith.constant 0 : i32
      %dma_start3A_517 = arith.constant 0 : i32
      %dma_start3A_518 = tpu.memref_slice %arg4[%dma_start3A_516, %dma_start3A_517] : memref<10000x64xf32, #tpu.memory_space<hbm>> -> memref<10000x64xf32, #tpu.memory_space<hbm>>
      tpu.enqueue_indirect_dma source(%dma_start3A_518 : memref<10000x64xf32, #tpu.memory_space<hbm>>) target(%dma_start3A_512 : memref<125x64xf32, #tpu.memory_space<vmem>>) offsets(%dma_start3A_515 : memref<125xi32, #tpu.memory_space<vmem>>) semaphore(%arg12 : memref<!tpu.dma_semaphore, #tpu.memory_space<semaphore_mem>>)
      %mul3A_519 = arith.constant 2 : i32
      %mul3A_520 = arith.muli %add3A_500, %mul3A_519 : i32
      %add3A_521 = arith.constant 1 : i32
      %add3A_522 = arith.addi %mul3A_520, %add3A_521 : i32
      %dma_start3A_523 = arith.constant 1 : i32
      %dma_start3A_524 = arith.constant 0 : i32
      %dma_start3A_525 = arith.constant 0 : i32
      %dma_start3A_526 = tpu.memref_slice %arg9[%dma_start3A_523, %dma_start3A_524, %dma_start3A_525] : memref<3x250x64xf32, #tpu.memory_space<vmem>> -> memref<1x250x64xf32, #tpu.memory_space<vmem>>
      %dma_start3A_527 = tpu.memref_squeeze %dma_start3A_526 : memref<1x250x64xf32, #tpu.memory_space<vmem>> -> memref<250x64xf32, #tpu.memory_space<vmem>>
      %dma_start3A_528 = arith.constant 125 : i32
      %dma_start3A_529 = arith.constant 0 : i32
      %dma_start3A_530 = tpu.memref_slice %dma_start3A_527[%dma_start3A_528, %dma_start3A_529] : memref<250x64xf32, #tpu.memory_space<vmem>> -> memref<125x64xf32, #tpu.memory_space<vmem>>
      %dma_start3A_531 = arith.constant 0 : i32
      %dma_start3A_532 = tpu.memref_slice %arg7[%add3A_522, %dma_start3A_531] : memref<80x125xi32, #tpu.memory_space<vmem>> -> memref<1x125xi32, #tpu.memory_space<vmem>>
      %dma_start3A_533 = tpu.memref_squeeze %dma_start3A_532 : memref<1x125xi32, #tpu.memory_space<vmem>> -> memref<125xi32, #tpu.memory_space<vmem>>
      %dma_start3A_534 = arith.constant 0 : i32
      %dma_start3A_535 = arith.constant 0 : i32
      %dma_start3A_536 = tpu.memref_slice %arg4[%dma_start3A_534, %dma_start3A_535] : memref<10000x64xf32, #tpu.memory_space<hbm>> -> memref<10000x64xf32, #tpu.memory_space<hbm>>
      tpu.enqueue_indirect_dma source(%dma_start3A_536 : memref<10000x64xf32, #tpu.memory_space<hbm>>) target(%dma_start3A_530 : memref<125x64xf32, #tpu.memory_space<vmem>>) offsets(%dma_start3A_533 : memref<125xi32, #tpu.memory_space<vmem>>) semaphore(%arg12 : memref<!tpu.dma_semaphore, #tpu.memory_space<semaphore_mem>>)
      %dma_wait3A_537 = arith.constant 2 : i32
      %dma_wait3A_538 = arith.constant 0 : i32
      %dma_wait3A_539 = arith.constant 0 : i32
      %dma_wait3A_540 = tpu.memref_slice %arg9[%dma_wait3A_537, %dma_wait3A_538, %dma_wait3A_539] : memref<3x250x64xf32, #tpu.memory_space<vmem>> -> memref<1x250x64xf32, #tpu.memory_space<vmem>>
      %dma_wait3A_541 = tpu.memref_squeeze %dma_wait3A_540 : memref<1x250x64xf32, #tpu.memory_space<vmem>> -> memref<250x64xf32, #tpu.memory_space<vmem>>
      %dma_wait3A_542 = arith.constant 0 : i32
      %dma_wait3A_543 = arith.constant 0 : i32
      %dma_wait3A_544 = tpu.memref_slice %arg4[%dma_wait3A_542, %dma_wait3A_543] : memref<10000x64xf32, #tpu.memory_space<hbm>> -> memref<250x64xf32, #tpu.memory_space<hbm>>
      %dma_wait3A_545 = arith.constant 0 : i32
      %dma_wait3A_546 = arith.constant 0 : i32
      %dma_wait3A_547 = tpu.memref_slice %arg9[%dma_wait3A_537, %dma_wait3A_545, %dma_wait3A_546] : memref<3x250x64xf32, #tpu.memory_space<vmem>> -> memref<1x250x64xf32, #tpu.memory_space<vmem>>
      %dma_wait3A_548 = tpu.memref_squeeze %dma_wait3A_547 : memref<1x250x64xf32, #tpu.memory_space<vmem>> -> memref<250x64xf32, #tpu.memory_space<vmem>>
      %dma_wait3A_549 = arith.constant 0 : i32
      %dma_wait3A_550 = arith.constant 0 : i32
      %dma_wait3A_551 = tpu.memref_slice %arg4[%dma_wait3A_549, %dma_wait3A_550] : memref<10000x64xf32, #tpu.memory_space<hbm>> -> memref<250x64xf32, #tpu.memory_space<hbm>>
      tpu.wait_dma2 semaphore(%arg13 : memref<!tpu.dma_semaphore, #tpu.memory_space<semaphore_mem>>) src(%dma_wait3A_551 : memref<250x64xf32, #tpu.memory_space<hbm>>) dst(%dma_wait3A_548 : memref<250x64xf32, #tpu.memory_space<vmem>>)
      %mul3A_552 = arith.constant 2 : i32
      %mul3A_553 = arith.muli %add3A_483, %mul3A_552 : i32
      %add3A_554 = arith.constant 0 : i32
      %add3A_555 = arith.addi %mul3A_553, %add3A_554 : i32
      %dma_start3A_556 = arith.constant 2 : i32
      %dma_start3A_557 = arith.constant 0 : i32
      %dma_start3A_558 = arith.constant 0 : i32
      %dma_start3A_559 = tpu.memref_slice %arg9[%dma_start3A_556, %dma_start3A_557, %dma_start3A_558] : memref<3x250x64xf32, #tpu.memory_space<vmem>> -> memref<1x250x64xf32, #tpu.memory_space<vmem>>
      %dma_start3A_560 = tpu.memref_squeeze %dma_start3A_559 : memref<1x250x64xf32, #tpu.memory_space<vmem>> -> memref<250x64xf32, #tpu.memory_space<vmem>>
      %dma_start3A_561 = arith.constant 0 : i32
      %dma_start3A_562 = arith.constant 0 : i32
      %dma_start3A_563 = tpu.memref_slice %dma_start3A_560[%dma_start3A_561, %dma_start3A_562] : memref<250x64xf32, #tpu.memory_space<vmem>> -> memref<125x64xf32, #tpu.memory_space<vmem>>
      %dma_start3A_564 = arith.constant 0 : i32
      %dma_start3A_565 = tpu.memref_slice %arg8[%add3A_555, %dma_start3A_564] : memref<80x125xi32, #tpu.memory_space<vmem>> -> memref<1x125xi32, #tpu.memory_space<vmem>>
      %dma_start3A_566 = tpu.memref_squeeze %dma_start3A_565 : memref<1x125xi32, #tpu.memory_space<vmem>> -> memref<125xi32, #tpu.memory_space<vmem>>
      %dma_start3A_567 = arith.constant 0 : i32
      %dma_start3A_568 = arith.constant 0 : i32
      %dma_start3A_569 = tpu.memref_slice %arg10[%dma_start3A_567, %dma_start3A_568] : memref<10240x64xf32, #tpu.memory_space<vmem_shared>> -> memref<10240x64xf32, #tpu.memory_space<vmem_shared>>
      tpu.enqueue_indirect_dma source(%dma_start3A_563 : memref<125x64xf32, #tpu.memory_space<vmem>>) target(%dma_start3A_569 : memref<10240x64xf32, #tpu.memory_space<vmem_shared>>) offsets(%dma_start3A_566 : memref<125xi32, #tpu.memory_space<vmem>>) semaphore(%arg16 : memref<!tpu.dma_semaphore, #tpu.memory_space<semaphore_mem>>) {add = true}
      %mul3A_570 = arith.constant 2 : i32
      %mul3A_571 = arith.muli %add3A_483, %mul3A_570 : i32
      %add3A_572 = arith.constant 1 : i32
      %add3A_573 = arith.addi %mul3A_571, %add3A_572 : i32
      %dma_start3A_574 = arith.constant 2 : i32
      %dma_start3A_575 = arith.constant 0 : i32
      %dma_start3A_576 = arith.constant 0 : i32
      %dma_start3A_577 = tpu.memref_slice %arg9[%dma_start3A_574, %dma_start3A_575, %dma_start3A_576] : memref<3x250x64xf32, #tpu.memory_space<vmem>> -> memref<1x250x64xf32, #tpu.memory_space<vmem>>
      %dma_start3A_578 = tpu.memref_squeeze %dma_start3A_577 : memref<1x250x64xf32, #tpu.memory_space<vmem>> -> memref<250x64xf32, #tpu.memory_space<vmem>>
      %dma_start3A_579 = arith.constant 125 : i32
      %dma_start3A_580 = arith.constant 0 : i32
      %dma_start3A_581 = tpu.memref_slice %dma_start3A_578[%dma_start3A_579, %dma_start3A_580] : memref<250x64xf32, #tpu.memory_space<vmem>> -> memref<125x64xf32, #tpu.memory_space<vmem>>
      %dma_start3A_582 = arith.constant 0 : i32
      %dma_start3A_583 = tpu.memref_slice %arg8[%add3A_573, %dma_start3A_582] : memref<80x125xi32, #tpu.memory_space<vmem>> -> memref<1x125xi32, #tpu.memory_space<vmem>>
      %dma_start3A_584 = tpu.memref_squeeze %dma_start3A_583 : memref<1x125xi32, #tpu.memory_space<vmem>> -> memref<125xi32, #tpu.memory_space<vmem>>
      %dma_start3A_585 = arith.constant 0 : i32
      %dma_start3A_586 = arith.constant 0 : i32
      %dma_start3A_587 = tpu.memref_slice %arg10[%dma_start3A_585, %dma_start3A_586] : memref<10240x64xf32, #tpu.memory_space<vmem_shared>> -> memref<10240x64xf32, #tpu.memory_space<vmem_shared>>
      tpu.enqueue_indirect_dma source(%dma_start3A_581 : memref<125x64xf32, #tpu.memory_space<vmem>>) target(%dma_start3A_587 : memref<10240x64xf32, #tpu.memory_space<vmem_shared>>) offsets(%dma_start3A_584 : memref<125xi32, #tpu.memory_space<vmem>>) semaphore(%arg16 : memref<!tpu.dma_semaphore, #tpu.memory_space<semaphore_mem>>) {add = true}
      %add3A_588 = arith.constant 2 : i32
      %add3A_589 = arith.addi %add3A_377, %add3A_588 : i32
      %dma_wait3A_590 = arith.constant 2 : i32
      %dma_wait3A_591 = arith.constant 0 : i32
      %dma_wait3A_592 = arith.constant 0 : i32
      %dma_wait3A_593 = tpu.memref_slice %arg9[%dma_wait3A_590, %dma_wait3A_591, %dma_wait3A_592] : memref<3x250x64xf32, #tpu.memory_space<vmem>> -> memref<1x250x64xf32, #tpu.memory_space<vmem>>
      %dma_wait3A_594 = tpu.memref_squeeze %dma_wait3A_593 : memref<1x250x64xf32, #tpu.memory_space<vmem>> -> memref<250x64xf32, #tpu.memory_space<vmem>>
      %dma_wait3A_595 = arith.constant 0 : i32
      %dma_wait3A_596 = arith.constant 0 : i32
      %dma_wait3A_597 = tpu.memref_slice %arg4[%dma_wait3A_595, %dma_wait3A_596] : memref<10000x64xf32, #tpu.memory_space<hbm>> -> memref<250x64xf32, #tpu.memory_space<hbm>>
      %dma_wait3A_598 = arith.constant 0 : i32
      %dma_wait3A_599 = arith.constant 0 : i32
      %dma_wait3A_600 = tpu.memref_slice %arg9[%dma_wait3A_590, %dma_wait3A_598, %dma_wait3A_599] : memref<3x250x64xf32, #tpu.memory_space<vmem>> -> memref<1x250x64xf32, #tpu.memory_space<vmem>>
      %dma_wait3A_601 = tpu.memref_squeeze %dma_wait3A_600 : memref<1x250x64xf32, #tpu.memory_space<vmem>> -> memref<250x64xf32, #tpu.memory_space<vmem>>
      %dma_wait3A_602 = arith.constant 0 : i32
      %dma_wait3A_603 = arith.constant 0 : i32
      %dma_wait3A_604 = tpu.memref_slice %arg4[%dma_wait3A_602, %dma_wait3A_603] : memref<10000x64xf32, #tpu.memory_space<hbm>> -> memref<250x64xf32, #tpu.memory_space<hbm>>
      tpu.wait_dma2 semaphore(%arg16 : memref<!tpu.dma_semaphore, #tpu.memory_space<semaphore_mem>>) src(%dma_wait3A_604 : memref<250x64xf32, #tpu.memory_space<hbm>>) dst(%dma_wait3A_601 : memref<250x64xf32, #tpu.memory_space<vmem>>)
      %add3A_605 = arith.constant 2 : i32
      %add3A_606 = arith.addi %add3A_589, %add3A_605 : i32
      %mul3A_607 = arith.constant 2 : i32
      %mul3A_608 = arith.muli %add3A_606, %mul3A_607 : i32
      %add3A_609 = arith.constant 0 : i32
      %add3A_610 = arith.addi %mul3A_608, %add3A_609 : i32
      %dma_start3A_611 = arith.constant 2 : i32
      %dma_start3A_612 = arith.constant 0 : i32
      %dma_start3A_613 = arith.constant 0 : i32
      %dma_start3A_614 = tpu.memref_slice %arg9[%dma_start3A_611, %dma_start3A_612, %dma_start3A_613] : memref<3x250x64xf32, #tpu.memory_space<vmem>> -> memref<1x250x64xf32, #tpu.memory_space<vmem>>
      %dma_start3A_615 = tpu.memref_squeeze %dma_start3A_614 : memref<1x250x64xf32, #tpu.memory_space<vmem>> -> memref<250x64xf32, #tpu.memory_space<vmem>>
      %dma_start3A_616 = arith.constant 0 : i32
      %dma_start3A_617 = arith.constant 0 : i32
      %dma_start3A_618 = tpu.memref_slice %dma_start3A_615[%dma_start3A_616, %dma_start3A_617] : memref<250x64xf32, #tpu.memory_space<vmem>> -> memref<125x64xf32, #tpu.memory_space<vmem>>
      %dma_start3A_619 = arith.constant 0 : i32
      %dma_start3A_620 = tpu.memref_slice %arg7[%add3A_610, %dma_start3A_619] : memref<80x125xi32, #tpu.memory_space<vmem>> -> memref<1x125xi32, #tpu.memory_space<vmem>>
      %dma_start3A_621 = tpu.memref_squeeze %dma_start3A_620 : memref<1x125xi32, #tpu.memory_space<vmem>> -> memref<125xi32, #tpu.memory_space<vmem>>
      %dma_start3A_622 = arith.constant 0 : i32
      %dma_start3A_623 = arith.constant 0 : i32
      %dma_start3A_624 = tpu.memref_slice %arg4[%dma_start3A_622, %dma_start3A_623] : memref<10000x64xf32, #tpu.memory_space<hbm>> -> memref<10000x64xf32, #tpu.memory_space<hbm>>
      tpu.enqueue_indirect_dma source(%dma_start3A_624 : memref<10000x64xf32, #tpu.memory_space<hbm>>) target(%dma_start3A_618 : memref<125x64xf32, #tpu.memory_space<vmem>>) offsets(%dma_start3A_621 : memref<125xi32, #tpu.memory_space<vmem>>) semaphore(%arg13 : memref<!tpu.dma_semaphore, #tpu.memory_space<semaphore_mem>>)
      %mul3A_625 = arith.constant 2 : i32
      %mul3A_626 = arith.muli %add3A_606, %mul3A_625 : i32
      %add3A_627 = arith.constant 1 : i32
      %add3A_628 = arith.addi %mul3A_626, %add3A_627 : i32
      %dma_start3A_629 = arith.constant 2 : i32
      %dma_start3A_630 = arith.constant 0 : i32
      %dma_start3A_631 = arith.constant 0 : i32
      %dma_start3A_632 = tpu.memref_slice %arg9[%dma_start3A_629, %dma_start3A_630, %dma_start3A_631] : memref<3x250x64xf32, #tpu.memory_space<vmem>> -> memref<1x250x64xf32, #tpu.memory_space<vmem>>
      %dma_start3A_633 = tpu.memref_squeeze %dma_start3A_632 : memref<1x250x64xf32, #tpu.memory_space<vmem>> -> memref<250x64xf32, #tpu.memory_space<vmem>>
      %dma_start3A_634 = arith.constant 125 : i32
      %dma_start3A_635 = arith.constant 0 : i32
      %dma_start3A_636 = tpu.memref_slice %dma_start3A_633[%dma_start3A_634, %dma_start3A_635] : memref<250x64xf32, #tpu.memory_space<vmem>> -> memref<125x64xf32, #tpu.memory_space<vmem>>
      %dma_start3A_637 = arith.constant 0 : i32
      %dma_start3A_638 = tpu.memref_slice %arg7[%add3A_628, %dma_start3A_637] : memref<80x125xi32, #tpu.memory_space<vmem>> -> memref<1x125xi32, #tpu.memory_space<vmem>>
      %dma_start3A_639 = tpu.memref_squeeze %dma_start3A_638 : memref<1x125xi32, #tpu.memory_space<vmem>> -> memref<125xi32, #tpu.memory_space<vmem>>
      %dma_start3A_640 = arith.constant 0 : i32
      %dma_start3A_641 = arith.constant 0 : i32
      %dma_start3A_642 = tpu.memref_slice %arg4[%dma_start3A_640, %dma_start3A_641] : memref<10000x64xf32, #tpu.memory_space<hbm>> -> memref<10000x64xf32, #tpu.memory_space<hbm>>
      tpu.enqueue_indirect_dma source(%dma_start3A_642 : memref<10000x64xf32, #tpu.memory_space<hbm>>) target(%dma_start3A_636 : memref<125x64xf32, #tpu.memory_space<vmem>>) offsets(%dma_start3A_639 : memref<125xi32, #tpu.memory_space<vmem>>) semaphore(%arg13 : memref<!tpu.dma_semaphore, #tpu.memory_space<semaphore_mem>>)
      %dma_wait3A_643 = arith.constant 0 : i32
      %dma_wait3A_644 = arith.constant 0 : i32
      %dma_wait3A_645 = arith.constant 0 : i32
      %dma_wait3A_646 = tpu.memref_slice %arg9[%dma_wait3A_643, %dma_wait3A_644, %dma_wait3A_645] : memref<3x250x64xf32, #tpu.memory_space<vmem>> -> memref<1x250x64xf32, #tpu.memory_space<vmem>>
      %dma_wait3A_647 = tpu.memref_squeeze %dma_wait3A_646 : memref<1x250x64xf32, #tpu.memory_space<vmem>> -> memref<250x64xf32, #tpu.memory_space<vmem>>
      %dma_wait3A_648 = arith.constant 0 : i32
      %dma_wait3A_649 = arith.constant 0 : i32
      %dma_wait3A_650 = tpu.memref_slice %arg4[%dma_wait3A_648, %dma_wait3A_649] : memref<10000x64xf32, #tpu.memory_space<hbm>> -> memref<250x64xf32, #tpu.memory_space<hbm>>
      %dma_wait3A_651 = arith.constant 0 : i32
      %dma_wait3A_652 = arith.constant 0 : i32
      %dma_wait3A_653 = tpu.memref_slice %arg9[%dma_wait3A_643, %dma_wait3A_651, %dma_wait3A_652] : memref<3x250x64xf32, #tpu.memory_space<vmem>> -> memref<1x250x64xf32, #tpu.memory_space<vmem>>
      %dma_wait3A_654 = tpu.memref_squeeze %dma_wait3A_653 : memref<1x250x64xf32, #tpu.memory_space<vmem>> -> memref<250x64xf32, #tpu.memory_space<vmem>>
      %dma_wait3A_655 = arith.constant 0 : i32
      %dma_wait3A_656 = arith.constant 0 : i32
      %dma_wait3A_657 = tpu.memref_slice %arg4[%dma_wait3A_655, %dma_wait3A_656] : memref<10000x64xf32, #tpu.memory_space<hbm>> -> memref<250x64xf32, #tpu.memory_space<hbm>>
      tpu.wait_dma2 semaphore(%arg11 : memref<!tpu.dma_semaphore, #tpu.memory_space<semaphore_mem>>) src(%dma_wait3A_657 : memref<250x64xf32, #tpu.memory_space<hbm>>) dst(%dma_wait3A_654 : memref<250x64xf32, #tpu.memory_space<vmem>>)
      %mul3A_658 = arith.constant 2 : i32
      %mul3A_659 = arith.muli %add3A_589, %mul3A_658 : i32
      %add3A_660 = arith.constant 0 : i32
      %add3A_661 = arith.addi %mul3A_659, %add3A_660 : i32
      %dma_start3A_662 = arith.constant 0 : i32
      %dma_start3A_663 = arith.constant 0 : i32
      %dma_start3A_664 = arith.constant 0 : i32
      %dma_start3A_665 = tpu.memref_slice %arg9[%dma_start3A_662, %dma_start3A_663, %dma_start3A_664] : memref<3x250x64xf32, #tpu.memory_space<vmem>> -> memref<1x250x64xf32, #tpu.memory_space<vmem>>
      %dma_start3A_666 = tpu.memref_squeeze %dma_start3A_665 : memref<1x250x64xf32, #tpu.memory_space<vmem>> -> memref<250x64xf32, #tpu.memory_space<vmem>>
      %dma_start3A_667 = arith.constant 0 : i32
      %dma_start3A_668 = arith.constant 0 : i32
      %dma_start3A_669 = tpu.memref_slice %dma_start3A_666[%dma_start3A_667, %dma_start3A_668] : memref<250x64xf32, #tpu.memory_space<vmem>> -> memref<125x64xf32, #tpu.memory_space<vmem>>
      %dma_start3A_670 = arith.constant 0 : i32
      %dma_start3A_671 = tpu.memref_slice %arg8[%add3A_661, %dma_start3A_670] : memref<80x125xi32, #tpu.memory_space<vmem>> -> memref<1x125xi32, #tpu.memory_space<vmem>>
      %dma_start3A_672 = tpu.memref_squeeze %dma_start3A_671 : memref<1x125xi32, #tpu.memory_space<vmem>> -> memref<125xi32, #tpu.memory_space<vmem>>
      %dma_start3A_673 = arith.constant 0 : i32
      %dma_start3A_674 = arith.constant 0 : i32
      %dma_start3A_675 = tpu.memref_slice %arg10[%dma_start3A_673, %dma_start3A_674] : memref<10240x64xf32, #tpu.memory_space<vmem_shared>> -> memref<10240x64xf32, #tpu.memory_space<vmem_shared>>
      tpu.enqueue_indirect_dma source(%dma_start3A_669 : memref<125x64xf32, #tpu.memory_space<vmem>>) target(%dma_start3A_675 : memref<10240x64xf32, #tpu.memory_space<vmem_shared>>) offsets(%dma_start3A_672 : memref<125xi32, #tpu.memory_space<vmem>>) semaphore(%arg14 : memref<!tpu.dma_semaphore, #tpu.memory_space<semaphore_mem>>) {add = true}
      %mul3A_676 = arith.constant 2 : i32
      %mul3A_677 = arith.muli %add3A_589, %mul3A_676 : i32
      %add3A_678 = arith.constant 1 : i32
      %add3A_679 = arith.addi %mul3A_677, %add3A_678 : i32
      %dma_start3A_680 = arith.constant 0 : i32
      %dma_start3A_681 = arith.constant 0 : i32
      %dma_start3A_682 = arith.constant 0 : i32
      %dma_start3A_683 = tpu.memref_slice %arg9[%dma_start3A_680, %dma_start3A_681, %dma_start3A_682] : memref<3x250x64xf32, #tpu.memory_space<vmem>> -> memref<1x250x64xf32, #tpu.memory_space<vmem>>
      %dma_start3A_684 = tpu.memref_squeeze %dma_start3A_683 : memref<1x250x64xf32, #tpu.memory_space<vmem>> -> memref<250x64xf32, #tpu.memory_space<vmem>>
      %dma_start3A_685 = arith.constant 125 : i32
      %dma_start3A_686 = arith.constant 0 : i32
      %dma_start3A_687 = tpu.memref_slice %dma_start3A_684[%dma_start3A_685, %dma_start3A_686] : memref<250x64xf32, #tpu.memory_space<vmem>> -> memref<125x64xf32, #tpu.memory_space<vmem>>
      %dma_start3A_688 = arith.constant 0 : i32
      %dma_start3A_689 = tpu.memref_slice %arg8[%add3A_679, %dma_start3A_688] : memref<80x125xi32, #tpu.memory_space<vmem>> -> memref<1x125xi32, #tpu.memory_space<vmem>>
      %dma_start3A_690 = tpu.memref_squeeze %dma_start3A_689 : memref<1x125xi32, #tpu.memory_space<vmem>> -> memref<125xi32, #tpu.memory_space<vmem>>
      %dma_start3A_691 = arith.constant 0 : i32
      %dma_start3A_692 = arith.constant 0 : i32
      %dma_start3A_693 = tpu.memref_slice %arg10[%dma_start3A_691, %dma_start3A_692] : memref<10240x64xf32, #tpu.memory_space<vmem_shared>> -> memref<10240x64xf32, #tpu.memory_space<vmem_shared>>
      tpu.enqueue_indirect_dma source(%dma_start3A_687 : memref<125x64xf32, #tpu.memory_space<vmem>>) target(%dma_start3A_693 : memref<10240x64xf32, #tpu.memory_space<vmem_shared>>) offsets(%dma_start3A_690 : memref<125xi32, #tpu.memory_space<vmem>>) semaphore(%arg14 : memref<!tpu.dma_semaphore, #tpu.memory_space<semaphore_mem>>) {add = true}
    }
    %scan3A_142 = arith.constant 12 : i32
    %dma_wait3A_143 = arith.constant 0 : i32
    %dma_wait3A_144 = arith.constant 0 : i32
    %dma_wait3A_145 = arith.constant 0 : i32
    %dma_wait3A_146 = tpu.memref_slice %arg9[%dma_wait3A_143, %dma_wait3A_144, %dma_wait3A_145] : memref<3x250x64xf32, #tpu.memory_space<vmem>> -> memref<1x250x64xf32, #tpu.memory_space<vmem>>
    %dma_wait3A_147 = tpu.memref_squeeze %dma_wait3A_146 : memref<1x250x64xf32, #tpu.memory_space<vmem>> -> memref<250x64xf32, #tpu.memory_space<vmem>>
    %dma_wait3A_148 = arith.constant 0 : i32
    %dma_wait3A_149 = arith.constant 0 : i32
    %dma_wait3A_150 = tpu.memref_slice %arg4[%dma_wait3A_148, %dma_wait3A_149] : memref<10000x64xf32, #tpu.memory_space<hbm>> -> memref<250x64xf32, #tpu.memory_space<hbm>>
    %dma_wait3A_151 = arith.constant 0 : i32
    %dma_wait3A_152 = arith.constant 0 : i32
    %dma_wait3A_153 = tpu.memref_slice %arg9[%dma_wait3A_143, %dma_wait3A_151, %dma_wait3A_152] : memref<3x250x64xf32, #tpu.memory_space<vmem>> -> memref<1x250x64xf32, #tpu.memory_space<vmem>>
    %dma_wait3A_154 = tpu.memref_squeeze %dma_wait3A_153 : memref<1x250x64xf32, #tpu.memory_space<vmem>> -> memref<250x64xf32, #tpu.memory_space<vmem>>
    %dma_wait3A_155 = arith.constant 0 : i32
    %dma_wait3A_156 = arith.constant 0 : i32
    %dma_wait3A_157 = tpu.memref_slice %arg4[%dma_wait3A_155, %dma_wait3A_156] : memref<10000x64xf32, #tpu.memory_space<hbm>> -> memref<250x64xf32, #tpu.memory_space<hbm>>
    tpu.wait_dma2 semaphore(%arg14 : memref<!tpu.dma_semaphore, #tpu.memory_space<semaphore_mem>>) src(%dma_wait3A_157 : memref<250x64xf32, #tpu.memory_space<hbm>>) dst(%dma_wait3A_154 : memref<250x64xf32, #tpu.memory_space<vmem>>)
    %dma_start3A_158 = arith.constant 78 : i32
    %dma_start3A_159 = arith.constant 0 : i32
    %dma_start3A_160 = arith.constant 0 : i32
    %dma_start3A_161 = arith.constant 0 : i32
    %dma_start3A_162 = tpu.memref_slice %arg9[%dma_start3A_159, %dma_start3A_160, %dma_start3A_161] : memref<3x250x64xf32, #tpu.memory_space<vmem>> -> memref<1x250x64xf32, #tpu.memory_space<vmem>>
    %dma_start3A_163 = tpu.memref_squeeze %dma_start3A_162 : memref<1x250x64xf32, #tpu.memory_space<vmem>> -> memref<250x64xf32, #tpu.memory_space<vmem>>
    %dma_start3A_164 = arith.constant 0 : i32
    %dma_start3A_165 = arith.constant 0 : i32
    %dma_start3A_166 = tpu.memref_slice %dma_start3A_163[%dma_start3A_164, %dma_start3A_165] : memref<250x64xf32, #tpu.memory_space<vmem>> -> memref<125x64xf32, #tpu.memory_space<vmem>>
    %dma_start3A_167 = arith.constant 0 : i32
    %dma_start3A_168 = tpu.memref_slice %arg7[%dma_start3A_158, %dma_start3A_167] : memref<80x125xi32, #tpu.memory_space<vmem>> -> memref<1x125xi32, #tpu.memory_space<vmem>>
    %dma_start3A_169 = tpu.memref_squeeze %dma_start3A_168 : memref<1x125xi32, #tpu.memory_space<vmem>> -> memref<125xi32, #tpu.memory_space<vmem>>
    %dma_start3A_170 = arith.constant 0 : i32
    %dma_start3A_171 = arith.constant 0 : i32
    %dma_start3A_172 = tpu.memref_slice %arg4[%dma_start3A_170, %dma_start3A_171] : memref<10000x64xf32, #tpu.memory_space<hbm>> -> memref<10000x64xf32, #tpu.memory_space<hbm>>
    tpu.enqueue_indirect_dma source(%dma_start3A_172 : memref<10000x64xf32, #tpu.memory_space<hbm>>) target(%dma_start3A_166 : memref<125x64xf32, #tpu.memory_space<vmem>>) offsets(%dma_start3A_169 : memref<125xi32, #tpu.memory_space<vmem>>) semaphore(%arg11 : memref<!tpu.dma_semaphore, #tpu.memory_space<semaphore_mem>>)
    %dma_start3A_173 = arith.constant 79 : i32
    %dma_start3A_174 = arith.constant 0 : i32
    %dma_start3A_175 = arith.constant 0 : i32
    %dma_start3A_176 = arith.constant 0 : i32
    %dma_start3A_177 = tpu.memref_slice %arg9[%dma_start3A_174, %dma_start3A_175, %dma_start3A_176] : memref<3x250x64xf32, #tpu.memory_space<vmem>> -> memref<1x250x64xf32, #tpu.memory_space<vmem>>
    %dma_start3A_178 = tpu.memref_squeeze %dma_start3A_177 : memref<1x250x64xf32, #tpu.memory_space<vmem>> -> memref<250x64xf32, #tpu.memory_space<vmem>>
    %dma_start3A_179 = arith.constant 125 : i32
    %dma_start3A_180 = arith.constant 0 : i32
    %dma_start3A_181 = tpu.memref_slice %dma_start3A_178[%dma_start3A_179, %dma_start3A_180] : memref<250x64xf32, #tpu.memory_space<vmem>> -> memref<125x64xf32, #tpu.memory_space<vmem>>
    %dma_start3A_182 = arith.constant 0 : i32
    %dma_start3A_183 = tpu.memref_slice %arg7[%dma_start3A_173, %dma_start3A_182] : memref<80x125xi32, #tpu.memory_space<vmem>> -> memref<1x125xi32, #tpu.memory_space<vmem>>
    %dma_start3A_184 = tpu.memref_squeeze %dma_start3A_183 : memref<1x125xi32, #tpu.memory_space<vmem>> -> memref<125xi32, #tpu.memory_space<vmem>>
    %dma_start3A_185 = arith.constant 0 : i32
    %dma_start3A_186 = arith.constant 0 : i32
    %dma_start3A_187 = tpu.memref_slice %arg4[%dma_start3A_185, %dma_start3A_186] : memref<10000x64xf32, #tpu.memory_space<hbm>> -> memref<10000x64xf32, #tpu.memory_space<hbm>>
    tpu.enqueue_indirect_dma source(%dma_start3A_187 : memref<10000x64xf32, #tpu.memory_space<hbm>>) target(%dma_start3A_181 : memref<125x64xf32, #tpu.memory_space<vmem>>) offsets(%dma_start3A_184 : memref<125xi32, #tpu.memory_space<vmem>>) semaphore(%arg11 : memref<!tpu.dma_semaphore, #tpu.memory_space<semaphore_mem>>)
    %dma_wait3A_188 = arith.constant 1 : i32
    %dma_wait3A_189 = arith.constant 0 : i32
    %dma_wait3A_190 = arith.constant 0 : i32
    %dma_wait3A_191 = tpu.memref_slice %arg9[%dma_wait3A_188, %dma_wait3A_189, %dma_wait3A_190] : memref<3x250x64xf32, #tpu.memory_space<vmem>> -> memref<1x250x64xf32, #tpu.memory_space<vmem>>
    %dma_wait3A_192 = tpu.memref_squeeze %dma_wait3A_191 : memref<1x250x64xf32, #tpu.memory_space<vmem>> -> memref<250x64xf32, #tpu.memory_space<vmem>>
    %dma_wait3A_193 = arith.constant 0 : i32
    %dma_wait3A_194 = arith.constant 0 : i32
    %dma_wait3A_195 = tpu.memref_slice %arg4[%dma_wait3A_193, %dma_wait3A_194] : memref<10000x64xf32, #tpu.memory_space<hbm>> -> memref<250x64xf32, #tpu.memory_space<hbm>>
    %dma_wait3A_196 = arith.constant 0 : i32
    %dma_wait3A_197 = arith.constant 0 : i32
    %dma_wait3A_198 = tpu.memref_slice %arg9[%dma_wait3A_188, %dma_wait3A_196, %dma_wait3A_197] : memref<3x250x64xf32, #tpu.memory_space<vmem>> -> memref<1x250x64xf32, #tpu.memory_space<vmem>>
    %dma_wait3A_199 = tpu.memref_squeeze %dma_wait3A_198 : memref<1x250x64xf32, #tpu.memory_space<vmem>> -> memref<250x64xf32, #tpu.memory_space<vmem>>
    %dma_wait3A_200 = arith.constant 0 : i32
    %dma_wait3A_201 = arith.constant 0 : i32
    %dma_wait3A_202 = tpu.memref_slice %arg4[%dma_wait3A_200, %dma_wait3A_201] : memref<10000x64xf32, #tpu.memory_space<hbm>> -> memref<250x64xf32, #tpu.memory_space<hbm>>
    tpu.wait_dma2 semaphore(%arg12 : memref<!tpu.dma_semaphore, #tpu.memory_space<semaphore_mem>>) src(%dma_wait3A_202 : memref<250x64xf32, #tpu.memory_space<hbm>>) dst(%dma_wait3A_199 : memref<250x64xf32, #tpu.memory_space<vmem>>)
    %dma_start3A_203 = arith.constant 1 : i32
    %dma_start3A_204 = arith.constant 74 : i32
    %dma_start3A_205 = arith.constant 0 : i32
    %dma_start3A_206 = arith.constant 0 : i32
    %dma_start3A_207 = tpu.memref_slice %arg9[%dma_start3A_203, %dma_start3A_205, %dma_start3A_206] : memref<3x250x64xf32, #tpu.memory_space<vmem>> -> memref<1x250x64xf32, #tpu.memory_space<vmem>>
    %dma_start3A_208 = tpu.memref_squeeze %dma_start3A_207 : memref<1x250x64xf32, #tpu.memory_space<vmem>> -> memref<250x64xf32, #tpu.memory_space<vmem>>
    %dma_start3A_209 = arith.constant 0 : i32
    %dma_start3A_210 = arith.constant 0 : i32
    %dma_start3A_211 = tpu.memref_slice %dma_start3A_208[%dma_start3A_209, %dma_start3A_210] : memref<250x64xf32, #tpu.memory_space<vmem>> -> memref<125x64xf32, #tpu.memory_space<vmem>>
    %dma_start3A_212 = arith.constant 0 : i32
    %dma_start3A_213 = tpu.memref_slice %arg8[%dma_start3A_204, %dma_start3A_212] : memref<80x125xi32, #tpu.memory_space<vmem>> -> memref<1x125xi32, #tpu.memory_space<vmem>>
    %dma_start3A_214 = tpu.memref_squeeze %dma_start3A_213 : memref<1x125xi32, #tpu.memory_space<vmem>> -> memref<125xi32, #tpu.memory_space<vmem>>
    %dma_start3A_215 = arith.constant 0 : i32
    %dma_start3A_216 = arith.constant 0 : i32
    %dma_start3A_217 = tpu.memref_slice %arg10[%dma_start3A_215, %dma_start3A_216] : memref<10240x64xf32, #tpu.memory_space<vmem_shared>> -> memref<10240x64xf32, #tpu.memory_space<vmem_shared>>
    tpu.enqueue_indirect_dma source(%dma_start3A_211 : memref<125x64xf32, #tpu.memory_space<vmem>>) target(%dma_start3A_217 : memref<10240x64xf32, #tpu.memory_space<vmem_shared>>) offsets(%dma_start3A_214 : memref<125xi32, #tpu.memory_space<vmem>>) semaphore(%arg15 : memref<!tpu.dma_semaphore, #tpu.memory_space<semaphore_mem>>) {add = true}
    %dma_start3A_218 = arith.constant 1 : i32
    %dma_start3A_219 = arith.constant 75 : i32
    %dma_start3A_220 = arith.constant 0 : i32
    %dma_start3A_221 = arith.constant 0 : i32
    %dma_start3A_222 = tpu.memref_slice %arg9[%dma_start3A_218, %dma_start3A_220, %dma_start3A_221] : memref<3x250x64xf32, #tpu.memory_space<vmem>> -> memref<1x250x64xf32, #tpu.memory_space<vmem>>
    %dma_start3A_223 = tpu.memref_squeeze %dma_start3A_222 : memref<1x250x64xf32, #tpu.memory_space<vmem>> -> memref<250x64xf32, #tpu.memory_space<vmem>>
    %dma_start3A_224 = arith.constant 125 : i32
    %dma_start3A_225 = arith.constant 0 : i32
    %dma_start3A_226 = tpu.memref_slice %dma_start3A_223[%dma_start3A_224, %dma_start3A_225] : memref<250x64xf32, #tpu.memory_space<vmem>> -> memref<125x64xf32, #tpu.memory_space<vmem>>
    %dma_start3A_227 = arith.constant 0 : i32
    %dma_start3A_228 = tpu.memref_slice %arg8[%dma_start3A_219, %dma_start3A_227] : memref<80x125xi32, #tpu.memory_space<vmem>> -> memref<1x125xi32, #tpu.memory_space<vmem>>
    %dma_start3A_229 = tpu.memref_squeeze %dma_start3A_228 : memref<1x125xi32, #tpu.memory_space<vmem>> -> memref<125xi32, #tpu.memory_space<vmem>>
    %dma_start3A_230 = arith.constant 0 : i32
    %dma_start3A_231 = arith.constant 0 : i32
    %dma_start3A_232 = tpu.memref_slice %arg10[%dma_start3A_230, %dma_start3A_231] : memref<10240x64xf32, #tpu.memory_space<vmem_shared>> -> memref<10240x64xf32, #tpu.memory_space<vmem_shared>>
    tpu.enqueue_indirect_dma source(%dma_start3A_226 : memref<125x64xf32, #tpu.memory_space<vmem>>) target(%dma_start3A_232 : memref<10240x64xf32, #tpu.memory_space<vmem_shared>>) offsets(%dma_start3A_229 : memref<125xi32, #tpu.memory_space<vmem>>) semaphore(%arg15 : memref<!tpu.dma_semaphore, #tpu.memory_space<semaphore_mem>>) {add = true}
    %dma_wait3A_233 = arith.constant 2 : i32
    %dma_wait3A_234 = arith.constant 0 : i32
    %dma_wait3A_235 = arith.constant 0 : i32
    %dma_wait3A_236 = tpu.memref_slice %arg9[%dma_wait3A_233, %dma_wait3A_234, %dma_wait3A_235] : memref<3x250x64xf32, #tpu.memory_space<vmem>> -> memref<1x250x64xf32, #tpu.memory_space<vmem>>
    %dma_wait3A_237 = tpu.memref_squeeze %dma_wait3A_236 : memref<1x250x64xf32, #tpu.memory_space<vmem>> -> memref<250x64xf32, #tpu.memory_space<vmem>>
    %dma_wait3A_238 = arith.constant 0 : i32
    %dma_wait3A_239 = arith.constant 0 : i32
    %dma_wait3A_240 = tpu.memref_slice %arg4[%dma_wait3A_238, %dma_wait3A_239] : memref<10000x64xf32, #tpu.memory_space<hbm>> -> memref<250x64xf32, #tpu.memory_space<hbm>>
    %dma_wait3A_241 = arith.constant 0 : i32
    %dma_wait3A_242 = arith.constant 0 : i32
    %dma_wait3A_243 = tpu.memref_slice %arg9[%dma_wait3A_233, %dma_wait3A_241, %dma_wait3A_242] : memref<3x250x64xf32, #tpu.memory_space<vmem>> -> memref<1x250x64xf32, #tpu.memory_space<vmem>>
    %dma_wait3A_244 = tpu.memref_squeeze %dma_wait3A_243 : memref<1x250x64xf32, #tpu.memory_space<vmem>> -> memref<250x64xf32, #tpu.memory_space<vmem>>
    %dma_wait3A_245 = arith.constant 0 : i32
    %dma_wait3A_246 = arith.constant 0 : i32
    %dma_wait3A_247 = tpu.memref_slice %arg4[%dma_wait3A_245, %dma_wait3A_246] : memref<10000x64xf32, #tpu.memory_space<hbm>> -> memref<250x64xf32, #tpu.memory_space<hbm>>
    tpu.wait_dma2 semaphore(%arg13 : memref<!tpu.dma_semaphore, #tpu.memory_space<semaphore_mem>>) src(%dma_wait3A_247 : memref<250x64xf32, #tpu.memory_space<hbm>>) dst(%dma_wait3A_244 : memref<250x64xf32, #tpu.memory_space<vmem>>)
    %dma_start3A_248 = arith.constant 2 : i32
    %dma_start3A_249 = arith.constant 76 : i32
    %dma_start3A_250 = arith.constant 0 : i32
    %dma_start3A_251 = arith.constant 0 : i32
    %dma_start3A_252 = tpu.memref_slice %arg9[%dma_start3A_248, %dma_start3A_250, %dma_start3A_251] : memref<3x250x64xf32, #tpu.memory_space<vmem>> -> memref<1x250x64xf32, #tpu.memory_space<vmem>>
    %dma_start3A_253 = tpu.memref_squeeze %dma_start3A_252 : memref<1x250x64xf32, #tpu.memory_space<vmem>> -> memref<250x64xf32, #tpu.memory_space<vmem>>
    %dma_start3A_254 = arith.constant 0 : i32
    %dma_start3A_255 = arith.constant 0 : i32
    %dma_start3A_256 = tpu.memref_slice %dma_start3A_253[%dma_start3A_254, %dma_start3A_255] : memref<250x64xf32, #tpu.memory_space<vmem>> -> memref<125x64xf32, #tpu.memory_space<vmem>>
    %dma_start3A_257 = arith.constant 0 : i32
    %dma_start3A_258 = tpu.memref_slice %arg8[%dma_start3A_249, %dma_start3A_257] : memref<80x125xi32, #tpu.memory_space<vmem>> -> memref<1x125xi32, #tpu.memory_space<vmem>>
    %dma_start3A_259 = tpu.memref_squeeze %dma_start3A_258 : memref<1x125xi32, #tpu.memory_space<vmem>> -> memref<125xi32, #tpu.memory_space<vmem>>
    %dma_start3A_260 = arith.constant 0 : i32
    %dma_start3A_261 = arith.constant 0 : i32
    %dma_start3A_262 = tpu.memref_slice %arg10[%dma_start3A_260, %dma_start3A_261] : memref<10240x64xf32, #tpu.memory_space<vmem_shared>> -> memref<10240x64xf32, #tpu.memory_space<vmem_shared>>
    tpu.enqueue_indirect_dma source(%dma_start3A_256 : memref<125x64xf32, #tpu.memory_space<vmem>>) target(%dma_start3A_262 : memref<10240x64xf32, #tpu.memory_space<vmem_shared>>) offsets(%dma_start3A_259 : memref<125xi32, #tpu.memory_space<vmem>>) semaphore(%arg16 : memref<!tpu.dma_semaphore, #tpu.memory_space<semaphore_mem>>) {add = true}
    %dma_start3A_263 = arith.constant 2 : i32
    %dma_start3A_264 = arith.constant 77 : i32
    %dma_start3A_265 = arith.constant 0 : i32
    %dma_start3A_266 = arith.constant 0 : i32
    %dma_start3A_267 = tpu.memref_slice %arg9[%dma_start3A_263, %dma_start3A_265, %dma_start3A_266] : memref<3x250x64xf32, #tpu.memory_space<vmem>> -> memref<1x250x64xf32, #tpu.memory_space<vmem>>
    %dma_start3A_268 = tpu.memref_squeeze %dma_start3A_267 : memref<1x250x64xf32, #tpu.memory_space<vmem>> -> memref<250x64xf32, #tpu.memory_space<vmem>>
    %dma_start3A_269 = arith.constant 125 : i32
    %dma_start3A_270 = arith.constant 0 : i32
    %dma_start3A_271 = tpu.memref_slice %dma_start3A_268[%dma_start3A_269, %dma_start3A_270] : memref<250x64xf32, #tpu.memory_space<vmem>> -> memref<125x64xf32, #tpu.memory_space<vmem>>
    %dma_start3A_272 = arith.constant 0 : i32
    %dma_start3A_273 = tpu.memref_slice %arg8[%dma_start3A_264, %dma_start3A_272] : memref<80x125xi32, #tpu.memory_space<vmem>> -> memref<1x125xi32, #tpu.memory_space<vmem>>
    %dma_start3A_274 = tpu.memref_squeeze %dma_start3A_273 : memref<1x125xi32, #tpu.memory_space<vmem>> -> memref<125xi32, #tpu.memory_space<vmem>>
    %dma_start3A_275 = arith.constant 0 : i32
    %dma_start3A_276 = arith.constant 0 : i32
    %dma_start3A_277 = tpu.memref_slice %arg10[%dma_start3A_275, %dma_start3A_276] : memref<10240x64xf32, #tpu.memory_space<vmem_shared>> -> memref<10240x64xf32, #tpu.memory_space<vmem_shared>>
    tpu.enqueue_indirect_dma source(%dma_start3A_271 : memref<125x64xf32, #tpu.memory_space<vmem>>) target(%dma_start3A_277 : memref<10240x64xf32, #tpu.memory_space<vmem_shared>>) offsets(%dma_start3A_274 : memref<125xi32, #tpu.memory_space<vmem>>) semaphore(%arg16 : memref<!tpu.dma_semaphore, #tpu.memory_space<semaphore_mem>>) {add = true}
    %dma_wait3A_278 = arith.constant 0 : i32
    %dma_wait3A_279 = arith.constant 0 : i32
    %dma_wait3A_280 = arith.constant 0 : i32
    %dma_wait3A_281 = tpu.memref_slice %arg9[%dma_wait3A_278, %dma_wait3A_279, %dma_wait3A_280] : memref<3x250x64xf32, #tpu.memory_space<vmem>> -> memref<1x250x64xf32, #tpu.memory_space<vmem>>
    %dma_wait3A_282 = tpu.memref_squeeze %dma_wait3A_281 : memref<1x250x64xf32, #tpu.memory_space<vmem>> -> memref<250x64xf32, #tpu.memory_space<vmem>>
    %dma_wait3A_283 = arith.constant 0 : i32
    %dma_wait3A_284 = arith.constant 0 : i32
    %dma_wait3A_285 = tpu.memref_slice %arg4[%dma_wait3A_283, %dma_wait3A_284] : memref<10000x64xf32, #tpu.memory_space<hbm>> -> memref<250x64xf32, #tpu.memory_space<hbm>>
    %dma_wait3A_286 = arith.constant 0 : i32
    %dma_wait3A_287 = arith.constant 0 : i32
    %dma_wait3A_288 = tpu.memref_slice %arg9[%dma_wait3A_278, %dma_wait3A_286, %dma_wait3A_287] : memref<3x250x64xf32, #tpu.memory_space<vmem>> -> memref<1x250x64xf32, #tpu.memory_space<vmem>>
    %dma_wait3A_289 = tpu.memref_squeeze %dma_wait3A_288 : memref<1x250x64xf32, #tpu.memory_space<vmem>> -> memref<250x64xf32, #tpu.memory_space<vmem>>
    %dma_wait3A_290 = arith.constant 0 : i32
    %dma_wait3A_291 = arith.constant 0 : i32
    %dma_wait3A_292 = tpu.memref_slice %arg4[%dma_wait3A_290, %dma_wait3A_291] : memref<10000x64xf32, #tpu.memory_space<hbm>> -> memref<250x64xf32, #tpu.memory_space<hbm>>
    tpu.wait_dma2 semaphore(%arg11 : memref<!tpu.dma_semaphore, #tpu.memory_space<semaphore_mem>>) src(%dma_wait3A_292 : memref<250x64xf32, #tpu.memory_space<hbm>>) dst(%dma_wait3A_289 : memref<250x64xf32, #tpu.memory_space<vmem>>)
    %dma_start3A_293 = arith.constant 0 : i32
    %dma_start3A_294 = arith.constant 78 : i32
    %dma_start3A_295 = arith.constant 0 : i32
    %dma_start3A_296 = arith.constant 0 : i32
    %dma_start3A_297 = tpu.memref_slice %arg9[%dma_start3A_293, %dma_start3A_295, %dma_start3A_296] : memref<3x250x64xf32, #tpu.memory_space<vmem>> -> memref<1x250x64xf32, #tpu.memory_space<vmem>>
    %dma_start3A_298 = tpu.memref_squeeze %dma_start3A_297 : memref<1x250x64xf32, #tpu.memory_space<vmem>> -> memref<250x64xf32, #tpu.memory_space<vmem>>
    %dma_start3A_299 = arith.constant 0 : i32
    %dma_start3A_300 = arith.constant 0 : i32
    %dma_start3A_301 = tpu.memref_slice %dma_start3A_298[%dma_start3A_299, %dma_start3A_300] : memref<250x64xf32, #tpu.memory_space<vmem>> -> memref<125x64xf32, #tpu.memory_space<vmem>>
    %dma_start3A_302 = arith.constant 0 : i32
    %dma_start3A_303 = tpu.memref_slice %arg8[%dma_start3A_294, %dma_start3A_302] : memref<80x125xi32, #tpu.memory_space<vmem>> -> memref<1x125xi32, #tpu.memory_space<vmem>>
    %dma_start3A_304 = tpu.memref_squeeze %dma_start3A_303 : memref<1x125xi32, #tpu.memory_space<vmem>> -> memref<125xi32, #tpu.memory_space<vmem>>
    %dma_start3A_305 = arith.constant 0 : i32
    %dma_start3A_306 = arith.constant 0 : i32
    %dma_start3A_307 = tpu.memref_slice %arg10[%dma_start3A_305, %dma_start3A_306] : memref<10240x64xf32, #tpu.memory_space<vmem_shared>> -> memref<10240x64xf32, #tpu.memory_space<vmem_shared>>
    tpu.enqueue_indirect_dma source(%dma_start3A_301 : memref<125x64xf32, #tpu.memory_space<vmem>>) target(%dma_start3A_307 : memref<10240x64xf32, #tpu.memory_space<vmem_shared>>) offsets(%dma_start3A_304 : memref<125xi32, #tpu.memory_space<vmem>>) semaphore(%arg14 : memref<!tpu.dma_semaphore, #tpu.memory_space<semaphore_mem>>) {add = true}
    %dma_start3A_308 = arith.constant 0 : i32
    %dma_start3A_309 = arith.constant 79 : i32
    %dma_start3A_310 = arith.constant 0 : i32
    %dma_start3A_311 = arith.constant 0 : i32
    %dma_start3A_312 = tpu.memref_slice %arg9[%dma_start3A_308, %dma_start3A_310, %dma_start3A_311] : memref<3x250x64xf32, #tpu.memory_space<vmem>> -> memref<1x250x64xf32, #tpu.memory_space<vmem>>
    %dma_start3A_313 = tpu.memref_squeeze %dma_start3A_312 : memref<1x250x64xf32, #tpu.memory_space<vmem>> -> memref<250x64xf32, #tpu.memory_space<vmem>>
    %dma_start3A_314 = arith.constant 125 : i32
    %dma_start3A_315 = arith.constant 0 : i32
    %dma_start3A_316 = tpu.memref_slice %dma_start3A_313[%dma_start3A_314, %dma_start3A_315] : memref<250x64xf32, #tpu.memory_space<vmem>> -> memref<125x64xf32, #tpu.memory_space<vmem>>
    %dma_start3A_317 = arith.constant 0 : i32
    %dma_start3A_318 = tpu.memref_slice %arg8[%dma_start3A_309, %dma_start3A_317] : memref<80x125xi32, #tpu.memory_space<vmem>> -> memref<1x125xi32, #tpu.memory_space<vmem>>
    %dma_start3A_319 = tpu.memref_squeeze %dma_start3A_318 : memref<1x125xi32, #tpu.memory_space<vmem>> -> memref<125xi32, #tpu.memory_space<vmem>>
    %dma_start3A_320 = arith.constant 0 : i32
    %dma_start3A_321 = arith.constant 0 : i32
    %dma_start3A_322 = tpu.memref_slice %arg10[%dma_start3A_320, %dma_start3A_321] : memref<10240x64xf32, #tpu.memory_space<vmem_shared>> -> memref<10240x64xf32, #tpu.memory_space<vmem_shared>>
    tpu.enqueue_indirect_dma source(%dma_start3A_316 : memref<125x64xf32, #tpu.memory_space<vmem>>) target(%dma_start3A_322 : memref<10240x64xf32, #tpu.memory_space<vmem_shared>>) offsets(%dma_start3A_319 : memref<125xi32, #tpu.memory_space<vmem>>) semaphore(%arg14 : memref<!tpu.dma_semaphore, #tpu.memory_space<semaphore_mem>>) {add = true}
    %dma_wait3A_323 = arith.constant 0 : i32
    %dma_wait3A_324 = arith.constant 0 : i32
    %dma_wait3A_325 = arith.constant 0 : i32
    %dma_wait3A_326 = tpu.memref_slice %arg9[%dma_wait3A_323, %dma_wait3A_324, %dma_wait3A_325] : memref<3x250x64xf32, #tpu.memory_space<vmem>> -> memref<1x250x64xf32, #tpu.memory_space<vmem>>
    %dma_wait3A_327 = tpu.memref_squeeze %dma_wait3A_326 : memref<1x250x64xf32, #tpu.memory_space<vmem>> -> memref<250x64xf32, #tpu.memory_space<vmem>>
    %dma_wait3A_328 = arith.constant 0 : i32
    %dma_wait3A_329 = arith.constant 0 : i32
    %dma_wait3A_330 = tpu.memref_slice %arg4[%dma_wait3A_328, %dma_wait3A_329] : memref<10000x64xf32, #tpu.memory_space<hbm>> -> memref<250x64xf32, #tpu.memory_space<hbm>>
    %dma_wait3A_331 = arith.constant 0 : i32
    %dma_wait3A_332 = arith.constant 0 : i32
    %dma_wait3A_333 = tpu.memref_slice %arg9[%dma_wait3A_323, %dma_wait3A_331, %dma_wait3A_332] : memref<3x250x64xf32, #tpu.memory_space<vmem>> -> memref<1x250x64xf32, #tpu.memory_space<vmem>>
    %dma_wait3A_334 = tpu.memref_squeeze %dma_wait3A_333 : memref<1x250x64xf32, #tpu.memory_space<vmem>> -> memref<250x64xf32, #tpu.memory_space<vmem>>
    %dma_wait3A_335 = arith.constant 0 : i32
    %dma_wait3A_336 = arith.constant 0 : i32
    %dma_wait3A_337 = tpu.memref_slice %arg4[%dma_wait3A_335, %dma_wait3A_336] : memref<10000x64xf32, #tpu.memory_space<hbm>> -> memref<250x64xf32, #tpu.memory_space<hbm>>
    tpu.wait_dma2 semaphore(%arg14 : memref<!tpu.dma_semaphore, #tpu.memory_space<semaphore_mem>>) src(%dma_wait3A_337 : memref<250x64xf32, #tpu.memory_space<hbm>>) dst(%dma_wait3A_334 : memref<250x64xf32, #tpu.memory_space<vmem>>)
    %dma_wait3A_338 = arith.constant 1 : i32
    %dma_wait3A_339 = arith.constant 0 : i32
    %dma_wait3A_340 = arith.constant 0 : i32
    %dma_wait3A_341 = tpu.memref_slice %arg9[%dma_wait3A_338, %dma_wait3A_339, %dma_wait3A_340] : memref<3x250x64xf32, #tpu.memory_space<vmem>> -> memref<1x250x64xf32, #tpu.memory_space<vmem>>
    %dma_wait3A_342 = tpu.memref_squeeze %dma_wait3A_341 : memref<1x250x64xf32, #tpu.memory_space<vmem>> -> memref<250x64xf32, #tpu.memory_space<vmem>>
    %dma_wait3A_343 = arith.constant 0 : i32
    %dma_wait3A_344 = arith.constant 0 : i32
    %dma_wait3A_345 = tpu.memref_slice %arg4[%dma_wait3A_343, %dma_wait3A_344] : memref<10000x64xf32, #tpu.memory_space<hbm>> -> memref<250x64xf32, #tpu.memory_space<hbm>>
    %dma_wait3A_346 = arith.constant 0 : i32
    %dma_wait3A_347 = arith.constant 0 : i32
    %dma_wait3A_348 = tpu.memref_slice %arg9[%dma_wait3A_338, %dma_wait3A_346, %dma_wait3A_347] : memref<3x250x64xf32, #tpu.memory_space<vmem>> -> memref<1x250x64xf32, #tpu.memory_space<vmem>>
    %dma_wait3A_349 = tpu.memref_squeeze %dma_wait3A_348 : memref<1x250x64xf32, #tpu.memory_space<vmem>> -> memref<250x64xf32, #tpu.memory_space<vmem>>
    %dma_wait3A_350 = arith.constant 0 : i32
    %dma_wait3A_351 = arith.constant 0 : i32
    %dma_wait3A_352 = tpu.memref_slice %arg4[%dma_wait3A_350, %dma_wait3A_351] : memref<10000x64xf32, #tpu.memory_space<hbm>> -> memref<250x64xf32, #tpu.memory_space<hbm>>
    tpu.wait_dma2 semaphore(%arg15 : memref<!tpu.dma_semaphore, #tpu.memory_space<semaphore_mem>>) src(%dma_wait3A_352 : memref<250x64xf32, #tpu.memory_space<hbm>>) dst(%dma_wait3A_349 : memref<250x64xf32, #tpu.memory_space<vmem>>)
    %dma_wait3A_353 = arith.constant 2 : i32
    %dma_wait3A_354 = arith.constant 0 : i32
    %dma_wait3A_355 = arith.constant 0 : i32
    %dma_wait3A_356 = tpu.memref_slice %arg9[%dma_wait3A_353, %dma_wait3A_354, %dma_wait3A_355] : memref<3x250x64xf32, #tpu.memory_space<vmem>> -> memref<1x250x64xf32, #tpu.memory_space<vmem>>
    %dma_wait3A_357 = tpu.memref_squeeze %dma_wait3A_356 : memref<1x250x64xf32, #tpu.memory_space<vmem>> -> memref<250x64xf32, #tpu.memory_space<vmem>>
    %dma_wait3A_358 = arith.constant 0 : i32
    %dma_wait3A_359 = arith.constant 0 : i32
    %dma_wait3A_360 = tpu.memref_slice %arg4[%dma_wait3A_358, %dma_wait3A_359] : memref<10000x64xf32, #tpu.memory_space<hbm>> -> memref<250x64xf32, #tpu.memory_space<hbm>>
    %dma_wait3A_361 = arith.constant 0 : i32
    %dma_wait3A_362 = arith.constant 0 : i32
    %dma_wait3A_363 = tpu.memref_slice %arg9[%dma_wait3A_353, %dma_wait3A_361, %dma_wait3A_362] : memref<3x250x64xf32, #tpu.memory_space<vmem>> -> memref<1x250x64xf32, #tpu.memory_space<vmem>>
    %dma_wait3A_364 = tpu.memref_squeeze %dma_wait3A_363 : memref<1x250x64xf32, #tpu.memory_space<vmem>> -> memref<250x64xf32, #tpu.memory_space<vmem>>
    %dma_wait3A_365 = arith.constant 0 : i32
    %dma_wait3A_366 = arith.constant 0 : i32
    %dma_wait3A_367 = tpu.memref_slice %arg4[%dma_wait3A_365, %dma_wait3A_366] : memref<10000x64xf32, #tpu.memory_space<hbm>> -> memref<250x64xf32, #tpu.memory_space<hbm>>
    tpu.wait_dma2 semaphore(%arg16 : memref<!tpu.dma_semaphore, #tpu.memory_space<semaphore_mem>>) src(%dma_wait3A_367 : memref<250x64xf32, #tpu.memory_space<hbm>>) dst(%dma_wait3A_364 : memref<250x64xf32, #tpu.memory_space<vmem>>)
    %barrier3A_368 = arith.constant 0 : index
    tpu.barrier barrier_id(%barrier3A_368)
    %mul3A_369 = arith.constant 640 : i32
    %mul3A_370 = arith.muli %arg1, %mul3A_369 : i32
    %mul3A_371 = arith.constant 640 : i32
    %mul3A_372 = arith.muli %arg1, %mul3A_371 : i32
    "tpu.region"() ({
      %run_scoped3A = tpu.sem_alloc : memref<!tpu.dma_semaphore, #tpu.memory_space<semaphore_mem>>
      %dma_start3A_373 = arith.constant 0 : i32
      %dma_start3A_374 = arith.constant 0 : i32
      %dma_start3A_375 = tpu.memref_slice %arg6[%arg0, %dma_start3A_373, %dma_start3A_374] : memref<2x10240x64xf32, #tpu.memory_space<hbm>> -> memref<1x10240x64xf32, #tpu.memory_space<hbm>>
      %dma_start3A_376 = tpu.memref_squeeze %dma_start3A_375 : memref<1x10240x64xf32, #tpu.memory_space<hbm>> -> memref<10240x64xf32, #tpu.memory_space<hbm>>
      %dma_start3A_377 = arith.constant 0 : i32
      %dma_start3A_378 = tpu.memref_slice %dma_start3A_376[%mul3A_372, %dma_start3A_377] : memref<10240x64xf32, #tpu.memory_space<hbm>> -> memref<640x64xf32, #tpu.memory_space<hbm>>
      %dma_start3A_379 = arith.constant 0 : i32
      %dma_start3A_380 = tpu.memref_slice %arg10[%mul3A_370, %dma_start3A_379] : memref<10240x64xf32, #tpu.memory_space<vmem_shared>> -> memref<640x64xf32, #tpu.memory_space<vmem_shared>>
      tpu.enqueue_dma source(%dma_start3A_380 : memref<640x64xf32, #tpu.memory_space<vmem_shared>>) target(%dma_start3A_378 : memref<640x64xf32, #tpu.memory_space<hbm>>) target_semaphore(%run_scoped3A : memref<!tpu.dma_semaphore, #tpu.memory_space<semaphore_mem>>)
      %dma_wait3A_381 = arith.constant 0 : i32
      %dma_wait3A_382 = arith.constant 0 : i32
      %dma_wait3A_383 = tpu.memref_slice %arg6[%arg0, %dma_wait3A_381, %dma_wait3A_382] : memref<2x10240x64xf32, #tpu.memory_space<hbm>> -> memref<1x10240x64xf32, #tpu.memory_space<hbm>>
      %dma_wait3A_384 = tpu.memref_squeeze %dma_wait3A_383 : memref<1x10240x64xf32, #tpu.memory_space<hbm>> -> memref<10240x64xf32, #tpu.memory_space<hbm>>
      %dma_wait3A_385 = arith.constant 0 : i32
      %dma_wait3A_386 = tpu.memref_slice %dma_wait3A_384[%mul3A_372, %dma_wait3A_385] : memref<10240x64xf32, #tpu.memory_space<hbm>> -> memref<640x64xf32, #tpu.memory_space<hbm>>
      %dma_wait3A_387 = arith.constant 0 : i32
      %dma_wait3A_388 = tpu.memref_slice %arg10[%mul3A_370, %dma_wait3A_387] : memref<10240x64xf32, #tpu.memory_space<vmem_shared>> -> memref<640x64xf32, #tpu.memory_space<vmem_shared>>
      tpu.wait_dma2 semaphore(%run_scoped3A : memref<!tpu.dma_semaphore, #tpu.memory_space<semaphore_mem>>) src(%dma_wait3A_388 : memref<640x64xf32, #tpu.memory_space<vmem_shared>>) dst(%dma_wait3A_386 : memref<640x64xf32, #tpu.memory_space<hbm>>)
      tpu.yield
    }) : () -> ()
    return
  }
}

module attributes {stable_mosaic.version = 14 : i64} {
  func.func @_prep_body(%arg0: memref<10000x2xf32, #tpu.memory_space<vmem>>, %arg1: memref<10000x128xf32, #tpu.memory_space<vmem>>, %arg2: memref<128x64xf32, #tpu.memory_space<vmem>>, %arg3: memref<10000x64xf32, #tpu.memory_space<vmem>>, %arg4: memref<10000x1xf32, #tpu.memory_space<vmem>>) attributes {dimension_semantics = [], scalar_prefetch = 0 : i64, scratch_operands = 0 : i64, tpu.core_type = #tpu.core_type<tc>} {
    %get3A = arith.constant 0 : index
    %get3A_0 = arith.constant 0 : index
    %get3A_1 = vector.load %arg0[%get3A, %get3A_0] : memref<10000x2xf32, #tpu.memory_space<vmem>>, vector<10000x1xf32>
    %get3A_2 = arith.constant 0 : index
    %get3A_3 = arith.constant 1 : index
    %get3A_4 = vector.load %arg0[%get3A_2, %get3A_3] : memref<10000x2xf32, #tpu.memory_space<vmem>>, vector<10000x1xf32>
    %add3A = arith.addf %get3A_1, %get3A_4 : vector<10000x1xf32>
    %add3A_5 = arith.constant 1.000000e+00 : f32
    %add3A_6 = vector.broadcast %add3A_5 : f32 to vector<10000x1xf32>
    %add3A_7 = arith.addf %add3A, %add3A_6 : vector<10000x1xf32>
    %sqrt3A = math.sqrt %add3A_7 : vector<10000x1xf32>
    %div3A = arith.constant 1.000000e+00 : f32
    %div3A_8 = vector.broadcast %div3A : f32 to vector<10000x1xf32>
    %div3A_9 = arith.divf %div3A_8, %sqrt3A : vector<10000x1xf32>
    %swap3A = arith.constant 0 : index
    %swap3A_10 = arith.constant 0 : index
    %swap3A_11 = vector.load %arg4[%swap3A, %swap3A_10] : memref<10000x1xf32, #tpu.memory_space<vmem>>, vector<10000x1xf32>
    tpu.vector_store %arg4[%swap3A, %swap3A_10], %div3A_9 {strides = array<i32>} : memref<10000x1xf32, #tpu.memory_space<vmem>>, vector<10000x1xf32>,
    %get3A_12 = arith.constant 0 : index
    %get3A_13 = arith.constant 0 : index
    %get3A_14 = vector.load %arg1[%get3A_12, %get3A_13] : memref<10000x128xf32, #tpu.memory_space<vmem>>, vector<10000x128xf32>
    %get3A_15 = arith.constant 0 : index
    %get3A_16 = arith.constant 0 : index
    %get3A_17 = vector.load %arg2[%get3A_15, %get3A_16] : memref<128x64xf32, #tpu.memory_space<vmem>>, vector<128x64xf32>
    %dot_general3A = arith.constant dense<0.000000e+00> : vector<10000x64xf32>
    %dot_general3A_18 = tpu.matmul %get3A_14, %get3A_17, %dot_general3A {dimension_numbers = #tpu.dot_dimension_numbers<[1], [0], [0], [1], [0, 0, 1, 1], [], []>, transpose_lhs_hint = false} : vector<10000x128xf32>, vector<128x64xf32>, vector<10000x64xf32> -> vector<10000x64xf32>
    %mul3A = vector.broadcast %div3A_9 : vector<10000x1xf32> to vector<10000x64xf32>
    %mul3A_19 = arith.mulf %dot_general3A_18, %mul3A : vector<10000x64xf32>
    %swap3A_20 = arith.constant 0 : index
    %swap3A_21 = arith.constant 0 : index
    %swap3A_22 = vector.load %arg3[%swap3A_20, %swap3A_21] : memref<10000x64xf32, #tpu.memory_space<vmem>>, vector<10000x64xf32>
    tpu.vector_store %arg3[%swap3A_20, %swap3A_21], %mul3A_19 {strides = array<i32>} : memref<10000x64xf32, #tpu.memory_space<vmem>>, vector<10000x64xf32>,
    return
  }
}

module attributes {stable_mosaic.version = 14 : i64} {
  func.func @_mid_body(%arg0: memref<2x10240x64xf32, #tpu.memory_space<vmem>>, %arg1: memref<10000x64xf32, #tpu.memory_space<vmem>>, %arg2: memref<10000x1xf32, #tpu.memory_space<vmem>>, %arg3: memref<1x64xf32, #tpu.memory_space<vmem>>, %arg4: memref<64x64xf32, #tpu.memory_space<vmem>>, %arg5: memref<10000x64xf32, #tpu.memory_space<vmem>>) attributes {dimension_semantics = [], scalar_prefetch = 0 : i64, scratch_operands = 0 : i64, tpu.core_type = #tpu.core_type<tc>} {
    %get3A = arith.constant 0 : index
    %get3A_0 = arith.constant 0 : index
    %get3A_1 = arith.constant 0 : index
    %get3A_2 = vector.load %arg0[%get3A, %get3A_0, %get3A_1] : memref<2x10240x64xf32, #tpu.memory_space<vmem>>, vector<1x10000x64xf32>
    %get3A_3 = vector.shape_cast %get3A_2 : vector<1x10000x64xf32> to vector<10000x64xf32>
    %get3A_4 = arith.constant 1 : index
    %get3A_5 = arith.constant 0 : index
    %get3A_6 = arith.constant 0 : index
    %get3A_7 = vector.load %arg0[%get3A_4, %get3A_5, %get3A_6] : memref<2x10240x64xf32, #tpu.memory_space<vmem>>, vector<1x10000x64xf32>
    %get3A_8 = vector.shape_cast %get3A_7 : vector<1x10000x64xf32> to vector<10000x64xf32>
    %add3A = arith.addf %get3A_3, %get3A_8 : vector<10000x64xf32>
    %get3A_9 = arith.constant 0 : index
    %get3A_10 = arith.constant 0 : index
    %get3A_11 = vector.load %arg2[%get3A_9, %get3A_10] : memref<10000x1xf32, #tpu.memory_space<vmem>>, vector<10000x1xf32>
    %get3A_12 = arith.constant 0 : index
    %get3A_13 = arith.constant 0 : index
    %get3A_14 = vector.load %arg1[%get3A_12, %get3A_13] : memref<10000x64xf32, #tpu.memory_space<vmem>>, vector<10000x64xf32>
    %add3A_15 = arith.addf %add3A, %get3A_14 : vector<10000x64xf32>
    %mul3A = vector.broadcast %get3A_11 : vector<10000x1xf32> to vector<10000x64xf32>
    %mul3A_16 = arith.mulf %mul3A, %add3A_15 : vector<10000x64xf32>
    %get3A_17 = arith.constant 0 : index
    %get3A_18 = arith.constant 0 : index
    %get3A_19 = vector.load %arg3[%get3A_17, %get3A_18] : memref<1x64xf32, #tpu.memory_space<vmem>>, vector<1x64xf32>
    %add3A_20 = vector.broadcast %get3A_19 : vector<1x64xf32> to vector<10000x64xf32>
    %add3A_21 = arith.addf %mul3A_16, %add3A_20 : vector<10000x64xf32>
    %max3A = arith.constant 0.000000e+00 : f32
    %max3A_22 = vector.broadcast %max3A : f32 to vector<10000x64xf32>
    %max3A_23 = arith.maximumf %add3A_21, %max3A_22 : vector<10000x64xf32>
    %get3A_24 = arith.constant 0 : index
    %get3A_25 = arith.constant 0 : index
    %get3A_26 = vector.load %arg4[%get3A_24, %get3A_25] : memref<64x64xf32, #tpu.memory_space<vmem>>, vector<64x64xf32>
    %dot_general3A = arith.constant dense<0.000000e+00> : vector<10000x64xf32>
    %dot_general3A_27 = tpu.matmul %max3A_23, %get3A_26, %dot_general3A {dimension_numbers = #tpu.dot_dimension_numbers<[1], [0], [0], [1], [0, 0, 1, 1], [], []>, transpose_lhs_hint = false} : vector<10000x64xf32>, vector<64x64xf32>, vector<10000x64xf32> -> vector<10000x64xf32>
    %mul3A_28 = vector.broadcast %get3A_11 : vector<10000x1xf32> to vector<10000x64xf32>
    %mul3A_29 = arith.mulf %dot_general3A_27, %mul3A_28 : vector<10000x64xf32>
    %swap3A = arith.constant 0 : index
    %swap3A_30 = arith.constant 0 : index
    %swap3A_31 = vector.load %arg5[%swap3A, %swap3A_30] : memref<10000x64xf32, #tpu.memory_space<vmem>>, vector<10000x64xf32>
    tpu.vector_store %arg5[%swap3A, %swap3A_30], %mul3A_29 {strides = array<i32>} : memref<10000x64xf32, #tpu.memory_space<vmem>>, vector<10000x64xf32>,
    return
  }
}

module attributes {stable_mosaic.version = 14 : i64} {
  func.func @_fin_body(%arg0: memref<2x10240x64xf32, #tpu.memory_space<vmem>>, %arg1: memref<10000x64xf32, #tpu.memory_space<vmem>>, %arg2: memref<10000x1xf32, #tpu.memory_space<vmem>>, %arg3: memref<1x64xf32, #tpu.memory_space<vmem>>, %arg4: memref<1x64xf32, #tpu.memory_space<vmem>>, %arg5: memref<1x1xf32, #tpu.memory_space<vmem>>, %arg6: memref<1x1xf32, #tpu.memory_space<vmem>>) attributes {dimension_semantics = [], scalar_prefetch = 0 : i64, scratch_operands = 0 : i64, tpu.core_type = #tpu.core_type<tc>} {
    %get3A = arith.constant 0 : index
    %get3A_0 = arith.constant 0 : index
    %get3A_1 = arith.constant 0 : index
    %get3A_2 = vector.load %arg0[%get3A, %get3A_0, %get3A_1] : memref<2x10240x64xf32, #tpu.memory_space<vmem>>, vector<1x10000x64xf32>
    %get3A_3 = vector.shape_cast %get3A_2 : vector<1x10000x64xf32> to vector<10000x64xf32>
    %get3A_4 = arith.constant 1 : index
    %get3A_5 = arith.constant 0 : index
    %get3A_6 = arith.constant 0 : index
    %get3A_7 = vector.load %arg0[%get3A_4, %get3A_5, %get3A_6] : memref<2x10240x64xf32, #tpu.memory_space<vmem>>, vector<1x10000x64xf32>
    %get3A_8 = vector.shape_cast %get3A_7 : vector<1x10000x64xf32> to vector<10000x64xf32>
    %add3A = arith.addf %get3A_3, %get3A_8 : vector<10000x64xf32>
    %get3A_9 = arith.constant 0 : index
    %get3A_10 = arith.constant 0 : index
    %get3A_11 = vector.load %arg2[%get3A_9, %get3A_10] : memref<10000x1xf32, #tpu.memory_space<vmem>>, vector<10000x1xf32>
    %get3A_12 = arith.constant 0 : index
    %get3A_13 = arith.constant 0 : index
    %get3A_14 = vector.load %arg1[%get3A_12, %get3A_13] : memref<10000x64xf32, #tpu.memory_space<vmem>>, vector<10000x64xf32>
    %add3A_15 = arith.addf %add3A, %get3A_14 : vector<10000x64xf32>
    %mul3A = vector.broadcast %get3A_11 : vector<10000x1xf32> to vector<10000x64xf32>
    %mul3A_16 = arith.mulf %mul3A, %add3A_15 : vector<10000x64xf32>
    %get3A_17 = arith.constant 0 : index
    %get3A_18 = arith.constant 0 : index
    %get3A_19 = vector.load %arg3[%get3A_17, %get3A_18] : memref<1x64xf32, #tpu.memory_space<vmem>>, vector<1x64xf32>
    %add3A_20 = vector.broadcast %get3A_19 : vector<1x64xf32> to vector<10000x64xf32>
    %add3A_21 = arith.addf %mul3A_16, %add3A_20 : vector<10000x64xf32>
    %max3A = arith.constant 0.000000e+00 : f32
    %max3A_22 = vector.broadcast %max3A : f32 to vector<10000x64xf32>
    %max3A_23 = arith.maximumf %add3A_21, %max3A_22 : vector<10000x64xf32>
    %slice3A = vector.extract_strided_slice %max3A_23 {offsets = [0, 0], sizes = [625, 64], strides = [1, 1]} : vector<10000x64xf32> to vector<625x64xf32>
    %slice3A_24 = vector.extract_strided_slice %max3A_23 {offsets = [625, 0], sizes = [625, 64], strides = [1, 1]} : vector<10000x64xf32> to vector<625x64xf32>
    %add3A_25 = arith.addf %slice3A, %slice3A_24 : vector<625x64xf32>
    %slice3A_26 = vector.extract_strided_slice %max3A_23 {offsets = [1250, 0], sizes = [625, 64], strides = [1, 1]} : vector<10000x64xf32> to vector<625x64xf32>
    %add3A_27 = arith.addf %add3A_25, %slice3A_26 : vector<625x64xf32>
    %slice3A_28 = vector.extract_strided_slice %max3A_23 {offsets = [1875, 0], sizes = [625, 64], strides = [1, 1]} : vector<10000x64xf32> to vector<625x64xf32>
    %add3A_29 = arith.addf %add3A_27, %slice3A_28 : vector<625x64xf32>
    %slice3A_30 = vector.extract_strided_slice %max3A_23 {offsets = [2500, 0], sizes = [625, 64], strides = [1, 1]} : vector<10000x64xf32> to vector<625x64xf32>
    %add3A_31 = arith.addf %add3A_29, %slice3A_30 : vector<625x64xf32>
    %slice3A_32 = vector.extract_strided_slice %max3A_23 {offsets = [3125, 0], sizes = [625, 64], strides = [1, 1]} : vector<10000x64xf32> to vector<625x64xf32>
    %add3A_33 = arith.addf %add3A_31, %slice3A_32 : vector<625x64xf32>
    %slice3A_34 = vector.extract_strided_slice %max3A_23 {offsets = [3750, 0], sizes = [625, 64], strides = [1, 1]} : vector<10000x64xf32> to vector<625x64xf32>
    %add3A_35 = arith.addf %add3A_33, %slice3A_34 : vector<625x64xf32>
    %slice3A_36 = vector.extract_strided_slice %max3A_23 {offsets = [4375, 0], sizes = [625, 64], strides = [1, 1]} : vector<10000x64xf32> to vector<625x64xf32>
    %add3A_37 = arith.addf %add3A_35, %slice3A_36 : vector<625x64xf32>
    %slice3A_38 = vector.extract_strided_slice %max3A_23 {offsets = [5000, 0], sizes = [625, 64], strides = [1, 1]} : vector<10000x64xf32> to vector<625x64xf32>
    %add3A_39 = arith.addf %add3A_37, %slice3A_38 : vector<625x64xf32>
    %slice3A_40 = vector.extract_strided_slice %max3A_23 {offsets = [5625, 0], sizes = [625, 64], strides = [1, 1]} : vector<10000x64xf32> to vector<625x64xf32>
    %add3A_41 = arith.addf %add3A_39, %slice3A_40 : vector<625x64xf32>
    %slice3A_42 = vector.extract_strided_slice %max3A_23 {offsets = [6250, 0], sizes = [625, 64], strides = [1, 1]} : vector<10000x64xf32> to vector<625x64xf32>
    %add3A_43 = arith.addf %add3A_41, %slice3A_42 : vector<625x64xf32>
    %slice3A_44 = vector.extract_strided_slice %max3A_23 {offsets = [6875, 0], sizes = [625, 64], strides = [1, 1]} : vector<10000x64xf32> to vector<625x64xf32>
    %add3A_45 = arith.addf %add3A_43, %slice3A_44 : vector<625x64xf32>
    %slice3A_46 = vector.extract_strided_slice %max3A_23 {offsets = [7500, 0], sizes = [625, 64], strides = [1, 1]} : vector<10000x64xf32> to vector<625x64xf32>
    %add3A_47 = arith.addf %add3A_45, %slice3A_46 : vector<625x64xf32>
    %slice3A_48 = vector.extract_strided_slice %max3A_23 {offsets = [8125, 0], sizes = [625, 64], strides = [1, 1]} : vector<10000x64xf32> to vector<625x64xf32>
    %add3A_49 = arith.addf %add3A_47, %slice3A_48 : vector<625x64xf32>
    %slice3A_50 = vector.extract_strided_slice %max3A_23 {offsets = [8750, 0], sizes = [625, 64], strides = [1, 1]} : vector<10000x64xf32> to vector<625x64xf32>
    %add3A_51 = arith.addf %add3A_49, %slice3A_50 : vector<625x64xf32>
    %slice3A_52 = vector.extract_strided_slice %max3A_23 {offsets = [9375, 0], sizes = [625, 64], strides = [1, 1]} : vector<10000x64xf32> to vector<625x64xf32>
    %add3A_53 = arith.addf %add3A_51, %slice3A_52 : vector<625x64xf32>
    %slice3A_54 = vector.extract_strided_slice %add3A_53 {offsets = [0, 0], sizes = [125, 64], strides = [1, 1]} : vector<625x64xf32> to vector<125x64xf32>
    %slice3A_55 = vector.extract_strided_slice %add3A_53 {offsets = [125, 0], sizes = [125, 64], strides = [1, 1]} : vector<625x64xf32> to vector<125x64xf32>
    %add3A_56 = arith.addf %slice3A_54, %slice3A_55 : vector<125x64xf32>
    %slice3A_57 = vector.extract_strided_slice %add3A_53 {offsets = [250, 0], sizes = [125, 64], strides = [1, 1]} : vector<625x64xf32> to vector<125x64xf32>
    %add3A_58 = arith.addf %add3A_56, %slice3A_57 : vector<125x64xf32>
    %slice3A_59 = vector.extract_strided_slice %add3A_53 {offsets = [375, 0], sizes = [125, 64], strides = [1, 1]} : vector<625x64xf32> to vector<125x64xf32>
    %add3A_60 = arith.addf %add3A_58, %slice3A_59 : vector<125x64xf32>
    %slice3A_61 = vector.extract_strided_slice %add3A_53 {offsets = [500, 0], sizes = [125, 64], strides = [1, 1]} : vector<625x64xf32> to vector<125x64xf32>
    %add3A_62 = arith.addf %add3A_60, %slice3A_61 : vector<125x64xf32>
    %reduce_sum3A = arith.constant dense<0.000000e+00> : vector<64xf32>
    %reduce_sum3A_63 = vector.multi_reduction <add>, %add3A_62, %reduce_sum3A [0] : vector<125x64xf32> to vector<64xf32>
    %broadcast_in_dim3A = vector.shape_cast %reduce_sum3A_63 : vector<64xf32> to vector<1x64xf32>
    %mul3A_64 = arith.constant 9.99999974E-5 : f32
    %mul3A_65 = vector.broadcast %mul3A_64 : f32 to vector<1x64xf32>
    %mul3A_66 = arith.mulf %broadcast_in_dim3A, %mul3A_65 : vector<1x64xf32>
    %get3A_67 = arith.constant 0 : index
    %get3A_68 = arith.constant 0 : index
    %get3A_69 = vector.load %arg4[%get3A_67, %get3A_68] : memref<1x64xf32, #tpu.memory_space<vmem>>, vector<1x64xf32>
    %mul3A_70 = arith.mulf %mul3A_66, %get3A_69 : vector<1x64xf32>
    %reduce_sum3A_71 = arith.constant dense<0.000000e+00> : vector<1xf32>
    %reduce_sum3A_72 = vector.multi_reduction <add>, %mul3A_70, %reduce_sum3A_71 [1] : vector<1x64xf32> to vector<1xf32>
    %broadcast_in_dim3A_73 = vector.shape_cast %reduce_sum3A_72 : vector<1xf32> to vector<1x1xf32>
    %get3A_74 = arith.constant 0 : index
    %get3A_75 = arith.constant 0 : index
    %get3A_76 = vector.load %arg5[%get3A_74, %get3A_75] : memref<1x1xf32, #tpu.memory_space<vmem>>, vector<1x1xf32>
    %add3A_77 = arith.addf %broadcast_in_dim3A_73, %get3A_76 : vector<1x1xf32>
    %swap3A = arith.constant 0 : index
    %swap3A_78 = arith.constant 0 : index
    %swap3A_79 = vector.load %arg6[%swap3A, %swap3A_78] : memref<1x1xf32, #tpu.memory_space<vmem>>, vector<1x1xf32>
    tpu.vector_store %arg6[%swap3A, %swap3A_78], %add3A_77 {strides = array<i32>} : memref<1x1xf32, #tpu.memory_space<vmem>>, vector<1x1xf32>,
    return
  }
}

</mosaic_0001>

<sc_bundles>
// kernel: kernel.11.cloned.1.call-start
scs
__scs_entry_jumppad:
0x0: {  	(pc) =	sbr.rel $0x88, $3  }
0x1: {  	(tag) =	ssettag $0x0;
	lr =	simm.s32 $0x1  }
0x2: {  	[smem:$0x3F99] =	sst lr;
	_ =	strace $0xD0000000  }
0x3: {  	_ = 	snop  }
0x4: {  	_ = 	snop  }
0x5: {  	_ = 	snop  }
0x6: {  	_ = 	snop  }
0x7: {  	_ = 	snop  }
__scs_overlays_trampoline_lowered:
0x8: {  	[smem:$0x3FA8] =	sst s0  }
0x9: {  	[smem:$0x3FA9] =	sst s1  }
0xa: {  	[smem:$0x3FAA] =	sst s2  }
0xb: {  	[smem:$0x3FAB] =	sst s3  }
0xc: {  	[smem:$0x3FAC] =	sst s4  }
0xd: {  	[smem:$0x3FAD] =	sst s5  }
0xe: {  	[smem:$0x3FAE] =	sst s6  }
0xf: {  	[smem:$0x3FAF] =	sst s7  }
0x10: {  	[smem:$0x3FB0] =	sst s8  }
0x11: {  	[smem:$0x3FB1] =	sst s9;
	s0 =	simm.s32 @!p0 $0x0  }
0x12: {  	s1 =	sld [smem:$0x3F97];
	s0 =	simm.s32 @p0 $0x1  }
0x13: {  	[smem:$0x3FB2] =	sst s0;
	s0 =	simm.s32 @!p1 $0x0  }
0x14: {  	s2 =	sld [smem:$0x3F96];
	s0 =	simm.s32 @p1 $0x1  }
0x15: {  	[smem:$0x3FB3] =	sst s0;
	s0 =	simm.s32 @!p2 $0x0  }
0x16: {  	s3 =	sld [smem:$0x3FDB];
	s0 =	simm.s32 @p2 $0x1  }
0x17: {  	s4 =	simm.s32 $0x1BF5;
	[smem:$0x3FB5] =	sst s0  }
0x18: {  	s0 =	sld [smem:$0x3F98];
	_ =	swait.ge [sflag:s4], $0x0  }
0x19: {  	s7 =	sld [smem:$0x3F99]  }
0x1a: {  	s8 =	sadd.s32 $0xFFFFE003, lr  }
0x1b: {  	s9 =	sadd.s32 $0xFFFFFEF7, lr;
	s5 =	simm.s32 $0xFFFFFFFF;
	p2 =	slt.u32 s8, $0xFFFFF086  }
0x1c: {  	p1 =	slt.u32 s9, $0xF7A;
	s5 =	simm.s32 @!p2 $0x0  }
0x1d: {  	s5 =	simm.s32 @p1 $0x1;
	p0 =	seq.s32 s7, s2  }
0x1e: {  	s7 =	smul.u32 @!p0 $0xF7A, s2;
	p2 =	seq.s32 @!p0 s5, $0x0  }
0x1f: {  	s9 =	smul.u32 $0xF7A, s1;
	s8 =	simm.s32 @!p0 $0x1BF5;
	p2 =	por !p2, p0  }
0x20: {  	[sflag:s8] =	ssyncset.s32 @!p0 $0xFFFFF086;
	s6 =	sadd.s32 @!p0 s3, s7;
	s7 =	simm.s32 @!p0 $0x108  }
0x21: {  	s3 =	sadd.s32 s3, s9;
	s6 =	sadd.s32 @!p0 $0x88, s6;
	s7 =	simm.s32 @p2 $0x1082  }
0x22: {  	[simem:s7], [sflag:s8] =	dma.local @!p0 [hbm:s6], $0xF7A  }
0x23: {  	s9 =	sor.u32 $0xD0000000, s2;
	s6 =	simm.s32 $0x108;
	_ =	swait.ge @!p0 [sflag:s8], $0x0  }
0x24: {  	s3 =	sadd.s32 $0x88, s3;
	s6 =	simm.s32 @!p1 $0x1082;
	[sflag:s4] =	ssyncset.s32 $0xFFFFF086  }
0x25: {  	[simem:s6], [sflag:s4] =	dma.local [hbm:s3], $0xF7A  }
0x26: {  	[smem:$0x3F99] =	sst s1;
	(tag) =	ssettag s2;
	_ =	strace s9  }
0x27: {  	s1 =	sld [smem:$0x3FA9]  }
0x28: {  	s2 =	sld [smem:$0x3FAA]  }
0x29: {  	s4 =	sld [smem:$0x3FAC]  }
0x2a: {  	p0 =	seq.s32 s5, $0x0;
	s5 =	sld [smem:$0x3FAD]  }
0x2b: {  	s6 =	sld [smem:$0x3FAE]  }
0x2c: {  	s7 =	sld [smem:$0x3FAF]  }
0x2d: {  	s3 =	simm.s32 $0x108;
	s8 =	sld [smem:$0x3FB0]  }
0x2e: {  	s3 =	simm.s32 @!p0 $0x1082;
	s9 =	sld [smem:$0x3FB1]  }
0x2f: {  	lr =	sadd.s32 s0, s3;
	s0 =	sld [smem:$0x3FA8]  }
0x30: {  	s3 =	sld [smem:$0x3FAB]  }
0x31: {  	[smem:$0x3FB4] =	sst s10  }
0x32: {  	s10 =	sld [smem:$0x3FB2];
	_ =	sdelay $0x3  }
0x33: {  	p0 =	seq.s32 s10, $0x1;
	s10 =	sld [smem:$0x3FB4];
	_ =	sdelay $0x3  }
0x34: {  	[smem:$0x3FB4] =	sst s10  }
0x35: {  	s10 =	sld [smem:$0x3FB3];
	_ =	sdelay $0x3  }
0x36: {  	p1 =	seq.s32 s10, $0x1;
	s10 =	sld [smem:$0x3FB4];
	_ =	sdelay $0x3  }
0x37: {  	[smem:$0x3FB4] =	sst s10  }
0x38: {  	s10 =	sld [smem:$0x3FB5]  }
0x39: {  	_ = 	snop;
	(pc) =	sbr.ind lr, $3  }
0x3a: {  	_ = 	snop  }
0x3b: {  	_ = 	snop  }
0x3c: {  	p2 =	seq.s32 s10, $0x1;
	s10 =	sld [smem:$0x3FB4]  }
0x3d: {  	_ =	shalt  }
0x3e: {  	_ =	shalt  }
0x3f: {  	_ =	shalt  }
0x40: {  	_ =	shalt  }
0x41: {  	_ =	shalt  }
0x42: {  	_ =	shalt  }
0x43: {  	_ =	shalt  }
0x44: {  	_ =	shalt  }
0x45: {  	_ =	shalt  }
0x46: {  	_ =	shalt  }
0x47: {  	_ =	shalt  }
0x48: {  	_ =	shalt  }
0x49: {  	_ =	shalt  }
0x4a: {  	_ =	shalt  }
0x4b: {  	_ =	shalt  }
0x4c: {  	_ =	shalt  }
0x4d: {  	_ =	shalt  }
0x4e: {  	_ =	shalt  }
0x4f: {  	_ =	shalt  }
0x50: {  	_ =	shalt  }
0x51: {  	_ =	shalt  }
0x52: {  	_ =	shalt  }
0x53: {  	_ =	shalt  }
0x54: {  	_ =	shalt  }
0x55: {  	_ =	shalt  }
0x56: {  	_ =	shalt  }
0x57: {  	_ =	shalt  }
0x58: {  	_ =	shalt  }
0x59: {  	_ =	shalt  }
0x5a: {  	_ =	shalt  }
0x5b: {  	_ =	shalt  }
0x5c: {  	_ =	shalt  }
0x5d: {  	_ =	shalt  }
0x5e: {  	_ =	shalt  }
0x5f: {  	_ =	shalt  }
0x60: {  	_ =	shalt  }
0x61: {  	_ =	shalt  }
0x62: {  	_ =	shalt  }
0x63: {  	_ =	shalt  }
0x64: {  	_ =	shalt  }
0x65: {  	_ =	shalt  }
0x66: {  	_ =	shalt  }
0x67: {  	_ =	shalt  }
0x68: {  	_ =	shalt  }
0x69: {  	_ =	shalt  }
0x6a: {  	_ =	shalt  }
0x6b: {  	_ =	shalt  }
0x6c: {  	_ =	shalt  }
0x6d: {  	_ =	shalt  }
0x6e: {  	_ =	shalt  }
0x6f: {  	_ =	shalt  }
0x70: {  	_ =	shalt  }
0x71: {  	_ =	shalt  }
0x72: {  	_ =	shalt  }
0x73: {  	_ =	shalt  }
0x74: {  	_ =	shalt  }
0x75: {  	_ =	shalt  }
0x76: {  	_ =	shalt  }
0x77: {  	_ =	shalt  }
0x78: {  	_ =	shalt  }
0x79: {  	_ =	shalt  }
0x7a: {  	_ =	shalt  }
0x7b: {  	_ =	shalt  }
0x7c: {  	_ =	shalt  }
0x7d: {  	_ =	shalt  }
0x7e: {  	_ =	shalt  }
0x7f: {  	_ =	shalt  }
0x80: {  	_ =	shalt  }
0x81: {  	_ =	shalt  }
0x82: {  	_ =	shalt  }
0x83: {  	_ =	shalt  }
0x84: {  	_ =	shalt  }
0x85: {  	_ =	shalt  }
0x86: {  	_ =	shalt  }
0x87: {  	_ =	shalt  }
.Lfunc_end0:
.L_simem_size_0:
called_computation.1_lowered:
.L_overlay_start_0:
0x88: {  	s2 =	sld [smem:$0x3FD9]  }
0x89: {  	s3 =	sld [smem:$0x3FFE];
	_ =	sdelay $0x1  }
0x8a: {  	s1 =	srdreg.scid  }
0x8b: {  	s0 =	sand.u32 $0x1, s1  }
0x8c: {  	s16 =	sshll.u32 s0, $0xA;
	s2 =	sadd.s32 s3, s2  }
0x8d: {  	s2 =	sadd.s32 s2, s16  }
0x8e: {  	[smem:$0x3FC0] =	sst s2  }
0x8f: {  	_ = 	snop  }
0x90: {  	(tm) =	ssettm $0x1  }
0x91: {  	s17 =	sld [smem:$0x3FFB];
	_ =	sdelay $0x3  }
0x92: {  	_ =	strace s17  }
0x93: {  	s2 =	sld [smem:$0x3FFC];
	_ =	sdelay $0x3  }
0x94: {  	_ =	strace s2  }
0x95: {  	s2 =	sld [smem:$0x3FFD];
	_ =	sdelay $0x3  }
0x96: {  	_ =	strace s2  }
0x97: {  	_ =	strace $0x8FFFFFFF  }
0x98: {  	s18 =	sld [smem:$0x3FDB];
	_ =	sdelay $0x1  }
0x99: {  	s19 =	simm.s32 $_scs_section_size  }
0x9a: {  	s4 =	simm.s32 $_size__tile_overlayer_lowered;
	s5 =	simm.s32 $_tile_overlayer_lowered  }
0x9b: {  	s22 =	simm.s32 $0x1BFF;
	s21 =	sshll.u32 s5, $0x1;
	s2 =	sadd.s32 s19, s18  }
0x9c: {  	s6 =	simm.s32 $0x0;
	s20 =	sshll.u32 s4, $0x1;
	s4 =	sadd.s32 s21, s2  }
0x9d: {  	[timem:s6], [sflag:s22] =	dma.local [hbm:s4], s20  }
0x9e: {  	_ =	swait.ge [sflag:s22], s20  }
0x9f: {  	s3 =	ssub.s32 $0x0, s20;
	[sflag:s22] =	ssyncset.done $0x0  }
0xa0: {  	[sflag:s22] =	ssyncadd.s32 s3;
	_ =	sdelay $0x1  }
0xa1: {  	s23 =	simm.s32 $0x1B8B  }
0xa2: {  	_ =	swait.ge [sflag:s23], $0x1  }
0xa3: {  	[sflag:s23] =	ssyncset.done $0x0  }
0xa4: {  	s25 =	simm.s32 $0x1B8E;
	s24 =	sld [smem:$0x3FFE];
	[sflag:s23] =	ssyncadd.s32 $0xFFFFFFFF  }
0xa5: {  	s26 =	simm.s32 $execute0_lowered;
	[smem:$0x3FD2] =	sst s25  }
0xa6: {  	s4 =	sshll.u32 s26, $0x1;
	_ =	strace $0x80000049;
	[dreg:$0x1] =	wrdreg $0xFFFFFFFF  }
0xa7: {  	s28 =	simm.s32 $_size_execute0_lowered;
	s2 =	sadd.s32 s2, s4;
	[dreg:$0x0] =	wrdreg $0x0  }
0xa8: {  	s4 =	sshll.u32 s28, $0x1;
	[dreg:$0x2] =	wrdreg s2  }
0xa9: {  	[dreg:$0x3] =	wrdreg s4  }
0xaa: {  	[dreg:$0x4] =	wrdreg $0xC0  }
0xab: {  	_ =	task [dreg:s6], $0x5FFFF  }
0xac: {  	[dreg:$0x1] =	wrdreg $0xFFFFFFFF  }
0xad: {  	[dreg:$0x0] =	wrdreg $0x60  }
0xae: {  	[dreg:$0x2] =	wrdreg s24  }
0xaf: {  	[dreg:$0x3] =	wrdreg $0x10B800  }
0xb0: {  	[dreg:$0x4] =	wrdreg $0x9  }
0xb1: {  	_ =	task.clear_ibuf [dreg:s6], $0x5FFFF;
	_ =	strace $0x90000049  }
0xb2: {  	s29 =	simm.s32 $0x9;
	_ =	strace $0x8000004B  }
0xb3: {  	_ =	swait.ge [sflag:s29], $0x1  }
0xb4: {  	[sflag:s29] =	ssyncadd.s32 $0xFFFFFFFF  }
0xb5: {  	_ =	strace $0x9000004B  }
0xb6: {  	_ =	sfence  }
0xb7: {  	s30 =	sld [smem:$0x0];
	_ =	sdelay $0x2  }
0xb8: {  	s31 =	sshll.u32 s1, $0xD;
	s1 =	sshrl.u32 s1, $0x2  }
0xb9: {  	s3 =	sand.u32 $0x4000, s31;
	s1 =	sadd.s32 s1, s30  }
0xba: {  	s0 =	sor.u32 s3, s0;
	s1 =	sshll.u32 s1, $0x11  }
0xbb: {  	s0 =	sor.u32 s1, s0  }
0xbc: {  	s0 =	sadd.s32 $0x8F2B, s0  }
0xbd: {  	[sflag:s0] =	ssyncadd.remote.s32 $0x1  }
0xbe: {  	_ =	sfence.sel $0xFFFF  }
0xbf: {  	[dreg:$0x0] =	wrdreg $0xFFFFFFFF;
	(pc) =	sbr.abs _section_cstart, $3  }
0xc0: {  	[dreg:$0x1] =	wrdreg $0xFFFFFFFF  }
0xc1: {  	_ =	task.clear_ibuf [dreg:s6], $0x2FFFF;
	_ =	strace $0x9FFFFFFF  }
0xc2: {  	(tm) =	ssettm $0x7FFFFFFF  }
0xc3: {  	_ =	shalt  }
tec
execute0_lowered:
.L_overlay_start_1:
0x0: {  	(tag) =	ssettag $0x1  }
0x1: {  	s0 =	srdreg.scid  }
0x2: {  	s1 =	rddreg [dreg:$0x0];
	s10 =	stileid.u32  }
0x3: {  	s2 =	rddreg [dreg:$0x1];
	s13 =	simm.s32 $0x7D;
	s14 =	simm.s32 $0x5000  }
0x4: {  	s16 =	simm.s32 $0x6F40;
	s18 =	simm.s32 $0x8E80;
	s20 =	simm.s32 $0xADC0  }
0x5: {  	s22 =	simm.s32 $0xCD00;
	s25 =	simm.s32 $0xEC40;
	s26 =	simm.s32 $0x1  }
0x6: {  	s29 =	simm.s32 $0x4;
	s30 =	simm.s32 $0x2;
	s31 =	simm.s32 $0x5  }
0x7: {  	s17 =	simm.s32 $0x4F80;
	s19 =	simm.s32 $0x0;
	s0 =	sand.u32 $0x1, s0  }
0x8: {  	s5 =	sadd.s32 $0x2A400, s1;
	s9 =	smul.u32 $0xA000, s10;
	s28 =	sshll.u32 s10, $0x6  }
0x9: {  	s3 =	sshll.u32 s0, $0x4;
	s6 =	smul.u32 $0x14000, s0;
	s0 =	ssub.s32 $0x2, s0  }
0xa: {  	s11 =	sor.u32 $0x1C07, s28;
	s4 =	sor.u32 s10, s3;
	s3 =	simm.s32 $0x0  }
0xb: {  	s8 =	sshrl.u32 s0, $0x1;
	s12 =	sadd.s32 s9, s2;
	s15 =	sshrl.u32 s9, $0x3  }
0xc: {  	s9 =	simm.s32 $0x7;
	s10 =	simm.s32 $0x2800;
	s4 =	smul.u32 $0x500, s4  }
0xd: {  	[smem:$0x7FF] =	sst s3;
	s0 =	ssub.s32 s0, s8;
	s12 =	sshrl.u32 s12, $0x3  }
0xe: {  	_ =	strace $0x8000004A;
	s8 =	smax.u32 s0, $0x1;
	s0 =	simm.s32 $0x6  }
0xf: {  	s7 =	sadd.s32 s4, s1;
	s4 =	sadd.s32 $0x16A00, s1;
	s1 =	sadd.s32 s6, s1  }
0x10: {  	s6 =	sadd.s32 $0xCA00, s7;
	s7 =	sadd.s32 $0x1E00, s7;
	s1 =	sadd.s32 $0x2B800, s1  }
0x11: {  	s24 =	sadd.s32 s15, s1;
	s1 =	simm.s32 $0x3;
	s15 =	simm.s32 $0x4F00  }
.LBB2_1:
0x12: {  	[tilespmem:s3], [sflag:$0x7] =	stream.linear.gather [hbm4b:s6+s3], $0x2800, $0x38;
	[tilespmem:$0x1AB80] =	vst v63  }
0x13: {  	_ =	swait.ge [sflag:s9], $0x2800  }
0x14: {  	[sflag:s9] =	ssyncset.done $0x0  }
0x15: {  	[sflag:s9] =	ssyncadd.s32 $0xFFFFD800  }
0x16: {  	[tilespmem:s10], [sflag:$0x7] =	stream.linear.gather [hbm4b:s7+s3], $0x2800, $0x38;
	[tilespmem:$0x1AB80] =	vst v63  }
0x17: {  	_ =	swait.ge [sflag:s9], $0x2800  }
0x18: {  	[sflag:s9] =	ssyncset.done $0x0  }
0x19: {  	[sflag:s9] =	ssyncadd.s32 $0xFFFFD800  }
0x1a: {  	[spmem:s12], [sflag:s11] =	dma.local [hbm:s5], $0x1400  }
0x1b: {  	_ =	swait.ge [sflag:s9], $0x1400  }
0x1c: {  	[sflag:s9] =	ssyncset.done $0x0  }
0x1d: {  	[sflag:s9] =	ssyncadd.s32 $0xFFFFEC00  }
0x1e: {  	[bflag:$0x0] =	sbarrier.arrive $0xFFFF  }
0x1f: {  	[tilespmem:s14], [sflag:$0x1] =	stream.indirect.gather [hbm4b:s4+s13], $0x40, s3, s13, $0xb8;
	[tilespmem:$0x1AB80] =	vst v63  }
0x20: {  	s21 =	simm.s32 $0x80  }
0x21: {  	[tilespmem:s16], [sflag:$0x1] =	stream.indirect.gather [hbm4b:s4+s13], $0x40, s21, s13, $0xb8;
	[tilespmem:$0x1AB80] =	vst v63  }
0x22: {  	s23 =	simm.s32 $0x100  }
0x23: {  	[tilespmem:s18], [sflag:$0x2] =	stream.indirect.gather [hbm4b:s4+s13], $0x40, s23, s13, $0xb8;
	[tilespmem:$0x1AB80] =	vst v63  }
0x24: {  	s28 =	simm.s32 $0x180  }
0x25: {  	[tilespmem:s20], [sflag:$0x2] =	stream.indirect.gather [hbm4b:s4+s13], $0x40, s28, s13, $0xb8;
	[tilespmem:$0x1AB80] =	vst v63  }
0x26: {  	s23 =	simm.s32 $0x200  }
0x27: {  	[tilespmem:s22], [sflag:$0x3] =	stream.indirect.gather [hbm4b:s4+s13], $0x40, s23, s13, $0xb8;
	[tilespmem:$0x1AB80] =	vst v63  }
0x28: {  	s28 =	simm.s32 $0x280  }
0x29: {  	[tilespmem:s25], [sflag:$0x3] =	stream.indirect.gather [hbm4b:s4+s13], $0x40, s28, s13, $0xb8;
	[tilespmem:$0x1AB80] =	vst v63  }
0x2a: {  	_ =	swait.ge [sflag:s26], $0x3E80  }
0x2b: {  	[sflag:s26] =	ssyncset.done $0x0  }
0x2c: {  	[sflag:s26] =	ssyncadd.s32 $0xFFFFC180  }
0x2d: {  	[spmem:s2] =	stream.indirect.scatter.add.f32 [tilespmem:s14], [sflag:$0x4], $0x40, s10, s13, $0xb8;
	[tilespmem:$0x1AB80] =	vst v63  }
0x2e: {  	s23 =	simm.s32 $0x2880  }
0x2f: {  	[spmem:s2] =	stream.indirect.scatter.add.f32 [tilespmem:s16], [sflag:$0x4], $0x40, s23, s13, $0xb8;
	[tilespmem:$0x1AB80] =	vst v63  }
0x30: {  	_ =	swait.ge [sflag:s29], $0x3E80  }
0x31: {  	[sflag:s29] =	ssyncset.done $0x0  }
0x32: {  	s28 =	simm.s32 $0x300;
	[sflag:s29] =	ssyncadd.s32 $0xFFFFC180  }
0x33: {  	[tilespmem:s14], [sflag:$0x1] =	stream.indirect.gather [hbm4b:s4+s13], $0x40, s28, s13, $0xb8;
	[tilespmem:$0x1AB80] =	vst v63  }
0x34: {  	s23 =	simm.s32 $0x380  }
0x35: {  	[tilespmem:s16], [sflag:$0x1] =	stream.indirect.gather [hbm4b:s4+s13], $0x40, s23, s13, $0xb8;
	[tilespmem:$0x1AB80] =	vst v63  }
0x36: {  	_ =	swait.ge [sflag:s30], $0x3E80  }
0x37: {  	[sflag:s30] =	ssyncset.done $0x0  }
0x38: {  	s28 =	simm.s32 $0x2900;
	[sflag:s30] =	ssyncadd.s32 $0xFFFFC180  }
0x39: {  	[spmem:s2] =	stream.indirect.scatter.add.f32 [tilespmem:s18], [sflag:$0x5], $0x40, s28, s13, $0xb8;
	[tilespmem:$0x1AB80] =	vst v63  }
0x3a: {  	s23 =	simm.s32 $0x2980  }
0x3b: {  	[spmem:s2] =	stream.indirect.scatter.add.f32 [tilespmem:s20], [sflag:$0x5], $0x40, s23, s13, $0xb8;
	[tilespmem:$0x1AB80] =	vst v63  }
0x3c: {  	_ =	swait.ge [sflag:s31], $0x3E80  }
0x3d: {  	[sflag:s31] =	ssyncset.done $0x0  }
0x3e: {  	s28 =	simm.s32 $0x400;
	[sflag:s31] =	ssyncadd.s32 $0xFFFFC180  }
0x3f: {  	[tilespmem:s18], [sflag:$0x2] =	stream.indirect.gather [hbm4b:s4+s13], $0x40, s28, s13, $0xb8;
	[tilespmem:$0x1AB80] =	vst v63  }
0x40: {  	s23 =	simm.s32 $0x480  }
0x41: {  	[tilespmem:s20], [sflag:$0x2] =	stream.indirect.gather [hbm4b:s4+s13], $0x40, s23, s13, $0xb8;
	[tilespmem:$0x1AB80] =	vst v63  }
0x42: {  	_ =	swait.ge [sflag:s1], $0x3E80  }
0x43: {  	[sflag:s1] =	ssyncset.done $0x0  }
0x44: {  	s28 =	simm.s32 $0x2A00;
	[sflag:s1] =	ssyncadd.s32 $0xFFFFC180  }
0x45: {  	[spmem:s2] =	stream.indirect.scatter.add.f32 [tilespmem:s22], [sflag:$0x6], $0x40, s28, s13, $0xb8;
	[tilespmem:$0x1AB80] =	vst v63  }
0x46: {  	s23 =	simm.s32 $0x2A80  }
0x47: {  	[spmem:s2] =	stream.indirect.scatter.add.f32 [tilespmem:s25], [sflag:$0x6], $0x40, s23, s13, $0xb8;
	[tilespmem:$0x1AB80] =	vst v63  }
0x48: {  	_ =	swait.ge [sflag:s0], $0x3E80  }
0x49: {  	[sflag:s0] =	ssyncset.done $0x0  }
0x4a: {  	s28 =	simm.s32 $0x500;
	[sflag:s0] =	ssyncadd.s32 $0xFFFFC180  }
0x4b: {  	[tilespmem:s22], [sflag:$0x3] =	stream.indirect.gather [hbm4b:s4+s13], $0x40, s28, s13, $0xb8;
	[tilespmem:$0x1AB80] =	vst v63  }
0x4c: {  	s23 =	simm.s32 $0x580  }
0x4d: {  	[tilespmem:s25], [sflag:$0x3] =	stream.indirect.gather [hbm4b:s4+s13], $0x40, s23, s13, $0xb8;
	[tilespmem:$0x1AB80] =	vst v63  }
0x4e: {  	_ =	swait.ge [sflag:s26], $0x3E80  }
0x4f: {  	s21 =	simm.s32 $0xC00;
	[sflag:s26] =	ssyncset.done $0x0  }
0x50: {  	s28 =	simm.s32 $0x2B00;
	s23 =	simm.s32 $0x2B80;
	[sflag:s26] =	ssyncadd.s32 $0xFFFFC180  }
0x51: {  	[spmem:s2] =	stream.indirect.scatter.add.f32 [tilespmem:s14], [sflag:$0x4], $0x40, s28, s13, $0xb8;
	[tilespmem:$0x1AB80] =	vst v63  }
.LBB2_2:
0x52: {  	[spmem:s2] =	stream.indirect.scatter.add.f32 [tilespmem:s16], [sflag:$0x4], $0x40, s23, s13, $0xb8;
	[tilespmem:$0x1AB80] =	vst v63  }
0x53: {  	s23 =	smov.u32 s21  }
0x54: {  	p0 =	sne.s32 s21, $0x8400;
	s21 =	sadd.s32 $0xC00, s21;
	_ =	swait.ge [sflag:s29], $0x3E80  }
0x55: {  	s23 =	sshra.s32 s23, $0x2;
	[sflag:s29] =	ssyncset.done $0x0  }
0x56: {  	s28 =	sadd.s32 $0x300, s23;
	[sflag:s29] =	ssyncadd.s32 $0xFFFFC180  }
0x57: {  	[tilespmem:s14], [sflag:$0x1] =	stream.indirect.gather [hbm4b:s4+s13], $0x40, s28, s13, $0xb8;
	[tilespmem:$0x1AB80] =	vst v63  }
0x58: {  	s28 =	sadd.s32 $0x380, s23  }
0x59: {  	[tilespmem:s16], [sflag:$0x1] =	stream.indirect.gather [hbm4b:s4+s13], $0x40, s28, s13, $0xb8;
	[tilespmem:$0x1AB80] =	vst v63  }
0x5a: {  	_ =	swait.ge [sflag:s30], $0x3E80  }
0x5b: {  	[sflag:s30] =	ssyncset.done $0x0  }
0x5c: {  	s28 =	sadd.s32 $0x2900, s23;
	[sflag:s30] =	ssyncadd.s32 $0xFFFFC180  }
0x5d: {  	[spmem:s2] =	stream.indirect.scatter.add.f32 [tilespmem:s18], [sflag:$0x5], $0x40, s28, s13, $0xb8;
	[tilespmem:$0x1AB80] =	vst v63  }
0x5e: {  	s28 =	sadd.s32 $0x2980, s23  }
0x5f: {  	[spmem:s2] =	stream.indirect.scatter.add.f32 [tilespmem:s20], [sflag:$0x5], $0x40, s28, s13, $0xb8;
	[tilespmem:$0x1AB80] =	vst v63  }
0x60: {  	_ =	swait.ge [sflag:s31], $0x3E80  }
0x61: {  	[sflag:s31] =	ssyncset.done $0x0  }
0x62: {  	s28 =	sadd.s32 $0x400, s23;
	[sflag:s31] =	ssyncadd.s32 $0xFFFFC180  }
0x63: {  	[tilespmem:s18], [sflag:$0x2] =	stream.indirect.gather [hbm4b:s4+s13], $0x40, s28, s13, $0xb8;
	[tilespmem:$0x1AB80] =	vst v63  }
0x64: {  	s28 =	sadd.s32 $0x480, s23  }
0x65: {  	[tilespmem:s20], [sflag:$0x2] =	stream.indirect.gather [hbm4b:s4+s13], $0x40, s28, s13, $0xb8;
	[tilespmem:$0x1AB80] =	vst v63  }
0x66: {  	_ =	swait.ge [sflag:s1], $0x3E80  }
0x67: {  	[sflag:s1] =	ssyncset.done $0x0  }
0x68: {  	s28 =	sadd.s32 $0x2A00, s23;
	[sflag:s1] =	ssyncadd.s32 $0xFFFFC180  }
0x69: {  	[spmem:s2] =	stream.indirect.scatter.add.f32 [tilespmem:s22], [sflag:$0x6], $0x40, s28, s13, $0xb8;
	[tilespmem:$0x1AB80] =	vst v63  }
0x6a: {  	s28 =	sadd.s32 $0x2A80, s23  }
0x6b: {  	[spmem:s2] =	stream.indirect.scatter.add.f32 [tilespmem:s25], [sflag:$0x6], $0x40, s28, s13, $0xb8;
	[tilespmem:$0x1AB80] =	vst v63  }
0x6c: {  	_ =	swait.ge [sflag:s0], $0x3E80  }
0x6d: {  	[sflag:s0] =	ssyncset.done $0x0  }
0x6e: {  	s28 =	sadd.s32 $0x500, s23;
	[sflag:s0] =	ssyncadd.s32 $0xFFFFC180  }
0x6f: {  	[tilespmem:s22], [sflag:$0x3] =	stream.indirect.gather [hbm4b:s4+s13], $0x40, s28, s13, $0xb8;
	[tilespmem:$0x1AB80] =	vst v63  }
0x70: {  	s28 =	sadd.s32 $0x580, s23  }
0x71: {  	[tilespmem:s25], [sflag:$0x3] =	stream.indirect.gather [hbm4b:s4+s13], $0x40, s28, s13, $0xb8;
	[tilespmem:$0x1AB80] =	vst v63  }
.Ltmp0:
0x72: {  	_ =	swait.ge [sflag:s26], $0x3E80;
	(pc) =	sbr.rel @p0 .LBB2_2-.Ltmp0, $4  }
0x73: {  	[sflag:s26] =	ssyncset.done $0x0  }
0x74: {  	s28 =	sadd.s32 $0x2B00, s23;
	[sflag:s26] =	ssyncadd.s32 $0xFFFFC180  }
0x75: {  	[spmem:s2] =	stream.indirect.scatter.add.f32 [tilespmem:s14], [sflag:$0x4], $0x40, s28, s13, $0xb8;
	[tilespmem:$0x1AB80] =	vst v63  }
0x76: {  	s23 =	sadd.s32 $0x2B80, s23  }
0x77: {  	[spmem:s2] =	stream.indirect.scatter.add.f32 [tilespmem:s16], [sflag:$0x4], $0x40, s23, s13, $0xb8;
	[tilespmem:$0x1AB80] =	vst v63  }
0x78: {  	_ =	swait.ge [sflag:s29], $0x3E80  }
0x79: {  	[sflag:s29] =	ssyncset.done $0x0  }
0x7a: {  	s21 =	simm.s32 $0x2700;
	[sflag:s29] =	ssyncadd.s32 $0xFFFFC180  }
0x7b: {  	[tilespmem:s14], [sflag:$0x1] =	stream.indirect.gather [hbm4b:s4+s13], $0x40, s21, s13, $0xb8;
	[tilespmem:$0x1AB80] =	vst v63  }
0x7c: {  	s28 =	simm.s32 $0x2780  }
0x7d: {  	[tilespmem:s16], [sflag:$0x1] =	stream.indirect.gather [hbm4b:s4+s13], $0x40, s28, s13, $0xb8;
	[tilespmem:$0x1AB80] =	vst v63  }
0x7e: {  	_ =	swait.ge [sflag:s30], $0x3E80  }
0x7f: {  	[sflag:s30] =	ssyncset.done $0x0  }
0x80: {  	s23 =	simm.s32 $0x4D00;
	[sflag:s30] =	ssyncadd.s32 $0xFFFFC180  }
0x81: {  	[spmem:s2] =	stream.indirect.scatter.add.f32 [tilespmem:s18], [sflag:$0x5], $0x40, s23, s13, $0xb8;
	[tilespmem:$0x1AB80] =	vst v63  }
0x82: {  	s28 =	simm.s32 $0x4D80  }
0x83: {  	[spmem:s2] =	stream.indirect.scatter.add.f32 [tilespmem:s20], [sflag:$0x5], $0x40, s28, s13, $0xb8;
	[tilespmem:$0x1AB80] =	vst v63  }
0x84: {  	_ =	swait.ge [sflag:s1], $0x3E80  }
0x85: {  	[sflag:s1] =	ssyncset.done $0x0  }
0x86: {  	s23 =	simm.s32 $0x4E00;
	[sflag:s1] =	ssyncadd.s32 $0xFFFFC180  }
0x87: {  	[spmem:s2] =	stream.indirect.scatter.add.f32 [tilespmem:s22], [sflag:$0x6], $0x40, s23, s13, $0xb8;
	[tilespmem:$0x1AB80] =	vst v63  }
0x88: {  	s28 =	simm.s32 $0x4E80  }
0x89: {  	[spmem:s2] =	stream.indirect.scatter.add.f32 [tilespmem:s25], [sflag:$0x6], $0x40, s28, s13, $0xb8;
	[tilespmem:$0x1AB80] =	vst v63  }
0x8a: {  	_ =	swait.ge [sflag:s26], $0x3E80  }
0x8b: {  	[sflag:s26] =	ssyncset.done $0x0  }
0x8c: {  	[sflag:s26] =	ssyncadd.s32 $0xFFFFC180  }
0x8d: {  	[spmem:s2] =	stream.indirect.scatter.add.f32 [tilespmem:s14], [sflag:$0x4], $0x40, s15, s13, $0xb8;
	[tilespmem:$0x1AB80] =	vst v63  }
0x8e: {  	_ = 	snop  }
0x8f: {  	[spmem:s2] =	stream.indirect.scatter.add.f32 [tilespmem:s16], [sflag:$0x4], $0x40, s17, s13, $0xb8;
	[tilespmem:$0x1AB80] =	vst v63  }
0x90: {  	_ =	swait.ge [sflag:s29], $0x3E80  }
0x91: {  	[sflag:s29] =	ssyncset.done $0x0  }
0x92: {  	[sflag:s29] =	ssyncadd.s32 $0xFFFFC180  }
0x93: {  	_ =	swait.ge [sflag:s31], $0x3E80  }
0x94: {  	[sflag:s31] =	ssyncset.done $0x0  }
0x95: {  	[sflag:s31] =	ssyncadd.s32 $0xFFFFC180  }
0x96: {  	_ =	swait.ge [sflag:s0], $0x3E80  }
0x97: {  	s19 =	sadd.s32 $0x1, s19;
	[sflag:s0] =	ssyncset.done $0x0  }
0x98: {  	p0 =	sne.s32 s19, s8;
	[sflag:s0] =	ssyncadd.s32 $0xFFFFC180  }
.Ltmp1:
0x99: {  	[bflag:$0x0] =	sbarrier.arrive $0xFFFF;
	(pc) =	sbr.rel @p0 .LBB2_1-.Ltmp1, $4  }
0x9a: {  	[hbm:s24], [sflag:s11] =	dma.local [spmem:s12], $0x1400  }
0x9b: {  	_ =	swait.ge [sflag:s9], $0x1400  }
0x9c: {  	[sflag:s9] =	ssyncset.done $0x0  }
0x9d: {  	[sflag:s9] =	ssyncadd.s32 $0xFFFFEC00  }
0x9e: {  	_ =	sfence.sel $0x180000  }
0x9f: {  	[bflag:$0x0] =	sbarrier.arrive $0xFFFF  }
0xa0: {  	_ =	strace $0x9000004A  }
0xa1: {  	s0 =	stileid.u32;
	[bflag:$0x2] =	sbarrier.arrive $0xFFFF  }
0xa2: {  	p0 =	sne.s32 s0, $0x0;
	s0 =	rddreg [dreg:$0x2]  }
0xa3: {  	s0 =	sadd.s32 @!p0 $0x100000, s0  }
0xa4: {  	[sflag:s0] =	ssyncadd.tile.s32 @!p0 $0x1;
	_ =	shalt  }
.Lfunc_end2:
_tile_overlayer_lowered:
.L_overlay_start_2:
0xa5: {  	(tag) =	ssettag $0x2  }
0xa6: {  	s0 =	rddreg [dreg:$0x0];
	s2 =	stileid.u32  }
0xa7: {  	s1 =	rddreg [dreg:$0x1];
	p0 =	sne.s32 s2, $0x0  }
0xa8: {  	s3 =	rddreg [dreg:$0x2];
	[bflag:$0x3] =	sbarrier.arrive $0xFFFF;
	s2 =	simm.s32 @!p0 $0x1C07  }
0xa9: {  	[timem:s3], [sflag:s2] =	dma.local @!p0 [hbm:s0], s1  }
0xaa: {  	s0 =	simm.s32 @!p0 $0x7  }
0xab: {  	_ =	swait.ge @!p0 [sflag:s0], s1  }
0xac: {  	s1 =	ssub.s32 @!p0 $0x0, s1;
	[sflag:s0] =	ssyncset.done @!p0 $0x0  }
0xad: {  	[sflag:s0] =	ssyncadd.s32 @!p0 s1  }
0xae: {  	[bflag:$0x3] =	sbarrier.arrive $0xFFFF  }
0xaf: {  	_ =	shalt  }

// kernel: kernel.14.cloned.1.call-start
scs
__scs_entry_jumppad:
0x0: {  	(pc) =	sbr.rel $0x88, $3  }
0x1: {  	(tag) =	ssettag $0x0;
	lr =	simm.s32 $0x1  }
0x2: {  	[smem:$0x3F99] =	sst lr;
	_ =	strace $0xD0000000  }
0x3: {  	_ = 	snop  }
0x4: {  	_ = 	snop  }
0x5: {  	_ = 	snop  }
0x6: {  	_ = 	snop  }
0x7: {  	_ = 	snop  }
__scs_overlays_trampoline_lowered:
0x8: {  	[smem:$0x3FA8] =	sst s0  }
0x9: {  	[smem:$0x3FA9] =	sst s1  }
0xa: {  	[smem:$0x3FAA] =	sst s2  }
0xb: {  	[smem:$0x3FAB] =	sst s3  }
0xc: {  	[smem:$0x3FAC] =	sst s4  }
0xd: {  	[smem:$0x3FAD] =	sst s5  }
0xe: {  	[smem:$0x3FAE] =	sst s6  }
0xf: {  	[smem:$0x3FAF] =	sst s7  }
0x10: {  	[smem:$0x3FB0] =	sst s8  }
0x11: {  	[smem:$0x3FB1] =	sst s9;
	s0 =	simm.s32 @!p0 $0x0  }
0x12: {  	s1 =	sld [smem:$0x3F97];
	s0 =	simm.s32 @p0 $0x1  }
0x13: {  	[smem:$0x3FB2] =	sst s0;
	s0 =	simm.s32 @!p1 $0x0  }
0x14: {  	s2 =	sld [smem:$0x3F96];
	s0 =	simm.s32 @p1 $0x1  }
0x15: {  	[smem:$0x3FB3] =	sst s0;
	s0 =	simm.s32 @!p2 $0x0  }
0x16: {  	s3 =	sld [smem:$0x3FDB];
	s0 =	simm.s32 @p2 $0x1  }
0x17: {  	s4 =	simm.s32 $0x1BF5;
	[smem:$0x3FB5] =	sst s0  }
0x18: {  	s0 =	sld [smem:$0x3F98];
	_ =	swait.ge [sflag:s4], $0x0  }
0x19: {  	s7 =	sld [smem:$0x3F99]  }
0x1a: {  	s8 =	sadd.s32 $0xFFFFE003, lr  }
0x1b: {  	s9 =	sadd.s32 $0xFFFFFEF7, lr;
	s5 =	simm.s32 $0xFFFFFFFF;
	p2 =	slt.u32 s8, $0xFFFFF086  }
0x1c: {  	p1 =	slt.u32 s9, $0xF7A;
	s5 =	simm.s32 @!p2 $0x0  }
0x1d: {  	s5 =	simm.s32 @p1 $0x1;
	p0 =	seq.s32 s7, s2  }
0x1e: {  	s7 =	smul.u32 @!p0 $0xF7A, s2;
	p2 =	seq.s32 @!p0 s5, $0x0  }
0x1f: {  	s9 =	smul.u32 $0xF7A, s1;
	s8 =	simm.s32 @!p0 $0x1BF5;
	p2 =	por !p2, p0  }
0x20: {  	[sflag:s8] =	ssyncset.s32 @!p0 $0xFFFFF086;
	s6 =	sadd.s32 @!p0 s3, s7;
	s7 =	simm.s32 @!p0 $0x108  }
0x21: {  	s3 =	sadd.s32 s3, s9;
	s6 =	sadd.s32 @!p0 $0x88, s6;
	s7 =	simm.s32 @p2 $0x1082  }
0x22: {  	[simem:s7], [sflag:s8] =	dma.local @!p0 [hbm:s6], $0xF7A  }
0x23: {  	s9 =	sor.u32 $0xD0000000, s2;
	s6 =	simm.s32 $0x108;
	_ =	swait.ge @!p0 [sflag:s8], $0x0  }
0x24: {  	s3 =	sadd.s32 $0x88, s3;
	s6 =	simm.s32 @!p1 $0x1082;
	[sflag:s4] =	ssyncset.s32 $0xFFFFF086  }
0x25: {  	[simem:s6], [sflag:s4] =	dma.local [hbm:s3], $0xF7A  }
0x26: {  	[smem:$0x3F99] =	sst s1;
	(tag) =	ssettag s2;
	_ =	strace s9  }
0x27: {  	s1 =	sld [smem:$0x3FA9]  }
0x28: {  	s2 =	sld [smem:$0x3FAA]  }
0x29: {  	s4 =	sld [smem:$0x3FAC]  }
0x2a: {  	p0 =	seq.s32 s5, $0x0;
	s5 =	sld [smem:$0x3FAD]  }
0x2b: {  	s6 =	sld [smem:$0x3FAE]  }
0x2c: {  	s7 =	sld [smem:$0x3FAF]  }
0x2d: {  	s3 =	simm.s32 $0x108;
	s8 =	sld [smem:$0x3FB0]  }
0x2e: {  	s3 =	simm.s32 @!p0 $0x1082;
	s9 =	sld [smem:$0x3FB1]  }
0x2f: {  	lr =	sadd.s32 s0, s3;
	s0 =	sld [smem:$0x3FA8]  }
0x30: {  	s3 =	sld [smem:$0x3FAB]  }
0x31: {  	[smem:$0x3FB4] =	sst s10  }
0x32: {  	s10 =	sld [smem:$0x3FB2];
	_ =	sdelay $0x3  }
0x33: {  	p0 =	seq.s32 s10, $0x1;
	s10 =	sld [smem:$0x3FB4];
	_ =	sdelay $0x3  }
0x34: {  	[smem:$0x3FB4] =	sst s10  }
0x35: {  	s10 =	sld [smem:$0x3FB3];
	_ =	sdelay $0x3  }
0x36: {  	p1 =	seq.s32 s10, $0x1;
	s10 =	sld [smem:$0x3FB4];
	_ =	sdelay $0x3  }
0x37: {  	[smem:$0x3FB4] =	sst s10  }
0x38: {  	s10 =	sld [smem:$0x3FB5]  }
0x39: {  	_ = 	snop;
	(pc) =	sbr.ind lr, $3  }
0x3a: {  	_ = 	snop  }
0x3b: {  	_ = 	snop  }
0x3c: {  	p2 =	seq.s32 s10, $0x1;
	s10 =	sld [smem:$0x3FB4]  }
0x3d: {  	_ =	shalt  }
0x3e: {  	_ =	shalt  }
0x3f: {  	_ =	shalt  }
0x40: {  	_ =	shalt  }
0x41: {  	_ =	shalt  }
0x42: {  	_ =	shalt  }
0x43: {  	_ =	shalt  }
0x44: {  	_ =	shalt  }
0x45: {  	_ =	shalt  }
0x46: {  	_ =	shalt  }
0x47: {  	_ =	shalt  }
0x48: {  	_ =	shalt  }
0x49: {  	_ =	shalt  }
0x4a: {  	_ =	shalt  }
0x4b: {  	_ =	shalt  }
0x4c: {  	_ =	shalt  }
0x4d: {  	_ =	shalt  }
0x4e: {  	_ =	shalt  }
0x4f: {  	_ =	shalt  }
0x50: {  	_ =	shalt  }
0x51: {  	_ =	shalt  }
0x52: {  	_ =	shalt  }
0x53: {  	_ =	shalt  }
0x54: {  	_ =	shalt  }
0x55: {  	_ =	shalt  }
0x56: {  	_ =	shalt  }
0x57: {  	_ =	shalt  }
0x58: {  	_ =	shalt  }
0x59: {  	_ =	shalt  }
0x5a: {  	_ =	shalt  }
0x5b: {  	_ =	shalt  }
0x5c: {  	_ =	shalt  }
0x5d: {  	_ =	shalt  }
0x5e: {  	_ =	shalt  }
0x5f: {  	_ =	shalt  }
0x60: {  	_ =	shalt  }
0x61: {  	_ =	shalt  }
0x62: {  	_ =	shalt  }
0x63: {  	_ =	shalt  }
0x64: {  	_ =	shalt  }
0x65: {  	_ =	shalt  }
0x66: {  	_ =	shalt  }
0x67: {  	_ =	shalt  }
0x68: {  	_ =	shalt  }
0x69: {  	_ =	shalt  }
0x6a: {  	_ =	shalt  }
0x6b: {  	_ =	shalt  }
0x6c: {  	_ =	shalt  }
0x6d: {  	_ =	shalt  }
0x6e: {  	_ =	shalt  }
0x6f: {  	_ =	shalt  }
0x70: {  	_ =	shalt  }
0x71: {  	_ =	shalt  }
0x72: {  	_ =	shalt  }
0x73: {  	_ =	shalt  }
0x74: {  	_ =	shalt  }
0x75: {  	_ =	shalt  }
0x76: {  	_ =	shalt  }
0x77: {  	_ =	shalt  }
0x78: {  	_ =	shalt  }
0x79: {  	_ =	shalt  }
0x7a: {  	_ =	shalt  }
0x7b: {  	_ =	shalt  }
0x7c: {  	_ =	shalt  }
0x7d: {  	_ =	shalt  }
0x7e: {  	_ =	shalt  }
0x7f: {  	_ =	shalt  }
0x80: {  	_ =	shalt  }
0x81: {  	_ =	shalt  }
0x82: {  	_ =	shalt  }
0x83: {  	_ =	shalt  }
0x84: {  	_ =	shalt  }
0x85: {  	_ =	shalt  }
0x86: {  	_ =	shalt  }
0x87: {  	_ =	shalt  }
.Lfunc_end0:
.L_simem_size_0:
called_computation.2_lowered:
.L_overlay_start_0:
0x88: {  	s2 =	sld [smem:$0x3FD9]  }
0x89: {  	s3 =	sld [smem:$0x3FFE];
	_ =	sdelay $0x1  }
0x8a: {  	s1 =	srdreg.scid  }
0x8b: {  	s0 =	sand.u32 $0x1, s1  }
0x8c: {  	s16 =	sshll.u32 s0, $0xA;
	s2 =	sadd.s32 s3, s2  }
0x8d: {  	s2 =	sadd.s32 s2, s16  }
0x8e: {  	[smem:$0x3FC0] =	sst s2  }
0x8f: {  	_ = 	snop  }
0x90: {  	(tm) =	ssettm $0x1  }
0x91: {  	s17 =	sld [smem:$0x3FFB];
	_ =	sdelay $0x3  }
0x92: {  	_ =	strace s17  }
0x93: {  	s2 =	sld [smem:$0x3FFC];
	_ =	sdelay $0x3  }
0x94: {  	_ =	strace s2  }
0x95: {  	s2 =	sld [smem:$0x3FFD];
	_ =	sdelay $0x3  }
0x96: {  	_ =	strace s2  }
0x97: {  	_ =	strace $0x8FFFFFFF  }
0x98: {  	s18 =	sld [smem:$0x3FDB];
	_ =	sdelay $0x1  }
0x99: {  	s19 =	simm.s32 $_scs_section_size  }
0x9a: {  	s4 =	simm.s32 $_size__tile_overlayer_lowered;
	s5 =	simm.s32 $_tile_overlayer_lowered  }
0x9b: {  	s22 =	simm.s32 $0x1BFF;
	s21 =	sshll.u32 s5, $0x1;
	s2 =	sadd.s32 s19, s18  }
0x9c: {  	s6 =	simm.s32 $0x0;
	s20 =	sshll.u32 s4, $0x1;
	s4 =	sadd.s32 s21, s2  }
0x9d: {  	[timem:s6], [sflag:s22] =	dma.local [hbm:s4], s20  }
0x9e: {  	_ =	swait.ge [sflag:s22], s20  }
0x9f: {  	s3 =	ssub.s32 $0x0, s20;
	[sflag:s22] =	ssyncset.done $0x0  }
0xa0: {  	[sflag:s22] =	ssyncadd.s32 s3;
	_ =	sdelay $0x1  }
0xa1: {  	s23 =	simm.s32 $0x1B8B  }
0xa2: {  	_ =	swait.ge [sflag:s23], $0x1  }
0xa3: {  	[sflag:s23] =	ssyncset.done $0x0  }
0xa4: {  	s25 =	simm.s32 $0x1B8E;
	s24 =	sld [smem:$0x3FFE];
	[sflag:s23] =	ssyncadd.s32 $0xFFFFFFFF  }
0xa5: {  	s26 =	simm.s32 $execute0_lowered;
	[smem:$0x3FD2] =	sst s25  }
0xa6: {  	s4 =	sshll.u32 s26, $0x1;
	_ =	strace $0x8000004C;
	[dreg:$0x1] =	wrdreg $0xFFFFFFFF  }
0xa7: {  	s28 =	simm.s32 $_size_execute0_lowered;
	s2 =	sadd.s32 s2, s4;
	[dreg:$0x0] =	wrdreg $0x0  }
0xa8: {  	s4 =	sshll.u32 s28, $0x1;
	[dreg:$0x2] =	wrdreg s2  }
0xa9: {  	[dreg:$0x3] =	wrdreg s4  }
0xaa: {  	[dreg:$0x4] =	wrdreg $0xC0  }
0xab: {  	_ =	task [dreg:s6], $0x5FFFF  }
0xac: {  	[dreg:$0x1] =	wrdreg $0xFFFFFFFF  }
0xad: {  	[dreg:$0x0] =	wrdreg $0x60  }
0xae: {  	[dreg:$0x2] =	wrdreg s24  }
0xaf: {  	[dreg:$0x3] =	wrdreg $0x10B800  }
0xb0: {  	[dreg:$0x4] =	wrdreg $0x9  }
0xb1: {  	_ =	task.clear_ibuf [dreg:s6], $0x5FFFF;
	_ =	strace $0x9000004C  }
0xb2: {  	s29 =	simm.s32 $0x9;
	_ =	strace $0x8000004E  }
0xb3: {  	_ =	swait.ge [sflag:s29], $0x1  }
0xb4: {  	[sflag:s29] =	ssyncadd.s32 $0xFFFFFFFF  }
0xb5: {  	_ =	strace $0x9000004E  }
0xb6: {  	_ =	sfence  }
0xb7: {  	s30 =	sld [smem:$0x0];
	_ =	sdelay $0x2  }
0xb8: {  	s31 =	sshll.u32 s1, $0xD;
	s1 =	sshrl.u32 s1, $0x2  }
0xb9: {  	s3 =	sand.u32 $0x4000, s31;
	s1 =	sadd.s32 s1, s30  }
0xba: {  	s0 =	sor.u32 s3, s0;
	s1 =	sshll.u32 s1, $0x11  }
0xbb: {  	s0 =	sor.u32 s1, s0  }
0xbc: {  	s0 =	sadd.s32 $0x8F2B, s0  }
0xbd: {  	[sflag:s0] =	ssyncadd.remote.s32 $0x1  }
0xbe: {  	_ =	sfence.sel $0xFFFF  }
0xbf: {  	[dreg:$0x0] =	wrdreg $0xFFFFFFFF;
	(pc) =	sbr.abs _section_cstart, $3  }
0xc0: {  	[dreg:$0x1] =	wrdreg $0xFFFFFFFF  }
0xc1: {  	_ =	task.clear_ibuf [dreg:s6], $0x2FFFF;
	_ =	strace $0x9FFFFFFF  }
0xc2: {  	(tm) =	ssettm $0x7FFFFFFF  }
0xc3: {  	_ =	shalt  }
tec
execute0_lowered:
.L_overlay_start_1:
0x0: {  	(tag) =	ssettag $0x1  }
0x1: {  	s0 =	srdreg.scid  }
0x2: {  	s1 =	rddreg [dreg:$0x0];
	s10 =	stileid.u32  }
0x3: {  	s2 =	rddreg [dreg:$0x1];
	s13 =	simm.s32 $0x7D;
	s14 =	simm.s32 $0x5000  }
0x4: {  	s16 =	simm.s32 $0x6F40;
	s18 =	simm.s32 $0x8E80;
	s20 =	simm.s32 $0xADC0  }
0x5: {  	s22 =	simm.s32 $0xCD00;
	s25 =	simm.s32 $0xEC40;
	s26 =	simm.s32 $0x1  }
0x6: {  	s29 =	simm.s32 $0x4;
	s30 =	simm.s32 $0x2;
	s31 =	simm.s32 $0x5  }
0x7: {  	s17 =	simm.s32 $0x4F80;
	s19 =	simm.s32 $0x0;
	s0 =	sand.u32 $0x1, s0  }
0x8: {  	s5 =	sadd.s32 $0x2A400, s1;
	s9 =	smul.u32 $0xA000, s10;
	s28 =	sshll.u32 s10, $0x6  }
0x9: {  	s3 =	sshll.u32 s0, $0x4;
	s6 =	smul.u32 $0x14000, s0;
	s0 =	ssub.s32 $0x2, s0  }
0xa: {  	s11 =	sor.u32 $0x1C07, s28;
	s4 =	sor.u32 s10, s3;
	s3 =	simm.s32 $0x0  }
0xb: {  	s8 =	sshrl.u32 s0, $0x1;
	s12 =	sadd.s32 s9, s2;
	s15 =	sshrl.u32 s9, $0x3  }
0xc: {  	s9 =	simm.s32 $0x7;
	s10 =	simm.s32 $0x2800;
	s4 =	smul.u32 $0x500, s4  }
0xd: {  	[smem:$0x7FF] =	sst s3;
	s0 =	ssub.s32 s0, s8;
	s12 =	sshrl.u32 s12, $0x3  }
0xe: {  	_ =	strace $0x8000004D;
	s8 =	smax.u32 s0, $0x1;
	s0 =	simm.s32 $0x6  }
0xf: {  	s7 =	sadd.s32 s4, s1;
	s4 =	sadd.s32 $0x16A00, s1;
	s1 =	sadd.s32 s6, s1  }
0x10: {  	s6 =	sadd.s32 $0xCA00, s7;
	s7 =	sadd.s32 $0x1E00, s7;
	s1 =	sadd.s32 $0x2B800, s1  }
0x11: {  	s24 =	sadd.s32 s15, s1;
	s1 =	simm.s32 $0x3;
	s15 =	simm.s32 $0x4F00  }
.LBB2_1:
0x12: {  	[tilespmem:s3], [sflag:$0x7] =	stream.linear.gather [hbm4b:s6+s3], $0x2800, $0x38;
	[tilespmem:$0x1AB80] =	vst v63  }
0x13: {  	_ =	swait.ge [sflag:s9], $0x2800  }
0x14: {  	[sflag:s9] =	ssyncset.done $0x0  }
0x15: {  	[sflag:s9] =	ssyncadd.s32 $0xFFFFD800  }
0x16: {  	[tilespmem:s10], [sflag:$0x7] =	stream.linear.gather [hbm4b:s7+s3], $0x2800, $0x38;
	[tilespmem:$0x1AB80] =	vst v63  }
0x17: {  	_ =	swait.ge [sflag:s9], $0x2800  }
0x18: {  	[sflag:s9] =	ssyncset.done $0x0  }
0x19: {  	[sflag:s9] =	ssyncadd.s32 $0xFFFFD800  }
0x1a: {  	[spmem:s12], [sflag:s11] =	dma.local [hbm:s5], $0x1400  }
0x1b: {  	_ =	swait.ge [sflag:s9], $0x1400  }
0x1c: {  	[sflag:s9] =	ssyncset.done $0x0  }
0x1d: {  	[sflag:s9] =	ssyncadd.s32 $0xFFFFEC00  }
0x1e: {  	[bflag:$0x0] =	sbarrier.arrive $0xFFFF  }
0x1f: {  	[tilespmem:s14], [sflag:$0x1] =	stream.indirect.gather [hbm4b:s4+s13], $0x40, s3, s13, $0xb8;
	[tilespmem:$0x1AB80] =	vst v63  }
0x20: {  	s21 =	simm.s32 $0x80  }
0x21: {  	[tilespmem:s16], [sflag:$0x1] =	stream.indirect.gather [hbm4b:s4+s13], $0x40, s21, s13, $0xb8;
	[tilespmem:$0x1AB80] =	vst v63  }
0x22: {  	s23 =	simm.s32 $0x100  }
0x23: {  	[tilespmem:s18], [sflag:$0x2] =	stream.indirect.gather [hbm4b:s4+s13], $0x40, s23, s13, $0xb8;
	[tilespmem:$0x1AB80] =	vst v63  }
0x24: {  	s28 =	simm.s32 $0x180  }
0x25: {  	[tilespmem:s20], [sflag:$0x2] =	stream.indirect.gather [hbm4b:s4+s13], $0x40, s28, s13, $0xb8;
	[tilespmem:$0x1AB80] =	vst v63  }
0x26: {  	s23 =	simm.s32 $0x200  }
0x27: {  	[tilespmem:s22], [sflag:$0x3] =	stream.indirect.gather [hbm4b:s4+s13], $0x40, s23, s13, $0xb8;
	[tilespmem:$0x1AB80] =	vst v63  }
0x28: {  	s28 =	simm.s32 $0x280  }
0x29: {  	[tilespmem:s25], [sflag:$0x3] =	stream.indirect.gather [hbm4b:s4+s13], $0x40, s28, s13, $0xb8;
	[tilespmem:$0x1AB80] =	vst v63  }
0x2a: {  	_ =	swait.ge [sflag:s26], $0x3E80  }
0x2b: {  	[sflag:s26] =	ssyncset.done $0x0  }
0x2c: {  	[sflag:s26] =	ssyncadd.s32 $0xFFFFC180  }
0x2d: {  	[spmem:s2] =	stream.indirect.scatter.add.f32 [tilespmem:s14], [sflag:$0x4], $0x40, s10, s13, $0xb8;
	[tilespmem:$0x1AB80] =	vst v63  }
0x2e: {  	s23 =	simm.s32 $0x2880  }
0x2f: {  	[spmem:s2] =	stream.indirect.scatter.add.f32 [tilespmem:s16], [sflag:$0x4], $0x40, s23, s13, $0xb8;
	[tilespmem:$0x1AB80] =	vst v63  }
0x30: {  	_ =	swait.ge [sflag:s29], $0x3E80  }
0x31: {  	[sflag:s29] =	ssyncset.done $0x0  }
0x32: {  	s28 =	simm.s32 $0x300;
	[sflag:s29] =	ssyncadd.s32 $0xFFFFC180  }
0x33: {  	[tilespmem:s14], [sflag:$0x1] =	stream.indirect.gather [hbm4b:s4+s13], $0x40, s28, s13, $0xb8;
	[tilespmem:$0x1AB80] =	vst v63  }
0x34: {  	s23 =	simm.s32 $0x380  }
0x35: {  	[tilespmem:s16], [sflag:$0x1] =	stream.indirect.gather [hbm4b:s4+s13], $0x40, s23, s13, $0xb8;
	[tilespmem:$0x1AB80] =	vst v63  }
0x36: {  	_ =	swait.ge [sflag:s30], $0x3E80  }
0x37: {  	[sflag:s30] =	ssyncset.done $0x0  }
0x38: {  	s28 =	simm.s32 $0x2900;
	[sflag:s30] =	ssyncadd.s32 $0xFFFFC180  }
0x39: {  	[spmem:s2] =	stream.indirect.scatter.add.f32 [tilespmem:s18], [sflag:$0x5], $0x40, s28, s13, $0xb8;
	[tilespmem:$0x1AB80] =	vst v63  }
0x3a: {  	s23 =	simm.s32 $0x2980  }
0x3b: {  	[spmem:s2] =	stream.indirect.scatter.add.f32 [tilespmem:s20], [sflag:$0x5], $0x40, s23, s13, $0xb8;
	[tilespmem:$0x1AB80] =	vst v63  }
0x3c: {  	_ =	swait.ge [sflag:s31], $0x3E80  }
0x3d: {  	[sflag:s31] =	ssyncset.done $0x0  }
0x3e: {  	s28 =	simm.s32 $0x400;
	[sflag:s31] =	ssyncadd.s32 $0xFFFFC180  }
0x3f: {  	[tilespmem:s18], [sflag:$0x2] =	stream.indirect.gather [hbm4b:s4+s13], $0x40, s28, s13, $0xb8;
	[tilespmem:$0x1AB80] =	vst v63  }
0x40: {  	s23 =	simm.s32 $0x480  }
0x41: {  	[tilespmem:s20], [sflag:$0x2] =	stream.indirect.gather [hbm4b:s4+s13], $0x40, s23, s13, $0xb8;
	[tilespmem:$0x1AB80] =	vst v63  }
0x42: {  	_ =	swait.ge [sflag:s1], $0x3E80  }
0x43: {  	[sflag:s1] =	ssyncset.done $0x0  }
0x44: {  	s28 =	simm.s32 $0x2A00;
	[sflag:s1] =	ssyncadd.s32 $0xFFFFC180  }
0x45: {  	[spmem:s2] =	stream.indirect.scatter.add.f32 [tilespmem:s22], [sflag:$0x6], $0x40, s28, s13, $0xb8;
	[tilespmem:$0x1AB80] =	vst v63  }
0x46: {  	s23 =	simm.s32 $0x2A80  }
0x47: {  	[spmem:s2] =	stream.indirect.scatter.add.f32 [tilespmem:s25], [sflag:$0x6], $0x40, s23, s13, $0xb8;
	[tilespmem:$0x1AB80] =	vst v63  }
0x48: {  	_ =	swait.ge [sflag:s0], $0x3E80  }
0x49: {  	[sflag:s0] =	ssyncset.done $0x0  }
0x4a: {  	s28 =	simm.s32 $0x500;
	[sflag:s0] =	ssyncadd.s32 $0xFFFFC180  }
0x4b: {  	[tilespmem:s22], [sflag:$0x3] =	stream.indirect.gather [hbm4b:s4+s13], $0x40, s28, s13, $0xb8;
	[tilespmem:$0x1AB80] =	vst v63  }
0x4c: {  	s23 =	simm.s32 $0x580  }
0x4d: {  	[tilespmem:s25], [sflag:$0x3] =	stream.indirect.gather [hbm4b:s4+s13], $0x40, s23, s13, $0xb8;
	[tilespmem:$0x1AB80] =	vst v63  }
0x4e: {  	_ =	swait.ge [sflag:s26], $0x3E80  }
0x4f: {  	s21 =	simm.s32 $0xC00;
	[sflag:s26] =	ssyncset.done $0x0  }
0x50: {  	s28 =	simm.s32 $0x2B00;
	s23 =	simm.s32 $0x2B80;
	[sflag:s26] =	ssyncadd.s32 $0xFFFFC180  }
0x51: {  	[spmem:s2] =	stream.indirect.scatter.add.f32 [tilespmem:s14], [sflag:$0x4], $0x40, s28, s13, $0xb8;
	[tilespmem:$0x1AB80] =	vst v63  }
.LBB2_2:
0x52: {  	[spmem:s2] =	stream.indirect.scatter.add.f32 [tilespmem:s16], [sflag:$0x4], $0x40, s23, s13, $0xb8;
	[tilespmem:$0x1AB80] =	vst v63  }
0x53: {  	s23 =	smov.u32 s21  }
0x54: {  	p0 =	sne.s32 s21, $0x8400;
	s21 =	sadd.s32 $0xC00, s21;
	_ =	swait.ge [sflag:s29], $0x3E80  }
0x55: {  	s23 =	sshra.s32 s23, $0x2;
	[sflag:s29] =	ssyncset.done $0x0  }
0x56: {  	s28 =	sadd.s32 $0x300, s23;
	[sflag:s29] =	ssyncadd.s32 $0xFFFFC180  }
0x57: {  	[tilespmem:s14], [sflag:$0x1] =	stream.indirect.gather [hbm4b:s4+s13], $0x40, s28, s13, $0xb8;
	[tilespmem:$0x1AB80] =	vst v63  }
0x58: {  	s28 =	sadd.s32 $0x380, s23  }
0x59: {  	[tilespmem:s16], [sflag:$0x1] =	stream.indirect.gather [hbm4b:s4+s13], $0x40, s28, s13, $0xb8;
	[tilespmem:$0x1AB80] =	vst v63  }
0x5a: {  	_ =	swait.ge [sflag:s30], $0x3E80  }
0x5b: {  	[sflag:s30] =	ssyncset.done $0x0  }
0x5c: {  	s28 =	sadd.s32 $0x2900, s23;
	[sflag:s30] =	ssyncadd.s32 $0xFFFFC180  }
0x5d: {  	[spmem:s2] =	stream.indirect.scatter.add.f32 [tilespmem:s18], [sflag:$0x5], $0x40, s28, s13, $0xb8;
	[tilespmem:$0x1AB80] =	vst v63  }
0x5e: {  	s28 =	sadd.s32 $0x2980, s23  }
0x5f: {  	[spmem:s2] =	stream.indirect.scatter.add.f32 [tilespmem:s20], [sflag:$0x5], $0x40, s28, s13, $0xb8;
	[tilespmem:$0x1AB80] =	vst v63  }
0x60: {  	_ =	swait.ge [sflag:s31], $0x3E80  }
0x61: {  	[sflag:s31] =	ssyncset.done $0x0  }
0x62: {  	s28 =	sadd.s32 $0x400, s23;
	[sflag:s31] =	ssyncadd.s32 $0xFFFFC180  }
0x63: {  	[tilespmem:s18], [sflag:$0x2] =	stream.indirect.gather [hbm4b:s4+s13], $0x40, s28, s13, $0xb8;
	[tilespmem:$0x1AB80] =	vst v63  }
0x64: {  	s28 =	sadd.s32 $0x480, s23  }
0x65: {  	[tilespmem:s20], [sflag:$0x2] =	stream.indirect.gather [hbm4b:s4+s13], $0x40, s28, s13, $0xb8;
	[tilespmem:$0x1AB80] =	vst v63  }
0x66: {  	_ =	swait.ge [sflag:s1], $0x3E80  }
0x67: {  	[sflag:s1] =	ssyncset.done $0x0  }
0x68: {  	s28 =	sadd.s32 $0x2A00, s23;
	[sflag:s1] =	ssyncadd.s32 $0xFFFFC180  }
0x69: {  	[spmem:s2] =	stream.indirect.scatter.add.f32 [tilespmem:s22], [sflag:$0x6], $0x40, s28, s13, $0xb8;
	[tilespmem:$0x1AB80] =	vst v63  }
0x6a: {  	s28 =	sadd.s32 $0x2A80, s23  }
0x6b: {  	[spmem:s2] =	stream.indirect.scatter.add.f32 [tilespmem:s25], [sflag:$0x6], $0x40, s28, s13, $0xb8;
	[tilespmem:$0x1AB80] =	vst v63  }
0x6c: {  	_ =	swait.ge [sflag:s0], $0x3E80  }
0x6d: {  	[sflag:s0] =	ssyncset.done $0x0  }
0x6e: {  	s28 =	sadd.s32 $0x500, s23;
	[sflag:s0] =	ssyncadd.s32 $0xFFFFC180  }
0x6f: {  	[tilespmem:s22], [sflag:$0x3] =	stream.indirect.gather [hbm4b:s4+s13], $0x40, s28, s13, $0xb8;
	[tilespmem:$0x1AB80] =	vst v63  }
0x70: {  	s28 =	sadd.s32 $0x580, s23  }
0x71: {  	[tilespmem:s25], [sflag:$0x3] =	stream.indirect.gather [hbm4b:s4+s13], $0x40, s28, s13, $0xb8;
	[tilespmem:$0x1AB80] =	vst v63  }
.Ltmp0:
0x72: {  	_ =	swait.ge [sflag:s26], $0x3E80;
	(pc) =	sbr.rel @p0 .LBB2_2-.Ltmp0, $4  }
0x73: {  	[sflag:s26] =	ssyncset.done $0x0  }
0x74: {  	s28 =	sadd.s32 $0x2B00, s23;
	[sflag:s26] =	ssyncadd.s32 $0xFFFFC180  }
0x75: {  	[spmem:s2] =	stream.indirect.scatter.add.f32 [tilespmem:s14], [sflag:$0x4], $0x40, s28, s13, $0xb8;
	[tilespmem:$0x1AB80] =	vst v63  }
0x76: {  	s23 =	sadd.s32 $0x2B80, s23  }
0x77: {  	[spmem:s2] =	stream.indirect.scatter.add.f32 [tilespmem:s16], [sflag:$0x4], $0x40, s23, s13, $0xb8;
	[tilespmem:$0x1AB80] =	vst v63  }
0x78: {  	_ =	swait.ge [sflag:s29], $0x3E80  }
0x79: {  	[sflag:s29] =	ssyncset.done $0x0  }
0x7a: {  	s21 =	simm.s32 $0x2700;
	[sflag:s29] =	ssyncadd.s32 $0xFFFFC180  }
0x7b: {  	[tilespmem:s14], [sflag:$0x1] =	stream.indirect.gather [hbm4b:s4+s13], $0x40, s21, s13, $0xb8;
	[tilespmem:$0x1AB80] =	vst v63  }
0x7c: {  	s28 =	simm.s32 $0x2780  }
0x7d: {  	[tilespmem:s16], [sflag:$0x1] =	stream.indirect.gather [hbm4b:s4+s13], $0x40, s28, s13, $0xb8;
	[tilespmem:$0x1AB80] =	vst v63  }
0x7e: {  	_ =	swait.ge [sflag:s30], $0x3E80  }
0x7f: {  	[sflag:s30] =	ssyncset.done $0x0  }
0x80: {  	s23 =	simm.s32 $0x4D00;
	[sflag:s30] =	ssyncadd.s32 $0xFFFFC180  }
0x81: {  	[spmem:s2] =	stream.indirect.scatter.add.f32 [tilespmem:s18], [sflag:$0x5], $0x40, s23, s13, $0xb8;
	[tilespmem:$0x1AB80] =	vst v63  }
0x82: {  	s28 =	simm.s32 $0x4D80  }
0x83: {  	[spmem:s2] =	stream.indirect.scatter.add.f32 [tilespmem:s20], [sflag:$0x5], $0x40, s28, s13, $0xb8;
	[tilespmem:$0x1AB80] =	vst v63  }
0x84: {  	_ =	swait.ge [sflag:s1], $0x3E80  }
0x85: {  	[sflag:s1] =	ssyncset.done $0x0  }
0x86: {  	s23 =	simm.s32 $0x4E00;
	[sflag:s1] =	ssyncadd.s32 $0xFFFFC180  }
0x87: {  	[spmem:s2] =	stream.indirect.scatter.add.f32 [tilespmem:s22], [sflag:$0x6], $0x40, s23, s13, $0xb8;
	[tilespmem:$0x1AB80] =	vst v63  }
0x88: {  	s28 =	simm.s32 $0x4E80  }
0x89: {  	[spmem:s2] =	stream.indirect.scatter.add.f32 [tilespmem:s25], [sflag:$0x6], $0x40, s28, s13, $0xb8;
	[tilespmem:$0x1AB80] =	vst v63  }
0x8a: {  	_ =	swait.ge [sflag:s26], $0x3E80  }
0x8b: {  	[sflag:s26] =	ssyncset.done $0x0  }
0x8c: {  	[sflag:s26] =	ssyncadd.s32 $0xFFFFC180  }
0x8d: {  	[spmem:s2] =	stream.indirect.scatter.add.f32 [tilespmem:s14], [sflag:$0x4], $0x40, s15, s13, $0xb8;
	[tilespmem:$0x1AB80] =	vst v63  }
0x8e: {  	_ = 	snop  }
0x8f: {  	[spmem:s2] =	stream.indirect.scatter.add.f32 [tilespmem:s16], [sflag:$0x4], $0x40, s17, s13, $0xb8;
	[tilespmem:$0x1AB80] =	vst v63  }
0x90: {  	_ =	swait.ge [sflag:s29], $0x3E80  }
0x91: {  	[sflag:s29] =	ssyncset.done $0x0  }
0x92: {  	[sflag:s29] =	ssyncadd.s32 $0xFFFFC180  }
0x93: {  	_ =	swait.ge [sflag:s31], $0x3E80  }
0x94: {  	[sflag:s31] =	ssyncset.done $0x0  }
0x95: {  	[sflag:s31] =	ssyncadd.s32 $0xFFFFC180  }
0x96: {  	_ =	swait.ge [sflag:s0], $0x3E80  }
0x97: {  	s19 =	sadd.s32 $0x1, s19;
	[sflag:s0] =	ssyncset.done $0x0  }
0x98: {  	p0 =	sne.s32 s19, s8;
	[sflag:s0] =	ssyncadd.s32 $0xFFFFC180  }
.Ltmp1:
0x99: {  	[bflag:$0x0] =	sbarrier.arrive $0xFFFF;
	(pc) =	sbr.rel @p0 .LBB2_1-.Ltmp1, $4  }
0x9a: {  	[hbm:s24], [sflag:s11] =	dma.local [spmem:s12], $0x1400  }
0x9b: {  	_ =	swait.ge [sflag:s9], $0x1400  }
0x9c: {  	[sflag:s9] =	ssyncset.done $0x0  }
0x9d: {  	[sflag:s9] =	ssyncadd.s32 $0xFFFFEC00  }
0x9e: {  	_ =	sfence.sel $0x180000  }
0x9f: {  	[bflag:$0x0] =	sbarrier.arrive $0xFFFF  }
0xa0: {  	_ =	strace $0x9000004D  }
0xa1: {  	s0 =	stileid.u32;
	[bflag:$0x2] =	sbarrier.arrive $0xFFFF  }
0xa2: {  	p0 =	sne.s32 s0, $0x0;
	s0 =	rddreg [dreg:$0x2]  }
0xa3: {  	s0 =	sadd.s32 @!p0 $0x100000, s0  }
0xa4: {  	[sflag:s0] =	ssyncadd.tile.s32 @!p0 $0x1;
	_ =	shalt  }
.Lfunc_end2:
_tile_overlayer_lowered:
.L_overlay_start_2:
0xa5: {  	(tag) =	ssettag $0x2  }
0xa6: {  	s0 =	rddreg [dreg:$0x0];
	s2 =	stileid.u32  }
0xa7: {  	s1 =	rddreg [dreg:$0x1];
	p0 =	sne.s32 s2, $0x0  }
0xa8: {  	s3 =	rddreg [dreg:$0x2];
	[bflag:$0x3] =	sbarrier.arrive $0xFFFF;
	s2 =	simm.s32 @!p0 $0x1C07  }
0xa9: {  	[timem:s3], [sflag:s2] =	dma.local @!p0 [hbm:s0], s1  }
0xaa: {  	s0 =	simm.s32 @!p0 $0x7  }
0xab: {  	_ =	swait.ge @!p0 [sflag:s0], s1  }
0xac: {  	s1 =	ssub.s32 @!p0 $0x0, s1;
	[sflag:s0] =	ssyncset.done @!p0 $0x0  }
0xad: {  	[sflag:s0] =	ssyncadd.s32 @!p0 s1  }
0xae: {  	[bflag:$0x3] =	sbarrier.arrive $0xFFFF  }
0xaf: {  	_ =	shalt  }

// kernel: kernel.8.cloned.1.call-start
scs
__scs_entry_jumppad:
0x0: {  	(pc) =	sbr.rel $0x88, $3  }
0x1: {  	(tag) =	ssettag $0x0;
	lr =	simm.s32 $0x1  }
0x2: {  	[smem:$0x3F99] =	sst lr;
	_ =	strace $0xD0000000  }
0x3: {  	_ = 	snop  }
0x4: {  	_ = 	snop  }
0x5: {  	_ = 	snop  }
0x6: {  	_ = 	snop  }
0x7: {  	_ = 	snop  }
__scs_overlays_trampoline_lowered:
0x8: {  	[smem:$0x3FA8] =	sst s0  }
0x9: {  	[smem:$0x3FA9] =	sst s1  }
0xa: {  	[smem:$0x3FAA] =	sst s2  }
0xb: {  	[smem:$0x3FAB] =	sst s3  }
0xc: {  	[smem:$0x3FAC] =	sst s4  }
0xd: {  	[smem:$0x3FAD] =	sst s5  }
0xe: {  	[smem:$0x3FAE] =	sst s6  }
0xf: {  	[smem:$0x3FAF] =	sst s7  }
0x10: {  	[smem:$0x3FB0] =	sst s8  }
0x11: {  	[smem:$0x3FB1] =	sst s9;
	s0 =	simm.s32 @!p0 $0x0  }
0x12: {  	s1 =	sld [smem:$0x3F97];
	s0 =	simm.s32 @p0 $0x1  }
0x13: {  	[smem:$0x3FB2] =	sst s0;
	s0 =	simm.s32 @!p1 $0x0  }
0x14: {  	s2 =	sld [smem:$0x3F96];
	s0 =	simm.s32 @p1 $0x1  }
0x15: {  	[smem:$0x3FB3] =	sst s0;
	s0 =	simm.s32 @!p2 $0x0  }
0x16: {  	s3 =	sld [smem:$0x3FDB];
	s0 =	simm.s32 @p2 $0x1  }
0x17: {  	s4 =	simm.s32 $0x1BF5;
	[smem:$0x3FB5] =	sst s0  }
0x18: {  	s0 =	sld [smem:$0x3F98];
	_ =	swait.ge [sflag:s4], $0x0  }
0x19: {  	s7 =	sld [smem:$0x3F99]  }
0x1a: {  	s8 =	sadd.s32 $0xFFFFE003, lr  }
0x1b: {  	s9 =	sadd.s32 $0xFFFFFEF7, lr;
	s5 =	simm.s32 $0xFFFFFFFF;
	p2 =	slt.u32 s8, $0xFFFFF086  }
0x1c: {  	p1 =	slt.u32 s9, $0xF7A;
	s5 =	simm.s32 @!p2 $0x0  }
0x1d: {  	s5 =	simm.s32 @p1 $0x1;
	p0 =	seq.s32 s7, s2  }
0x1e: {  	s7 =	smul.u32 @!p0 $0xF7A, s2;
	p2 =	seq.s32 @!p0 s5, $0x0  }
0x1f: {  	s9 =	smul.u32 $0xF7A, s1;
	s8 =	simm.s32 @!p0 $0x1BF5;
	p2 =	por !p2, p0  }
0x20: {  	[sflag:s8] =	ssyncset.s32 @!p0 $0xFFFFF086;
	s6 =	sadd.s32 @!p0 s3, s7;
	s7 =	simm.s32 @!p0 $0x108  }
0x21: {  	s3 =	sadd.s32 s3, s9;
	s6 =	sadd.s32 @!p0 $0x88, s6;
	s7 =	simm.s32 @p2 $0x1082  }
0x22: {  	[simem:s7], [sflag:s8] =	dma.local @!p0 [hbm:s6], $0xF7A  }
0x23: {  	s9 =	sor.u32 $0xD0000000, s2;
	s6 =	simm.s32 $0x108;
	_ =	swait.ge @!p0 [sflag:s8], $0x0  }
0x24: {  	s3 =	sadd.s32 $0x88, s3;
	s6 =	simm.s32 @!p1 $0x1082;
	[sflag:s4] =	ssyncset.s32 $0xFFFFF086  }
0x25: {  	[simem:s6], [sflag:s4] =	dma.local [hbm:s3], $0xF7A  }
0x26: {  	[smem:$0x3F99] =	sst s1;
	(tag) =	ssettag s2;
	_ =	strace s9  }
0x27: {  	s1 =	sld [smem:$0x3FA9]  }
0x28: {  	s2 =	sld [smem:$0x3FAA]  }
0x29: {  	s4 =	sld [smem:$0x3FAC]  }
0x2a: {  	p0 =	seq.s32 s5, $0x0;
	s5 =	sld [smem:$0x3FAD]  }
0x2b: {  	s6 =	sld [smem:$0x3FAE]  }
0x2c: {  	s7 =	sld [smem:$0x3FAF]  }
0x2d: {  	s3 =	simm.s32 $0x108;
	s8 =	sld [smem:$0x3FB0]  }
0x2e: {  	s3 =	simm.s32 @!p0 $0x1082;
	s9 =	sld [smem:$0x3FB1]  }
0x2f: {  	lr =	sadd.s32 s0, s3;
	s0 =	sld [smem:$0x3FA8]  }
0x30: {  	s3 =	sld [smem:$0x3FAB]  }
0x31: {  	[smem:$0x3FB4] =	sst s10  }
0x32: {  	s10 =	sld [smem:$0x3FB2];
	_ =	sdelay $0x3  }
0x33: {  	p0 =	seq.s32 s10, $0x1;
	s10 =	sld [smem:$0x3FB4];
	_ =	sdelay $0x3  }
0x34: {  	[smem:$0x3FB4] =	sst s10  }
0x35: {  	s10 =	sld [smem:$0x3FB3];
	_ =	sdelay $0x3  }
0x36: {  	p1 =	seq.s32 s10, $0x1;
	s10 =	sld [smem:$0x3FB4];
	_ =	sdelay $0x3  }
0x37: {  	[smem:$0x3FB4] =	sst s10  }
0x38: {  	s10 =	sld [smem:$0x3FB5]  }
0x39: {  	_ = 	snop;
	(pc) =	sbr.ind lr, $3  }
0x3a: {  	_ = 	snop  }
0x3b: {  	_ = 	snop  }
0x3c: {  	p2 =	seq.s32 s10, $0x1;
	s10 =	sld [smem:$0x3FB4]  }
0x3d: {  	_ =	shalt  }
0x3e: {  	_ =	shalt  }
0x3f: {  	_ =	shalt  }
0x40: {  	_ =	shalt  }
0x41: {  	_ =	shalt  }
0x42: {  	_ =	shalt  }
0x43: {  	_ =	shalt  }
0x44: {  	_ =	shalt  }
0x45: {  	_ =	shalt  }
0x46: {  	_ =	shalt  }
0x47: {  	_ =	shalt  }
0x48: {  	_ =	shalt  }
0x49: {  	_ =	shalt  }
0x4a: {  	_ =	shalt  }
0x4b: {  	_ =	shalt  }
0x4c: {  	_ =	shalt  }
0x4d: {  	_ =	shalt  }
0x4e: {  	_ =	shalt  }
0x4f: {  	_ =	shalt  }
0x50: {  	_ =	shalt  }
0x51: {  	_ =	shalt  }
0x52: {  	_ =	shalt  }
0x53: {  	_ =	shalt  }
0x54: {  	_ =	shalt  }
0x55: {  	_ =	shalt  }
0x56: {  	_ =	shalt  }
0x57: {  	_ =	shalt  }
0x58: {  	_ =	shalt  }
0x59: {  	_ =	shalt  }
0x5a: {  	_ =	shalt  }
0x5b: {  	_ =	shalt  }
0x5c: {  	_ =	shalt  }
0x5d: {  	_ =	shalt  }
0x5e: {  	_ =	shalt  }
0x5f: {  	_ =	shalt  }
0x60: {  	_ =	shalt  }
0x61: {  	_ =	shalt  }
0x62: {  	_ =	shalt  }
0x63: {  	_ =	shalt  }
0x64: {  	_ =	shalt  }
0x65: {  	_ =	shalt  }
0x66: {  	_ =	shalt  }
0x67: {  	_ =	shalt  }
0x68: {  	_ =	shalt  }
0x69: {  	_ =	shalt  }
0x6a: {  	_ =	shalt  }
0x6b: {  	_ =	shalt  }
0x6c: {  	_ =	shalt  }
0x6d: {  	_ =	shalt  }
0x6e: {  	_ =	shalt  }
0x6f: {  	_ =	shalt  }
0x70: {  	_ =	shalt  }
0x71: {  	_ =	shalt  }
0x72: {  	_ =	shalt  }
0x73: {  	_ =	shalt  }
0x74: {  	_ =	shalt  }
0x75: {  	_ =	shalt  }
0x76: {  	_ =	shalt  }
0x77: {  	_ =	shalt  }
0x78: {  	_ =	shalt  }
0x79: {  	_ =	shalt  }
0x7a: {  	_ =	shalt  }
0x7b: {  	_ =	shalt  }
0x7c: {  	_ =	shalt  }
0x7d: {  	_ =	shalt  }
0x7e: {  	_ =	shalt  }
0x7f: {  	_ =	shalt  }
0x80: {  	_ =	shalt  }
0x81: {  	_ =	shalt  }
0x82: {  	_ =	shalt  }
0x83: {  	_ =	shalt  }
0x84: {  	_ =	shalt  }
0x85: {  	_ =	shalt  }
0x86: {  	_ =	shalt  }
0x87: {  	_ =	shalt  }
.Lfunc_end0:
.L_simem_size_0:
called_computation_lowered:
.L_overlay_start_0:
0x88: {  	s2 =	sld [smem:$0x3FD9]  }
0x89: {  	s3 =	sld [smem:$0x3FFE];
	_ =	sdelay $0x1  }
0x8a: {  	s1 =	srdreg.scid  }
0x8b: {  	s0 =	sand.u32 $0x1, s1  }
0x8c: {  	s17 =	sshll.u32 s0, $0xA;
	s2 =	sadd.s32 s3, s2  }
0x8d: {  	s2 =	sadd.s32 s2, s17  }
0x8e: {  	[smem:$0x3FC0] =	sst s2  }
0x8f: {  	_ = 	snop  }
0x90: {  	s2 =	sld [smem:$0x3FD0];
	(tm) =	ssettm $0x1  }
0x91: {  	s18 =	sld [smem:$0x3FFB];
	_ =	sdelay $0x3  }
0x92: {  	_ =	strace s18  }
0x93: {  	s3 =	sld [smem:$0x3FFC];
	_ =	sdelay $0x3  }
0x94: {  	_ =	strace s3  }
0x95: {  	s3 =	sld [smem:$0x3FFD];
	_ =	sdelay $0x3  }
0x96: {  	_ =	strace s3  }
0x97: {  	_ =	strace $0x8FFFFFFF  }
0x98: {  	s19 =	sld [smem:$0x3FDB];
	_ =	sdelay $0x1  }
0x99: {  	s4 =	simm.s32 $_scs_section_size  }
0x9a: {  	s5 =	simm.s32 $_size__tile_overlayer_lowered;
	s6 =	simm.s32 $_tile_overlayer_lowered  }
0x9b: {  	s22 =	simm.s32 $0x1BFF;
	s21 =	sshll.u32 s6, $0x1;
	s3 =	sadd.s32 s4, s19  }
0x9c: {  	s7 =	simm.s32 $0x0;
	s20 =	sshll.u32 s5, $0x1;
	s5 =	sadd.s32 s21, s3  }
0x9d: {  	[timem:s7], [sflag:s22] =	dma.local [hbm:s5], s20  }
0x9e: {  	_ =	swait.ge [sflag:s22], s20  }
0x9f: {  	s4 =	ssub.s32 $0x0, s20;
	[sflag:s22] =	ssyncset.done $0x0  }
0xa0: {  	[sflag:s22] =	ssyncadd.s32 s4;
	_ =	sdelay $0x1  }
0xa1: {  	s23 =	simm.s32 $0x1B8B  }
0xa2: {  	_ =	swait.ge [sflag:s23], $0x1  }
0xa3: {  	[sflag:s23] =	ssyncset.done $0x0  }
0xa4: {  	s25 =	simm.s32 $0x1B8E;
	s24 =	sld [smem:$0x3FFE];
	[sflag:s23] =	ssyncadd.s32 $0xFFFFFFFF  }
0xa5: {  	s26 =	simm.s32 $execute0_lowered;
	[smem:$0x3FD2] =	sst s25  }
0xa6: {  	s5 =	sshll.u32 s26, $0x1;
	_ =	strace $0x80000046;
	[dreg:$0x1] =	wrdreg $0xFFFFFFFF  }
0xa7: {  	s28 =	simm.s32 $_size_execute0_lowered;
	s3 =	sadd.s32 s3, s5;
	[dreg:$0x0] =	wrdreg $0x0  }
0xa8: {  	s5 =	sshll.u32 s28, $0x1;
	[dreg:$0x2] =	wrdreg s3  }
0xa9: {  	[dreg:$0x3] =	wrdreg s5  }
0xaa: {  	[dreg:$0x4] =	wrdreg $0xC0  }
0xab: {  	_ =	task [dreg:s7], $0x5FFFF  }
0xac: {  	[dreg:$0x1] =	wrdreg $0xFFFFFFFF  }
0xad: {  	[dreg:$0x0] =	wrdreg $0x60  }
0xae: {  	[dreg:$0x2] =	wrdreg s24  }
0xaf: {  	[dreg:$0x3] =	wrdreg s2  }
0xb0: {  	[dreg:$0x4] =	wrdreg $0x28800  }
0xb1: {  	[dreg:$0x5] =	wrdreg $0x9  }
0xb2: {  	_ =	task.clear_ibuf [dreg:s7], $0x6FFFF;
	_ =	strace $0x90000046  }
0xb3: {  	s29 =	simm.s32 $0x9;
	_ =	strace $0x80000048  }
0xb4: {  	_ =	swait.ge [sflag:s29], $0x1  }
0xb5: {  	[sflag:s29] =	ssyncadd.s32 $0xFFFFFFFF  }
0xb6: {  	_ =	strace $0x90000048  }
0xb7: {  	_ =	sfence  }
0xb8: {  	s30 =	sld [smem:$0x0];
	_ =	sdelay $0x2  }
0xb9: {  	s31 =	sshll.u32 s1, $0xD;
	s1 =	sshrl.u32 s1, $0x2  }
0xba: {  	s3 =	sand.u32 $0x4000, s31;
	s1 =	sadd.s32 s1, s30  }
0xbb: {  	s0 =	sor.u32 s3, s0;
	s1 =	sshll.u32 s1, $0x11  }
0xbc: {  	s0 =	sor.u32 s1, s0  }
0xbd: {  	s0 =	sadd.s32 $0x8F2B, s0  }
0xbe: {  	[sflag:s0] =	ssyncadd.remote.s32 $0x1  }
0xbf: {  	_ =	sfence.sel $0xFFFF  }
0xc0: {  	[dreg:$0x0] =	wrdreg $0xFFFFFFFF;
	(pc) =	sbr.abs _section_cstart, $3  }
0xc1: {  	[dreg:$0x1] =	wrdreg $0xFFFFFFFF  }
0xc2: {  	_ =	task.clear_ibuf [dreg:s7], $0x2FFFF;
	_ =	strace $0x9FFFFFFF  }
0xc3: {  	(tm) =	ssettm $0x7FFFFFFF  }
tec
execute0_lowered:
.L_overlay_start_1:
0x0: {  	(tag) =	ssettag $0x1  }
0x1: {  	s6 =	rddreg [dreg:$0x0]  }
0x2: {  	s0 =	srdreg.scid;
	s2 =	rddreg [dreg:$0x1]  }
0x3: {  	s3 =	rddreg [dreg:$0x2];
	s1 =	stileid.u32  }
0x4: {  	s4 =	simm.s32 $0x0;
	s5 =	sand.u32 $0x1, s0;
	s0 =	rddreg [dreg:$0x3]  }
0x5: {  	s12 =	simm.s32 $0x7D;
	s13 =	simm.s32 $0x1;
	[smem:$0x7FF] =	sst s4  }
0x6: {  	s10 =	smul.u32 $0x280, s1;
	s31 =	sshll.u32 s1, $0x6;
	s7 =	sshll.u32 s5, $0x4  }
0x7: {  	_ =	strace $0x80000047;
	s8 =	smul.u32 $0x500, s5;
	s9 =	ssub.s32 $0x2, s5  }
0x8: {  	s5 =	sadd.s32 $0xBE00, s6;
	s7 =	sor.u32 s1, s7;
	s30 =	sshrl.u32 s9, $0x1  }
0x9: {  	s11 =	sadd.s32 s10, s3;
	s15 =	sshrl.u32 s10, $0x3;
	s7 =	smul.u32 $0x500, s7  }
0xa: {  	s8 =	sadd.s32 s8, s6;
	s9 =	ssub.s32 s9, s30;
	s10 =	sshrl.u32 s11, $0x3  }
0xb: {  	s11 =	simm.s32 $0x2800;
	s14 =	sadd.s32 $0xC000, s8;
	s8 =	simm.s32 $0x2  }
0xc: {  	s7 =	sadd.s32 s7, s6;
	s14 =	sadd.s32 s15, s14;
	s15 =	simm.s32 $0x0  }
0xd: {  	s6 =	sadd.s32 $0x1E00, s7;
	s7 =	smax.u32 s9, $0x1;
	s9 =	sor.u32 $0x1C02, s31  }
.LBB2_1:
0xe: {  	[tilespmem:s4], [sflag:$0x2] =	stream.linear.gather [hbm4b:s6+s4], $0x2800, $0x38;
	[tilespmem:$0x2B00] =	vst v63  }
0xf: {  	_ =	swait.ge [sflag:s8], $0x2800  }
0x10: {  	[sflag:s8] =	ssyncset.done $0x0  }
0x11: {  	[sflag:s8] =	ssyncadd.s32 $0xFFFFD800  }
0x12: {  	[spmem:s10], [sflag:s9] =	dma.local [hbm:s5], $0x50  }
0x13: {  	_ =	swait.ge [sflag:s8], $0x50  }
0x14: {  	[sflag:s8] =	ssyncset.done $0x0  }
0x15: {  	[sflag:s8] =	ssyncadd.s32 $0xFFFFFFB0  }
0x16: {  	[tilespmem:s11], [sflag:$0x2] =	stream.linear.gather [hbm4b:s2+s4], $0x80, $0x38;
	[tilespmem:$0x2B00] =	vst v63  }
0x17: {  	_ =	swait.ge [sflag:s8], $0x80  }
0x18: {  	[sflag:s8] =	ssyncset.done $0x0  }
0x19: {  	[sflag:s8] =	ssyncadd.s32 $0xFFFFFF80  }
0x1a: {  	s16 =	simm.s32 $0x0;
	[bflag:$0x0] =	sbarrier.arrive $0xFFFF  }
.LBB2_2:
0x1b: {  	p0 =	sne.s32 s16, $0x9E00  }
.Ltmp0:
0x1c: {  	_ = 	snop;
	(pc) =	sbr.rel @p0 .LBB2_2-.Ltmp0, $3  }
0x1d: {  	_ =	sdelay $0x1  }
0x1e: {  	s17 =	sshra.s32 s16, $0x2;
	s16 =	sadd.s32 $0x200, s16  }
0x1f: {  	[spmem:s3] =	stream.indirect.scatter.add.f32 [tilespmem:s11], [sflag:$0x1], $0x1, s17, s12, $0xb8;
	[tilespmem:$0x2B00] =	vst v63  }
0x20: {  	_ =	swait.ge [sflag:s13], $0x7D  }
0x21: {  	s16 =	simm.s32 $0x4F;
	[sflag:s13] =	ssyncset.done $0x0  }
.LBB2_4:
0x22: {  	p0 =	sne.s32 s16, $0x1;
	s16 =	sadd.s32 $0xFFFFFFFF, s16;
	[sflag:s13] =	ssyncadd.s32 $0xFFFFFF83  }
.Ltmp1:
0x23: {  	(pc) =	sbr.rel @p0 .LBB2_4-.Ltmp1, $3  }
0x24: {  	_ =	sdelay $0x1  }
0x25: {  	_ =	swait.ge [sflag:s13], $0x7D  }
0x26: {  	[sflag:s13] =	ssyncset.done $0x0  }
0x27: {  	s15 =	sadd.s32 $0x1, s15  }
0x28: {  	[sflag:s13] =	ssyncadd.s32 $0xFFFFFF83;
	p0 =	sne.s32 s15, s7  }
.Ltmp2:
0x29: {  	[bflag:$0x0] =	sbarrier.arrive $0xFFFF;
	(pc) =	sbr.rel @p0 .LBB2_1-.Ltmp2, $4  }
0x2a: {  	[hbm:s14], [sflag:s9] =	dma.local [spmem:s10], $0x50  }
0x2b: {  	_ =	swait.ge [sflag:s8], $0x50  }
0x2c: {  	[sflag:s8] =	ssyncset.done $0x0  }
0x2d: {  	[sflag:s8] =	ssyncadd.s32 $0xFFFFFFB0  }
0x2e: {  	_ =	sfence.sel $0x180000  }
0x2f: {  	[bflag:$0x0] =	sbarrier.arrive $0xFFFF  }
0x30: {  	p0 =	sne.s32 s1, $0x0;
	_ =	strace $0x90000047  }
0x31: {  	s0 =	sadd.s32 @!p0 $0x100000, s0;
	[bflag:$0x2] =	sbarrier.arrive $0xFFFF  }
0x32: {  	[sflag:s0] =	ssyncadd.tile.s32 @!p0 $0x1;
	_ =	shalt  }
.Lfunc_end2:
_tile_overlayer_lowered:
.L_overlay_start_2:
0x33: {  	(tag) =	ssettag $0x2  }
0x34: {  	s0 =	rddreg [dreg:$0x0];
	s2 =	stileid.u32  }
0x35: {  	s1 =	rddreg [dreg:$0x1];
	p0 =	sne.s32 s2, $0x0  }
0x36: {  	s3 =	rddreg [dreg:$0x2];
	[bflag:$0x3] =	sbarrier.arrive $0xFFFF;
	s2 =	simm.s32 @!p0 $0x1C02  }
0x37: {  	[timem:s3], [sflag:s2] =	dma.local @!p0 [hbm:s0], s1  }
0x38: {  	s0 =	simm.s32 @!p0 $0x2  }
0x39: {  	_ =	swait.ge @!p0 [sflag:s0], s1  }
0x3a: {  	s1 =	ssub.s32 @!p0 $0x0, s1;
	[sflag:s0] =	ssyncset.done @!p0 $0x0  }
0x3b: {  	[sflag:s0] =	ssyncadd.s32 @!p0 s1  }
0x3c: {  	[bflag:$0x3] =	sbarrier.arrive $0xFFFF  }
0x3d: {  	_ =	shalt  }

</sc_bundles>
